<compile_context>
chip_gen: v7x
topology: tpu7x:2x2x1
jax: 0.10.2.dev20260603
libtpu: 0.0.44.dev20260713+nightly
codegen_flags: <defaults>
</compile_context>

<pallas_src>
import functools

import jax
import jax.numpy as jnp
from jax import lax
from jax.experimental import pallas as pl
from jax.experimental.pallas import tpu as pltpu
from jax.experimental.pallas import tpu_sc as plsc

B = 1024
N_FEAT_ROWS = 10000
K = 32
D = 512
JC = 33
JG = 40
NC = 2
NS = 16
NW = NC * NS
L = 16
NBUF = 4

BSC = B
BPW = BSC // NW
JP = 72
NP = BPW // 2


def _weights_body(nb_ref, nd_ref, w_ref):
    nb = nb_ref[...]
    nd = nd_ref[...]
    self_match = (nb == nd).astype(jnp.float32)
    cnt = self_match
    for k in range(K):
        cnt = cnt + (nb == nb[:, k:k + 1]).astype(jnp.float32)
    inv_nb = 1.0 / cnt
    cnt_self = 1.0 + jnp.sum(self_match, axis=1, keepdims=True)
    inv_self = 1.0 / cnt_self
    c = jnp.sum(inv_nb, axis=1, keepdims=True) + inv_self
    w_ref[...] = jnp.concatenate([inv_nb / c, inv_self / c], axis=1)


_weights = pl.pallas_call(
    _weights_body,
    out_shape=jax.ShapeDtypeStruct((B, JC), jnp.float32),
)


@functools.partial(
    pl.kernel,
    out_type=jax.ShapeDtypeStruct((BSC, D), jnp.float32),
    mesh=plsc.VectorSubcoreMesh(core_axis_name="c", subcore_axis_name="s"),
    scratch_types=[
        pltpu.VMEM((BPW * JG,), jnp.int32),
        pltpu.VMEM((BPW * JC * L,), jnp.float32),
        pltpu.VMEM((NBUF, JG, D), jnp.float32),
        pltpu.VMEM((BPW, D), jnp.float32),
        pltpu.SemaphoreType.DMA,
        pltpu.SemaphoreType.DMA,
        pltpu.SemaphoreType.DMA,
        pltpu.SemaphoreType.DMA,
    ],
)
def _sc_aggregate(feat_hbm, ids_hbm, w_hbm, out_hbm,
                  ids_v, w_v, rows_v, obuf_v, sem0, sem1, sem2, sem3):
    sems = [sem0, sem1, sem2, sem3]
    wid = lax.axis_index("s") * NC + lax.axis_index("c")
    base = wid * BPW
    pltpu.sync_copy(ids_hbm.at[pl.ds(base * JG, BPW * JG)], ids_v)
    pltpu.sync_copy(w_hbm.at[pl.ds(base * JC * L, BPW * JC * L)], w_v)

    def gather(r, buf):
        pltpu.async_copy(
            feat_hbm.at[ids_v.at[pl.ds(r * JG, JG)]],
            rows_v.at[buf], sems[buf])

    def gather_wait(buf):
        pltpu.make_async_copy(
            feat_hbm.at[ids_v.at[pl.ds(0, JG)]], rows_v.at[buf], sems[buf]
        ).wait()

    def compute(r, buf):
        wvs = [w_v[pl.ds((r * JC + j) * L, L)] for j in range(JC)]

        def cc_body(cc, c3):
            off = cc * L
            acc0 = wvs[0] * rows_v[buf, 0, pl.ds(off, L)]
            acc1 = wvs[1] * rows_v[buf, 1, pl.ds(off, L)]
            for j in range(2, JC, 2):
                acc0 = acc0 + wvs[j] * rows_v[buf, j, pl.ds(off, L)]
            for j in range(3, JC, 2):
                acc1 = acc1 + wvs[j] * rows_v[buf, j, pl.ds(off, L)]
            obuf_v[r, pl.ds(off, L)] = acc0 + acc1
            return c3

        lax.fori_loop(0, D // L, cc_body, 0)

    for b in range(NBUF - 1):
        gather(b, b)

    def group_body(q, carry):
        for b in range(NBUF):
            r = NBUF * q + b

            @pl.when(r < BPW - (NBUF - 1))
            def _():
                gather(r + NBUF - 1, (b + NBUF - 1) % NBUF)

            gather_wait(b)
            compute(r, b)
        return carry

    lax.fori_loop(0, BPW // NBUF, group_body, 0)
    pltpu.sync_copy(obuf_v, out_hbm.at[pl.ds(base, BPW)])


def kernel(raw_features, nodes, neighbors):
    nb = neighbors.astype(jnp.int32)
    nd = nodes.astype(jnp.int32).reshape(B, 1)
    w = _weights(nb, nd)
    ids33 = jnp.concatenate([nb, nd], axis=1)

    npad = JG - JC
    pads = (jnp.arange(BSC, dtype=jnp.int32)[:, None] * npad
            + jnp.arange(npad, dtype=jnp.int32)[None, :]) % N_FEAT_ROWS
    ids_sc = jnp.concatenate([ids33, pads], axis=1).reshape(BSC * JG)
    w_sc = jnp.broadcast_to(
        w[:, :, None], (BSC, JC, L)).reshape(BSC * JC * L)

    return _sc_aggregate(raw_features, ids_sc, w_sc)

# --- scband reference (transcript-rebuilt; emitter-appended) ---
"""Pipeline reference for scband-mean-aggregator-32925219291233 (READ-ONLY COPY).

The authoritative reference and input builder live on the scoring server;
editing this copy changes nothing except your own understanding.
"""

import jax, jax.numpy as jnp
import numpy as np

N_NODES = 10000
D_FEAT = 512
BATCH = 1024
K = 32

def setup_inputs(seed: int = 0) -> dict:
    key = jax.random.key(seed)
    k1, k2, k3 = jax.random.split(key, 3)
    raw_features = jax.random.normal(k1, (N_NODES, D_FEAT), dtype=jnp.float32)
    nodes = jax.random.randint(k2, (BATCH,), 0, N_NODES, dtype=jnp.int64)
    neighbors = jax.random.randint(k3, (BATCH, K), 0, N_NODES, dtype=jnp.int64)
    return {"raw_features": raw_features, "nodes": nodes, "neighbors": neighbors}

def reference(raw_features, nodes, neighbors):
    # Faithful translation of MeanAggregator.forward:
    # samp_neighs = to_neighs[i] union {nodes[i]}  (self-loop added)
    # mask[row, col] = 1 for every (batch row, neighbor node id); the original
    # remaps columns to a compacted unique-node index, which is mathematically
    # identical to indexing columns by raw node id when features(raw, idx) is a
    # row lookup (extra all-zero columns contribute nothing to the matmul).
    B = nodes.shape[0]
    N = raw_features.shape[0]
    Kn = neighbors.shape[1]
    mask = jnp.zeros((B, N), dtype=jnp.float32)
    rows = jnp.repeat(jnp.arange(B), Kn)
    cols = neighbors.reshape(-1)
    # set (not add), matching mask[row_indices, column_indices] = 1 with set semantics
    mask = mask.at[rows, cols].set(1.0)
    # add self-loops: samp_neigh + set([nodes[i]])
    mask = mask.at[jnp.arange(B), nodes].set(1.0)
    num_neigh = jnp.sum(mask, axis=1, keepdims=True)
    mask = mask / num_neigh
    # embed_matrix = features lookup over the node universe (identity lookup)
    embed_matrix = raw_features
    to_feats = mask @ embed_matrix
    return to_feats

if __name__ == "__main__":
    import jax
    _d = setup_inputs()
    print(jax.jit(kernel)(*tuple(_d.values())))

</pallas_src>

<mosaic_0001>
#map = affine_map<(d0, d1) -> (0, 0)>
#map1 = affine_map<(d0, d1) -> (0)>
module attributes {stable_mosaic.version = 14 : i64} {
  func.func @_sc_aggregate(%arg0: i32, %arg1: i32, %arg2: memref<10000x512xf32, #tpu.memory_space<hbm>>, %arg3: memref<40960xi32, #tpu.memory_space<hbm>>, %arg4: memref<540672xf32, #tpu.memory_space<hbm>>, %arg5: memref<1024x512xf32, #tpu.memory_space<hbm>>, %arg6: memref<1280xi32, #tpu.memory_space<vmem>>, %arg7: memref<16896xf32, #tpu.memory_space<vmem>>, %arg8: memref<4x40x512xf32, #tpu.memory_space<vmem>>, %arg9: memref<32x512xf32, #tpu.memory_space<vmem>>, %arg10: memref<!tpu.dma_semaphore, #tpu.memory_space<semaphore_mem>>, %arg11: memref<!tpu.dma_semaphore, #tpu.memory_space<semaphore_mem>>, %arg12: memref<!tpu.dma_semaphore, #tpu.memory_space<semaphore_mem>>, %arg13: memref<!tpu.dma_semaphore, #tpu.memory_space<semaphore_mem>>) attributes {dimension_semantics = [#tpu.dimension_semantics<core_parallel>, #tpu.dimension_semantics<subcore_parallel>], iteration_bounds = array<i64: 2, 16>, scalar_prefetch = 0 : i64, scratch_operands = 8 : i64, tpu.core_type = #tpu.core_type<sc_vector_subcore>, window_params = [{transform_indices = #map}, {transform_indices = #map1}, {transform_indices = #map1}, {transform_indices = #map}]} {
    %mul3A = arith.constant 2 : i32
    %mul3A_0 = arith.muli %arg1, %mul3A : i32
    %add3A = arith.addi %mul3A_0, %arg0 : i32
    %mul3A_1 = arith.constant 32 : i32
    %mul3A_2 = arith.muli %add3A, %mul3A_1 : i32
    %mul3A_3 = arith.constant 40 : i32
    %mul3A_4 = arith.muli %mul3A_2, %mul3A_3 : i32
    "tpu.region"() ({
      %run_scoped3A = tpu.sem_alloc : memref<!tpu.dma_semaphore, #tpu.memory_space<semaphore_mem>>
      %dma_start3A_43 = tpu.memref_slice %arg3[%mul3A_4] : memref<40960xi32, #tpu.memory_space<hbm>> -> memref<1280xi32, #tpu.memory_space<hbm>>
      %dma_start3A_44 = tpu.memref_slice %arg3[%mul3A_4] : memref<40960xi32, #tpu.memory_space<hbm>> -> memref<1280xi32, #tpu.memory_space<hbm>>
      tpu.enqueue_dma source(%dma_start3A_44 : memref<1280xi32, #tpu.memory_space<hbm>>) target(%arg6 : memref<1280xi32, #tpu.memory_space<vmem>>) target_semaphore(%run_scoped3A : memref<!tpu.dma_semaphore, #tpu.memory_space<semaphore_mem>>)
      %dma_wait3A = tpu.memref_slice %arg3[%mul3A_4] : memref<40960xi32, #tpu.memory_space<hbm>> -> memref<1280xi32, #tpu.memory_space<hbm>>
      %dma_wait3A_45 = tpu.memref_slice %arg3[%mul3A_4] : memref<40960xi32, #tpu.memory_space<hbm>> -> memref<1280xi32, #tpu.memory_space<hbm>>
      tpu.wait_dma2 semaphore(%run_scoped3A : memref<!tpu.dma_semaphore, #tpu.memory_space<semaphore_mem>>) src(%dma_wait3A_45 : memref<1280xi32, #tpu.memory_space<hbm>>) dst(%arg6 : memref<1280xi32, #tpu.memory_space<vmem>>)
      tpu.yield
    }) : () -> ()
    %mul3A_5 = arith.constant 33 : i32
    %mul3A_6 = arith.muli %mul3A_2, %mul3A_5 : i32
    %mul3A_7 = arith.constant 16 : i32
    %mul3A_8 = arith.muli %mul3A_6, %mul3A_7 : i32
    "tpu.region"() ({
      %run_scoped3A = tpu.sem_alloc : memref<!tpu.dma_semaphore, #tpu.memory_space<semaphore_mem>>
      %dma_start3A_43 = tpu.memref_slice %arg4[%mul3A_8] : memref<540672xf32, #tpu.memory_space<hbm>> -> memref<16896xf32, #tpu.memory_space<hbm>>
      %dma_start3A_44 = tpu.memref_slice %arg4[%mul3A_8] : memref<540672xf32, #tpu.memory_space<hbm>> -> memref<16896xf32, #tpu.memory_space<hbm>>
      tpu.enqueue_dma source(%dma_start3A_44 : memref<16896xf32, #tpu.memory_space<hbm>>) target(%arg7 : memref<16896xf32, #tpu.memory_space<vmem>>) target_semaphore(%run_scoped3A : memref<!tpu.dma_semaphore, #tpu.memory_space<semaphore_mem>>)
      %dma_wait3A = tpu.memref_slice %arg4[%mul3A_8] : memref<540672xf32, #tpu.memory_space<hbm>> -> memref<16896xf32, #tpu.memory_space<hbm>>
      %dma_wait3A_45 = tpu.memref_slice %arg4[%mul3A_8] : memref<540672xf32, #tpu.memory_space<hbm>> -> memref<16896xf32, #tpu.memory_space<hbm>>
      tpu.wait_dma2 semaphore(%run_scoped3A : memref<!tpu.dma_semaphore, #tpu.memory_space<semaphore_mem>>) src(%dma_wait3A_45 : memref<16896xf32, #tpu.memory_space<hbm>>) dst(%arg7 : memref<16896xf32, #tpu.memory_space<vmem>>)
      tpu.yield
    }) : () -> ()
    %dma_start3A = arith.constant 0 : i32
    %dma_start3A_9 = arith.constant 0 : i32
    %dma_start3A_10 = arith.constant 0 : i32
    %dma_start3A_11 = tpu.memref_slice %arg8[%dma_start3A, %dma_start3A_9, %dma_start3A_10] : memref<4x40x512xf32, #tpu.memory_space<vmem>> -> memref<1x40x512xf32, #tpu.memory_space<vmem>>
    %dma_start3A_12 = tpu.memref_squeeze %dma_start3A_11 : memref<1x40x512xf32, #tpu.memory_space<vmem>> -> memref<40x512xf32, #tpu.memory_space<vmem>>
    %dma_start3A_13 = arith.constant 0 : i32
    %dma_start3A_14 = tpu.memref_slice %arg6[%dma_start3A_13] : memref<1280xi32, #tpu.memory_space<vmem>> -> memref<40xi32, #tpu.memory_space<vmem>>
    %dma_start3A_15 = arith.constant 0 : i32
    %dma_start3A_16 = arith.constant 0 : i32
    %dma_start3A_17 = tpu.memref_slice %arg2[%dma_start3A_15, %dma_start3A_16] : memref<10000x512xf32, #tpu.memory_space<hbm>> -> memref<10000x512xf32, #tpu.memory_space<hbm>>
    tpu.enqueue_indirect_dma source(%dma_start3A_17 : memref<10000x512xf32, #tpu.memory_space<hbm>>) target(%dma_start3A_12 : memref<40x512xf32, #tpu.memory_space<vmem>>) offsets(%dma_start3A_14 : memref<40xi32, #tpu.memory_space<vmem>>) semaphore(%arg10 : memref<!tpu.dma_semaphore, #tpu.memory_space<semaphore_mem>>)
    %dma_start3A_18 = arith.constant 1 : i32
    %dma_start3A_19 = arith.constant 0 : i32
    %dma_start3A_20 = arith.constant 0 : i32
    %dma_start3A_21 = tpu.memref_slice %arg8[%dma_start3A_18, %dma_start3A_19, %dma_start3A_20] : memref<4x40x512xf32, #tpu.memory_space<vmem>> -> memref<1x40x512xf32, #tpu.memory_space<vmem>>
    %dma_start3A_22 = tpu.memref_squeeze %dma_start3A_21 : memref<1x40x512xf32, #tpu.memory_space<vmem>> -> memref<40x512xf32, #tpu.memory_space<vmem>>
    %dma_start3A_23 = arith.constant 40 : i32
    %dma_start3A_24 = tpu.memref_slice %arg6[%dma_start3A_23] : memref<1280xi32, #tpu.memory_space<vmem>> -> memref<40xi32, #tpu.memory_space<vmem>>
    %dma_start3A_25 = arith.constant 0 : i32
    %dma_start3A_26 = arith.constant 0 : i32
    %dma_start3A_27 = tpu.memref_slice %arg2[%dma_start3A_25, %dma_start3A_26] : memref<10000x512xf32, #tpu.memory_space<hbm>> -> memref<10000x512xf32, #tpu.memory_space<hbm>>
    tpu.enqueue_indirect_dma source(%dma_start3A_27 : memref<10000x512xf32, #tpu.memory_space<hbm>>) target(%dma_start3A_22 : memref<40x512xf32, #tpu.memory_space<vmem>>) offsets(%dma_start3A_24 : memref<40xi32, #tpu.memory_space<vmem>>) semaphore(%arg11 : memref<!tpu.dma_semaphore, #tpu.memory_space<semaphore_mem>>)
    %dma_start3A_28 = arith.constant 2 : i32
    %dma_start3A_29 = arith.constant 0 : i32
    %dma_start3A_30 = arith.constant 0 : i32
    %dma_start3A_31 = tpu.memref_slice %arg8[%dma_start3A_28, %dma_start3A_29, %dma_start3A_30] : memref<4x40x512xf32, #tpu.memory_space<vmem>> -> memref<1x40x512xf32, #tpu.memory_space<vmem>>
    %dma_start3A_32 = tpu.memref_squeeze %dma_start3A_31 : memref<1x40x512xf32, #tpu.memory_space<vmem>> -> memref<40x512xf32, #tpu.memory_space<vmem>>
    %dma_start3A_33 = arith.constant 80 : i32
    %dma_start3A_34 = tpu.memref_slice %arg6[%dma_start3A_33] : memref<1280xi32, #tpu.memory_space<vmem>> -> memref<40xi32, #tpu.memory_space<vmem>>
    %dma_start3A_35 = arith.constant 0 : i32
    %dma_start3A_36 = arith.constant 0 : i32
    %dma_start3A_37 = tpu.memref_slice %arg2[%dma_start3A_35, %dma_start3A_36] : memref<10000x512xf32, #tpu.memory_space<hbm>> -> memref<10000x512xf32, #tpu.memory_space<hbm>>
    tpu.enqueue_indirect_dma source(%dma_start3A_37 : memref<10000x512xf32, #tpu.memory_space<hbm>>) target(%dma_start3A_32 : memref<40x512xf32, #tpu.memory_space<vmem>>) offsets(%dma_start3A_34 : memref<40xi32, #tpu.memory_space<vmem>>) semaphore(%arg12 : memref<!tpu.dma_semaphore, #tpu.memory_space<semaphore_mem>>)
    %scan3A = arith.constant 0 : i32
    %scan3A_38 = arith.constant 0 : i32
    %scan3A_39 = arith.constant 8 : i32
    %scan3A_40 = arith.addi %scan3A_38, %scan3A_39 : i32
    %scan3A_41 = arith.constant 1 : i32
    scf.for %scan3A_43 = %scan3A_38 to %scan3A_40 step %scan3A_41  : i32 {
      %mul3A_44 = arith.constant 4 : i32
      %mul3A_45 = arith.muli %mul3A_44, %scan3A_43 : i32
      %add3A_46 = arith.constant 0 : i32
      %add3A_47 = arith.addi %mul3A_45, %add3A_46 : i32
      %lt3A = arith.constant 29 : i32
      %lt3A_48 = arith.cmpi slt, %add3A_47, %lt3A : i32
      %convert_element_type3A = arith.extui %lt3A_48 : i1 to i32
      %cond3A = arith.constant 0 : i32
      %cond3A_49 = arith.cmpi ne, %convert_element_type3A, %cond3A : i32
      scf.if %cond3A_49 {
        %add3A_1327 = arith.constant 4 : i32
        %add3A_1328 = arith.addi %add3A_47, %add3A_1327 : i32
        %sub3A = arith.constant 1 : i32
        %sub3A_1329 = arith.subi %add3A_1328, %sub3A : i32
        %mul3A_1330 = arith.constant 40 : i32
        %mul3A_1331 = arith.muli %sub3A_1329, %mul3A_1330 : i32
        %dma_start3A_1332 = arith.constant 3 : i32
        %dma_start3A_1333 = arith.constant 0 : i32
        %dma_start3A_1334 = arith.constant 0 : i32
        %dma_start3A_1335 = tpu.memref_slice %arg8[%dma_start3A_1332, %dma_start3A_1333, %dma_start3A_1334] : memref<4x40x512xf32, #tpu.memory_space<vmem>> -> memref<1x40x512xf32, #tpu.memory_space<vmem>>
        %dma_start3A_1336 = tpu.memref_squeeze %dma_start3A_1335 : memref<1x40x512xf32, #tpu.memory_space<vmem>> -> memref<40x512xf32, #tpu.memory_space<vmem>>
        %dma_start3A_1337 = tpu.memref_slice %arg6[%mul3A_1331] : memref<1280xi32, #tpu.memory_space<vmem>> -> memref<40xi32, #tpu.memory_space<vmem>>
        %dma_start3A_1338 = arith.constant 0 : i32
        %dma_start3A_1339 = arith.constant 0 : i32
        %dma_start3A_1340 = tpu.memref_slice %arg2[%dma_start3A_1338, %dma_start3A_1339] : memref<10000x512xf32, #tpu.memory_space<hbm>> -> memref<10000x512xf32, #tpu.memory_space<hbm>>
        tpu.enqueue_indirect_dma source(%dma_start3A_1340 : memref<10000x512xf32, #tpu.memory_space<hbm>>) target(%dma_start3A_1336 : memref<40x512xf32, #tpu.memory_space<vmem>>) offsets(%dma_start3A_1337 : memref<40xi32, #tpu.memory_space<vmem>>) semaphore(%arg13 : memref<!tpu.dma_semaphore, #tpu.memory_space<semaphore_mem>>)
      } else {
      }
      %dma_wait3A = arith.constant 0 : i32
      %dma_wait3A_50 = arith.constant 0 : i32
      %dma_wait3A_51 = arith.constant 0 : i32
      %dma_wait3A_52 = tpu.memref_slice %arg8[%dma_wait3A, %dma_wait3A_50, %dma_wait3A_51] : memref<4x40x512xf32, #tpu.memory_space<vmem>> -> memref<1x40x512xf32, #tpu.memory_space<vmem>>
      %dma_wait3A_53 = tpu.memref_squeeze %dma_wait3A_52 : memref<1x40x512xf32, #tpu.memory_space<vmem>> -> memref<40x512xf32, #tpu.memory_space<vmem>>
      %dma_wait3A_54 = arith.constant 0 : i32
      %dma_wait3A_55 = tpu.memref_slice %arg6[%dma_wait3A_54] : memref<1280xi32, #tpu.memory_space<vmem>> -> memref<40xi32, #tpu.memory_space<vmem>>
      %dma_wait3A_56 = arith.constant 0 : i32
      %dma_wait3A_57 = arith.constant 0 : i32
      %dma_wait3A_58 = tpu.memref_slice %arg2[%dma_wait3A_56, %dma_wait3A_57] : memref<10000x512xf32, #tpu.memory_space<hbm>> -> memref<10000x512xf32, #tpu.memory_space<hbm>>
      tpu.wait_indirect_dma semaphore(%arg10 : memref<!tpu.dma_semaphore, #tpu.memory_space<semaphore_mem>>) src(%dma_wait3A_58 : memref<10000x512xf32, #tpu.memory_space<hbm>>) dst(%dma_wait3A_53 : memref<40x512xf32, #tpu.memory_space<vmem>>)
      %mul3A_59 = arith.constant 33 : i32
      %mul3A_60 = arith.muli %add3A_47, %mul3A_59 : i32
      %add3A_61 = arith.constant 0 : i32
      %add3A_62 = arith.addi %mul3A_60, %add3A_61 : i32
      %mul3A_63 = arith.constant 16 : i32
      %mul3A_64 = arith.muli %add3A_62, %mul3A_63 : i32
      %get3A = arith.index_cast %mul3A_64 : i32 to index
      %get3A_65 = tpu.vector_load %arg7[%get3A] {strides = array<i32>} : memref<16896xf32, #tpu.memory_space<vmem>>, vector<16xf32>,
      %get3A_66 = vector.shape_cast %get3A_65 : vector<16xf32> to vector<16xf32>
      %mul3A_67 = arith.constant 33 : i32
      %mul3A_68 = arith.muli %add3A_47, %mul3A_67 : i32
      %add3A_69 = arith.constant 1 : i32
      %add3A_70 = arith.addi %mul3A_68, %add3A_69 : i32
      %mul3A_71 = arith.constant 16 : i32
      %mul3A_72 = arith.muli %add3A_70, %mul3A_71 : i32
      %get3A_73 = arith.index_cast %mul3A_72 : i32 to index
      %get3A_74 = tpu.vector_load %arg7[%get3A_73] {strides = array<i32>} : memref<16896xf32, #tpu.memory_space<vmem>>, vector<16xf32>,
      %get3A_75 = vector.shape_cast %get3A_74 : vector<16xf32> to vector<16xf32>
      %mul3A_76 = arith.constant 33 : i32
      %mul3A_77 = arith.muli %add3A_47, %mul3A_76 : i32
      %add3A_78 = arith.constant 2 : i32
      %add3A_79 = arith.addi %mul3A_77, %add3A_78 : i32
      %mul3A_80 = arith.constant 16 : i32
      %mul3A_81 = arith.muli %add3A_79, %mul3A_80 : i32
      %get3A_82 = arith.index_cast %mul3A_81 : i32 to index
      %get3A_83 = tpu.vector_load %arg7[%get3A_82] {strides = array<i32>} : memref<16896xf32, #tpu.memory_space<vmem>>, vector<16xf32>,
      %get3A_84 = vector.shape_cast %get3A_83 : vector<16xf32> to vector<16xf32>
      %mul3A_85 = arith.constant 33 : i32
      %mul3A_86 = arith.muli %add3A_47, %mul3A_85 : i32
      %add3A_87 = arith.constant 3 : i32
      %add3A_88 = arith.addi %mul3A_86, %add3A_87 : i32
      %mul3A_89 = arith.constant 16 : i32
      %mul3A_90 = arith.muli %add3A_88, %mul3A_89 : i32
      %get3A_91 = arith.index_cast %mul3A_90 : i32 to index
      %get3A_92 = tpu.vector_load %arg7[%get3A_91] {strides = array<i32>} : memref<16896xf32, #tpu.memory_space<vmem>>, vector<16xf32>,
      %get3A_93 = vector.shape_cast %get3A_92 : vector<16xf32> to vector<16xf32>
      %mul3A_94 = arith.constant 33 : i32
      %mul3A_95 = arith.muli %add3A_47, %mul3A_94 : i32
      %add3A_96 = arith.constant 4 : i32
      %add3A_97 = arith.addi %mul3A_95, %add3A_96 : i32
      %mul3A_98 = arith.constant 16 : i32
      %mul3A_99 = arith.muli %add3A_97, %mul3A_98 : i32
      %get3A_100 = arith.index_cast %mul3A_99 : i32 to index
      %get3A_101 = tpu.vector_load %arg7[%get3A_100] {strides = array<i32>} : memref<16896xf32, #tpu.memory_space<vmem>>, vector<16xf32>,
      %get3A_102 = vector.shape_cast %get3A_101 : vector<16xf32> to vector<16xf32>
      %mul3A_103 = arith.constant 33 : i32
      %mul3A_104 = arith.muli %add3A_47, %mul3A_103 : i32
      %add3A_105 = arith.constant 5 : i32
      %add3A_106 = arith.addi %mul3A_104, %add3A_105 : i32
      %mul3A_107 = arith.constant 16 : i32
      %mul3A_108 = arith.muli %add3A_106, %mul3A_107 : i32
      %get3A_109 = arith.index_cast %mul3A_108 : i32 to index
      %get3A_110 = tpu.vector_load %arg7[%get3A_109] {strides = array<i32>} : memref<16896xf32, #tpu.memory_space<vmem>>, vector<16xf32>,
      %get3A_111 = vector.shape_cast %get3A_110 : vector<16xf32> to vector<16xf32>
      %mul3A_112 = arith.constant 33 : i32
      %mul3A_113 = arith.muli %add3A_47, %mul3A_112 : i32
      %add3A_114 = arith.constant 6 : i32
      %add3A_115 = arith.addi %mul3A_113, %add3A_114 : i32
      %mul3A_116 = arith.constant 16 : i32
      %mul3A_117 = arith.muli %add3A_115, %mul3A_116 : i32
      %get3A_118 = arith.index_cast %mul3A_117 : i32 to index
      %get3A_119 = tpu.vector_load %arg7[%get3A_118] {strides = array<i32>} : memref<16896xf32, #tpu.memory_space<vmem>>, vector<16xf32>,
      %get3A_120 = vector.shape_cast %get3A_119 : vector<16xf32> to vector<16xf32>
      %mul3A_121 = arith.constant 33 : i32
      %mul3A_122 = arith.muli %add3A_47, %mul3A_121 : i32
      %add3A_123 = arith.constant 7 : i32
      %add3A_124 = arith.addi %mul3A_122, %add3A_123 : i32
      %mul3A_125 = arith.constant 16 : i32
      %mul3A_126 = arith.muli %add3A_124, %mul3A_125 : i32
      %get3A_127 = arith.index_cast %mul3A_126 : i32 to index
      %get3A_128 = tpu.vector_load %arg7[%get3A_127] {strides = array<i32>} : memref<16896xf32, #tpu.memory_space<vmem>>, vector<16xf32>,
      %get3A_129 = vector.shape_cast %get3A_128 : vector<16xf32> to vector<16xf32>
      %mul3A_130 = arith.constant 33 : i32
      %mul3A_131 = arith.muli %add3A_47, %mul3A_130 : i32
      %add3A_132 = arith.constant 8 : i32
      %add3A_133 = arith.addi %mul3A_131, %add3A_132 : i32
      %mul3A_134 = arith.constant 16 : i32
      %mul3A_135 = arith.muli %add3A_133, %mul3A_134 : i32
      %get3A_136 = arith.index_cast %mul3A_135 : i32 to index
      %get3A_137 = tpu.vector_load %arg7[%get3A_136] {strides = array<i32>} : memref<16896xf32, #tpu.memory_space<vmem>>, vector<16xf32>,
      %get3A_138 = vector.shape_cast %get3A_137 : vector<16xf32> to vector<16xf32>
      %mul3A_139 = arith.constant 33 : i32
      %mul3A_140 = arith.muli %add3A_47, %mul3A_139 : i32
      %add3A_141 = arith.constant 9 : i32
      %add3A_142 = arith.addi %mul3A_140, %add3A_141 : i32
      %mul3A_143 = arith.constant 16 : i32
      %mul3A_144 = arith.muli %add3A_142, %mul3A_143 : i32
      %get3A_145 = arith.index_cast %mul3A_144 : i32 to index
      %get3A_146 = tpu.vector_load %arg7[%get3A_145] {strides = array<i32>} : memref<16896xf32, #tpu.memory_space<vmem>>, vector<16xf32>,
      %get3A_147 = vector.shape_cast %get3A_146 : vector<16xf32> to vector<16xf32>
      %mul3A_148 = arith.constant 33 : i32
      %mul3A_149 = arith.muli %add3A_47, %mul3A_148 : i32
      %add3A_150 = arith.constant 10 : i32
      %add3A_151 = arith.addi %mul3A_149, %add3A_150 : i32
      %mul3A_152 = arith.constant 16 : i32
      %mul3A_153 = arith.muli %add3A_151, %mul3A_152 : i32
      %get3A_154 = arith.index_cast %mul3A_153 : i32 to index
      %get3A_155 = tpu.vector_load %arg7[%get3A_154] {strides = array<i32>} : memref<16896xf32, #tpu.memory_space<vmem>>, vector<16xf32>,
      %get3A_156 = vector.shape_cast %get3A_155 : vector<16xf32> to vector<16xf32>
      %mul3A_157 = arith.constant 33 : i32
      %mul3A_158 = arith.muli %add3A_47, %mul3A_157 : i32
      %add3A_159 = arith.constant 11 : i32
      %add3A_160 = arith.addi %mul3A_158, %add3A_159 : i32
      %mul3A_161 = arith.constant 16 : i32
      %mul3A_162 = arith.muli %add3A_160, %mul3A_161 : i32
      %get3A_163 = arith.index_cast %mul3A_162 : i32 to index
      %get3A_164 = tpu.vector_load %arg7[%get3A_163] {strides = array<i32>} : memref<16896xf32, #tpu.memory_space<vmem>>, vector<16xf32>,
      %get3A_165 = vector.shape_cast %get3A_164 : vector<16xf32> to vector<16xf32>
      %mul3A_166 = arith.constant 33 : i32
      %mul3A_167 = arith.muli %add3A_47, %mul3A_166 : i32
      %add3A_168 = arith.constant 12 : i32
      %add3A_169 = arith.addi %mul3A_167, %add3A_168 : i32
      %mul3A_170 = arith.constant 16 : i32
      %mul3A_171 = arith.muli %add3A_169, %mul3A_170 : i32
      %get3A_172 = arith.index_cast %mul3A_171 : i32 to index
      %get3A_173 = tpu.vector_load %arg7[%get3A_172] {strides = array<i32>} : memref<16896xf32, #tpu.memory_space<vmem>>, vector<16xf32>,
      %get3A_174 = vector.shape_cast %get3A_173 : vector<16xf32> to vector<16xf32>
      %mul3A_175 = arith.constant 33 : i32
      %mul3A_176 = arith.muli %add3A_47, %mul3A_175 : i32
      %add3A_177 = arith.constant 13 : i32
      %add3A_178 = arith.addi %mul3A_176, %add3A_177 : i32
      %mul3A_179 = arith.constant 16 : i32
      %mul3A_180 = arith.muli %add3A_178, %mul3A_179 : i32
      %get3A_181 = arith.index_cast %mul3A_180 : i32 to index
      %get3A_182 = tpu.vector_load %arg7[%get3A_181] {strides = array<i32>} : memref<16896xf32, #tpu.memory_space<vmem>>, vector<16xf32>,
      %get3A_183 = vector.shape_cast %get3A_182 : vector<16xf32> to vector<16xf32>
      %mul3A_184 = arith.constant 33 : i32
      %mul3A_185 = arith.muli %add3A_47, %mul3A_184 : i32
      %add3A_186 = arith.constant 14 : i32
      %add3A_187 = arith.addi %mul3A_185, %add3A_186 : i32
      %mul3A_188 = arith.constant 16 : i32
      %mul3A_189 = arith.muli %add3A_187, %mul3A_188 : i32
      %get3A_190 = arith.index_cast %mul3A_189 : i32 to index
      %get3A_191 = tpu.vector_load %arg7[%get3A_190] {strides = array<i32>} : memref<16896xf32, #tpu.memory_space<vmem>>, vector<16xf32>,
      %get3A_192 = vector.shape_cast %get3A_191 : vector<16xf32> to vector<16xf32>
      %mul3A_193 = arith.constant 33 : i32
      %mul3A_194 = arith.muli %add3A_47, %mul3A_193 : i32
      %add3A_195 = arith.constant 15 : i32
      %add3A_196 = arith.addi %mul3A_194, %add3A_195 : i32
      %mul3A_197 = arith.constant 16 : i32
      %mul3A_198 = arith.muli %add3A_196, %mul3A_197 : i32
      %get3A_199 = arith.index_cast %mul3A_198 : i32 to index
      %get3A_200 = tpu.vector_load %arg7[%get3A_199] {strides = array<i32>} : memref<16896xf32, #tpu.memory_space<vmem>>, vector<16xf32>,
      %get3A_201 = vector.shape_cast %get3A_200 : vector<16xf32> to vector<16xf32>
      %mul3A_202 = arith.constant 33 : i32
      %mul3A_203 = arith.muli %add3A_47, %mul3A_202 : i32
      %add3A_204 = arith.constant 16 : i32
      %add3A_205 = arith.addi %mul3A_203, %add3A_204 : i32
      %mul3A_206 = arith.constant 16 : i32
      %mul3A_207 = arith.muli %add3A_205, %mul3A_206 : i32
      %get3A_208 = arith.index_cast %mul3A_207 : i32 to index
      %get3A_209 = tpu.vector_load %arg7[%get3A_208] {strides = array<i32>} : memref<16896xf32, #tpu.memory_space<vmem>>, vector<16xf32>,
      %get3A_210 = vector.shape_cast %get3A_209 : vector<16xf32> to vector<16xf32>
      %mul3A_211 = arith.constant 33 : i32
      %mul3A_212 = arith.muli %add3A_47, %mul3A_211 : i32
      %add3A_213 = arith.constant 17 : i32
      %add3A_214 = arith.addi %mul3A_212, %add3A_213 : i32
      %mul3A_215 = arith.constant 16 : i32
      %mul3A_216 = arith.muli %add3A_214, %mul3A_215 : i32
      %get3A_217 = arith.index_cast %mul3A_216 : i32 to index
      %get3A_218 = tpu.vector_load %arg7[%get3A_217] {strides = array<i32>} : memref<16896xf32, #tpu.memory_space<vmem>>, vector<16xf32>,
      %get3A_219 = vector.shape_cast %get3A_218 : vector<16xf32> to vector<16xf32>
      %mul3A_220 = arith.constant 33 : i32
      %mul3A_221 = arith.muli %add3A_47, %mul3A_220 : i32
      %add3A_222 = arith.constant 18 : i32
      %add3A_223 = arith.addi %mul3A_221, %add3A_222 : i32
      %mul3A_224 = arith.constant 16 : i32
      %mul3A_225 = arith.muli %add3A_223, %mul3A_224 : i32
      %get3A_226 = arith.index_cast %mul3A_225 : i32 to index
      %get3A_227 = tpu.vector_load %arg7[%get3A_226] {strides = array<i32>} : memref<16896xf32, #tpu.memory_space<vmem>>, vector<16xf32>,
      %get3A_228 = vector.shape_cast %get3A_227 : vector<16xf32> to vector<16xf32>
      %mul3A_229 = arith.constant 33 : i32
      %mul3A_230 = arith.muli %add3A_47, %mul3A_229 : i32
      %add3A_231 = arith.constant 19 : i32
      %add3A_232 = arith.addi %mul3A_230, %add3A_231 : i32
      %mul3A_233 = arith.constant 16 : i32
      %mul3A_234 = arith.muli %add3A_232, %mul3A_233 : i32
      %get3A_235 = arith.index_cast %mul3A_234 : i32 to index
      %get3A_236 = tpu.vector_load %arg7[%get3A_235] {strides = array<i32>} : memref<16896xf32, #tpu.memory_space<vmem>>, vector<16xf32>,
      %get3A_237 = vector.shape_cast %get3A_236 : vector<16xf32> to vector<16xf32>
      %mul3A_238 = arith.constant 33 : i32
      %mul3A_239 = arith.muli %add3A_47, %mul3A_238 : i32
      %add3A_240 = arith.constant 20 : i32
      %add3A_241 = arith.addi %mul3A_239, %add3A_240 : i32
      %mul3A_242 = arith.constant 16 : i32
      %mul3A_243 = arith.muli %add3A_241, %mul3A_242 : i32
      %get3A_244 = arith.index_cast %mul3A_243 : i32 to index
      %get3A_245 = tpu.vector_load %arg7[%get3A_244] {strides = array<i32>} : memref<16896xf32, #tpu.memory_space<vmem>>, vector<16xf32>,
      %get3A_246 = vector.shape_cast %get3A_245 : vector<16xf32> to vector<16xf32>
      %mul3A_247 = arith.constant 33 : i32
      %mul3A_248 = arith.muli %add3A_47, %mul3A_247 : i32
      %add3A_249 = arith.constant 21 : i32
      %add3A_250 = arith.addi %mul3A_248, %add3A_249 : i32
      %mul3A_251 = arith.constant 16 : i32
      %mul3A_252 = arith.muli %add3A_250, %mul3A_251 : i32
      %get3A_253 = arith.index_cast %mul3A_252 : i32 to index
      %get3A_254 = tpu.vector_load %arg7[%get3A_253] {strides = array<i32>} : memref<16896xf32, #tpu.memory_space<vmem>>, vector<16xf32>,
      %get3A_255 = vector.shape_cast %get3A_254 : vector<16xf32> to vector<16xf32>
      %mul3A_256 = arith.constant 33 : i32
      %mul3A_257 = arith.muli %add3A_47, %mul3A_256 : i32
      %add3A_258 = arith.constant 22 : i32
      %add3A_259 = arith.addi %mul3A_257, %add3A_258 : i32
      %mul3A_260 = arith.constant 16 : i32
      %mul3A_261 = arith.muli %add3A_259, %mul3A_260 : i32
      %get3A_262 = arith.index_cast %mul3A_261 : i32 to index
      %get3A_263 = tpu.vector_load %arg7[%get3A_262] {strides = array<i32>} : memref<16896xf32, #tpu.memory_space<vmem>>, vector<16xf32>,
      %get3A_264 = vector.shape_cast %get3A_263 : vector<16xf32> to vector<16xf32>
      %mul3A_265 = arith.constant 33 : i32
      %mul3A_266 = arith.muli %add3A_47, %mul3A_265 : i32
      %add3A_267 = arith.constant 23 : i32
      %add3A_268 = arith.addi %mul3A_266, %add3A_267 : i32
      %mul3A_269 = arith.constant 16 : i32
      %mul3A_270 = arith.muli %add3A_268, %mul3A_269 : i32
      %get3A_271 = arith.index_cast %mul3A_270 : i32 to index
      %get3A_272 = tpu.vector_load %arg7[%get3A_271] {strides = array<i32>} : memref<16896xf32, #tpu.memory_space<vmem>>, vector<16xf32>,
      %get3A_273 = vector.shape_cast %get3A_272 : vector<16xf32> to vector<16xf32>
      %mul3A_274 = arith.constant 33 : i32
      %mul3A_275 = arith.muli %add3A_47, %mul3A_274 : i32
      %add3A_276 = arith.constant 24 : i32
      %add3A_277 = arith.addi %mul3A_275, %add3A_276 : i32
      %mul3A_278 = arith.constant 16 : i32
      %mul3A_279 = arith.muli %add3A_277, %mul3A_278 : i32
      %get3A_280 = arith.index_cast %mul3A_279 : i32 to index
      %get3A_281 = tpu.vector_load %arg7[%get3A_280] {strides = array<i32>} : memref<16896xf32, #tpu.memory_space<vmem>>, vector<16xf32>,
      %get3A_282 = vector.shape_cast %get3A_281 : vector<16xf32> to vector<16xf32>
      %mul3A_283 = arith.constant 33 : i32
      %mul3A_284 = arith.muli %add3A_47, %mul3A_283 : i32
      %add3A_285 = arith.constant 25 : i32
      %add3A_286 = arith.addi %mul3A_284, %add3A_285 : i32
      %mul3A_287 = arith.constant 16 : i32
      %mul3A_288 = arith.muli %add3A_286, %mul3A_287 : i32
      %get3A_289 = arith.index_cast %mul3A_288 : i32 to index
      %get3A_290 = tpu.vector_load %arg7[%get3A_289] {strides = array<i32>} : memref<16896xf32, #tpu.memory_space<vmem>>, vector<16xf32>,
      %get3A_291 = vector.shape_cast %get3A_290 : vector<16xf32> to vector<16xf32>
      %mul3A_292 = arith.constant 33 : i32
      %mul3A_293 = arith.muli %add3A_47, %mul3A_292 : i32
      %add3A_294 = arith.constant 26 : i32
      %add3A_295 = arith.addi %mul3A_293, %add3A_294 : i32
      %mul3A_296 = arith.constant 16 : i32
      %mul3A_297 = arith.muli %add3A_295, %mul3A_296 : i32
      %get3A_298 = arith.index_cast %mul3A_297 : i32 to index
      %get3A_299 = tpu.vector_load %arg7[%get3A_298] {strides = array<i32>} : memref<16896xf32, #tpu.memory_space<vmem>>, vector<16xf32>,
      %get3A_300 = vector.shape_cast %get3A_299 : vector<16xf32> to vector<16xf32>
      %mul3A_301 = arith.constant 33 : i32
      %mul3A_302 = arith.muli %add3A_47, %mul3A_301 : i32
      %add3A_303 = arith.constant 27 : i32
      %add3A_304 = arith.addi %mul3A_302, %add3A_303 : i32
      %mul3A_305 = arith.constant 16 : i32
      %mul3A_306 = arith.muli %add3A_304, %mul3A_305 : i32
      %get3A_307 = arith.index_cast %mul3A_306 : i32 to index
      %get3A_308 = tpu.vector_load %arg7[%get3A_307] {strides = array<i32>} : memref<16896xf32, #tpu.memory_space<vmem>>, vector<16xf32>,
      %get3A_309 = vector.shape_cast %get3A_308 : vector<16xf32> to vector<16xf32>
      %mul3A_310 = arith.constant 33 : i32
      %mul3A_311 = arith.muli %add3A_47, %mul3A_310 : i32
      %add3A_312 = arith.constant 28 : i32
      %add3A_313 = arith.addi %mul3A_311, %add3A_312 : i32
      %mul3A_314 = arith.constant 16 : i32
      %mul3A_315 = arith.muli %add3A_313, %mul3A_314 : i32
      %get3A_316 = arith.index_cast %mul3A_315 : i32 to index
      %get3A_317 = tpu.vector_load %arg7[%get3A_316] {strides = array<i32>} : memref<16896xf32, #tpu.memory_space<vmem>>, vector<16xf32>,
      %get3A_318 = vector.shape_cast %get3A_317 : vector<16xf32> to vector<16xf32>
      %mul3A_319 = arith.constant 33 : i32
      %mul3A_320 = arith.muli %add3A_47, %mul3A_319 : i32
      %add3A_321 = arith.constant 29 : i32
      %add3A_322 = arith.addi %mul3A_320, %add3A_321 : i32
      %mul3A_323 = arith.constant 16 : i32
      %mul3A_324 = arith.muli %add3A_322, %mul3A_323 : i32
      %get3A_325 = arith.index_cast %mul3A_324 : i32 to index
      %get3A_326 = tpu.vector_load %arg7[%get3A_325] {strides = array<i32>} : memref<16896xf32, #tpu.memory_space<vmem>>, vector<16xf32>,
      %get3A_327 = vector.shape_cast %get3A_326 : vector<16xf32> to vector<16xf32>
      %mul3A_328 = arith.constant 33 : i32
      %mul3A_329 = arith.muli %add3A_47, %mul3A_328 : i32
      %add3A_330 = arith.constant 30 : i32
      %add3A_331 = arith.addi %mul3A_329, %add3A_330 : i32
      %mul3A_332 = arith.constant 16 : i32
      %mul3A_333 = arith.muli %add3A_331, %mul3A_332 : i32
      %get3A_334 = arith.index_cast %mul3A_333 : i32 to index
      %get3A_335 = tpu.vector_load %arg7[%get3A_334] {strides = array<i32>} : memref<16896xf32, #tpu.memory_space<vmem>>, vector<16xf32>,
      %get3A_336 = vector.shape_cast %get3A_335 : vector<16xf32> to vector<16xf32>
      %mul3A_337 = arith.constant 33 : i32
      %mul3A_338 = arith.muli %add3A_47, %mul3A_337 : i32
      %add3A_339 = arith.constant 31 : i32
      %add3A_340 = arith.addi %mul3A_338, %add3A_339 : i32
      %mul3A_341 = arith.constant 16 : i32
      %mul3A_342 = arith.muli %add3A_340, %mul3A_341 : i32
      %get3A_343 = arith.index_cast %mul3A_342 : i32 to index
      %get3A_344 = tpu.vector_load %arg7[%get3A_343] {strides = array<i32>} : memref<16896xf32, #tpu.memory_space<vmem>>, vector<16xf32>,
      %get3A_345 = vector.shape_cast %get3A_344 : vector<16xf32> to vector<16xf32>
      %mul3A_346 = arith.constant 33 : i32
      %mul3A_347 = arith.muli %add3A_47, %mul3A_346 : i32
      %add3A_348 = arith.constant 32 : i32
      %add3A_349 = arith.addi %mul3A_347, %add3A_348 : i32
      %mul3A_350 = arith.constant 16 : i32
      %mul3A_351 = arith.muli %add3A_349, %mul3A_350 : i32
      %get3A_352 = arith.index_cast %mul3A_351 : i32 to index
      %get3A_353 = tpu.vector_load %arg7[%get3A_352] {strides = array<i32>} : memref<16896xf32, #tpu.memory_space<vmem>>, vector<16xf32>,
      %get3A_354 = vector.shape_cast %get3A_353 : vector<16xf32> to vector<16xf32>
      %scan3A_355 = arith.constant 0 : i32
      %scan3A_356 = arith.constant 0 : i32
      %scan3A_357 = arith.constant 32 : i32
      %scan3A_358 = arith.addi %scan3A_356, %scan3A_357 : i32
      %scan3A_359 = arith.constant 1 : i32
      scf.for %scan3A_1327 = %scan3A_356 to %scan3A_358 step %scan3A_359  : i32 {
        %mul3A_1328 = arith.constant 16 : i32
        %mul3A_1329 = arith.muli %scan3A_1327, %mul3A_1328 : i32
        %get3A_1330 = arith.constant 0 : i32
        %get3A_1331 = arith.constant 0 : i32
        %get3A_1332 = arith.index_cast %get3A_1330 : i32 to index
        %get3A_1333 = arith.index_cast %get3A_1331 : i32 to index
        %get3A_1334 = arith.index_cast %mul3A_1329 : i32 to index
        %get3A_1335 = tpu.vector_load %arg8[%get3A_1332, %get3A_1333, %get3A_1334] {strides = array<i32>} : memref<4x40x512xf32, #tpu.memory_space<vmem>>, vector<1x1x16xf32>,
        %get3A_1336 = vector.shape_cast %get3A_1335 : vector<1x1x16xf32> to vector<16xf32>
        %mul3A_1337 = arith.mulf %get3A_66, %get3A_1336 : vector<16xf32>
        %get3A_1338 = arith.constant 0 : i32
        %get3A_1339 = arith.constant 1 : i32
        %get3A_1340 = arith.index_cast %get3A_1338 : i32 to index
        %get3A_1341 = arith.index_cast %get3A_1339 : i32 to index
        %get3A_1342 = arith.index_cast %mul3A_1329 : i32 to index
        %get3A_1343 = tpu.vector_load %arg8[%get3A_1340, %get3A_1341, %get3A_1342] {strides = array<i32>} : memref<4x40x512xf32, #tpu.memory_space<vmem>>, vector<1x1x16xf32>,
        %get3A_1344 = vector.shape_cast %get3A_1343 : vector<1x1x16xf32> to vector<16xf32>
        %mul3A_1345 = arith.mulf %get3A_75, %get3A_1344 : vector<16xf32>
        %get3A_1346 = arith.constant 0 : i32
        %get3A_1347 = arith.constant 2 : i32
        %get3A_1348 = arith.index_cast %get3A_1346 : i32 to index
        %get3A_1349 = arith.index_cast %get3A_1347 : i32 to index
        %get3A_1350 = arith.index_cast %mul3A_1329 : i32 to index
        %get3A_1351 = tpu.vector_load %arg8[%get3A_1348, %get3A_1349, %get3A_1350] {strides = array<i32>} : memref<4x40x512xf32, #tpu.memory_space<vmem>>, vector<1x1x16xf32>,
        %get3A_1352 = vector.shape_cast %get3A_1351 : vector<1x1x16xf32> to vector<16xf32>
        %mul3A_1353 = arith.mulf %get3A_84, %get3A_1352 : vector<16xf32>
        %add3A_1354 = arith.addf %mul3A_1337, %mul3A_1353 : vector<16xf32>
        %get3A_1355 = arith.constant 0 : i32
        %get3A_1356 = arith.constant 4 : i32
        %get3A_1357 = arith.index_cast %get3A_1355 : i32 to index
        %get3A_1358 = arith.index_cast %get3A_1356 : i32 to index
        %get3A_1359 = arith.index_cast %mul3A_1329 : i32 to index
        %get3A_1360 = tpu.vector_load %arg8[%get3A_1357, %get3A_1358, %get3A_1359] {strides = array<i32>} : memref<4x40x512xf32, #tpu.memory_space<vmem>>, vector<1x1x16xf32>,
        %get3A_1361 = vector.shape_cast %get3A_1360 : vector<1x1x16xf32> to vector<16xf32>
        %mul3A_1362 = arith.mulf %get3A_102, %get3A_1361 : vector<16xf32>
        %add3A_1363 = arith.addf %add3A_1354, %mul3A_1362 : vector<16xf32>
        %get3A_1364 = arith.constant 0 : i32
        %get3A_1365 = arith.constant 6 : i32
        %get3A_1366 = arith.index_cast %get3A_1364 : i32 to index
        %get3A_1367 = arith.index_cast %get3A_1365 : i32 to index
        %get3A_1368 = arith.index_cast %mul3A_1329 : i32 to index
        %get3A_1369 = tpu.vector_load %arg8[%get3A_1366, %get3A_1367, %get3A_1368] {strides = array<i32>} : memref<4x40x512xf32, #tpu.memory_space<vmem>>, vector<1x1x16xf32>,
        %get3A_1370 = vector.shape_cast %get3A_1369 : vector<1x1x16xf32> to vector<16xf32>
        %mul3A_1371 = arith.mulf %get3A_120, %get3A_1370 : vector<16xf32>
        %add3A_1372 = arith.addf %add3A_1363, %mul3A_1371 : vector<16xf32>
        %get3A_1373 = arith.constant 0 : i32
        %get3A_1374 = arith.constant 8 : i32
        %get3A_1375 = arith.index_cast %get3A_1373 : i32 to index
        %get3A_1376 = arith.index_cast %get3A_1374 : i32 to index
        %get3A_1377 = arith.index_cast %mul3A_1329 : i32 to index
        %get3A_1378 = tpu.vector_load %arg8[%get3A_1375, %get3A_1376, %get3A_1377] {strides = array<i32>} : memref<4x40x512xf32, #tpu.memory_space<vmem>>, vector<1x1x16xf32>,
        %get3A_1379 = vector.shape_cast %get3A_1378 : vector<1x1x16xf32> to vector<16xf32>
        %mul3A_1380 = arith.mulf %get3A_138, %get3A_1379 : vector<16xf32>
        %add3A_1381 = arith.addf %add3A_1372, %mul3A_1380 : vector<16xf32>
        %get3A_1382 = arith.constant 0 : i32
        %get3A_1383 = arith.constant 10 : i32
        %get3A_1384 = arith.index_cast %get3A_1382 : i32 to index
        %get3A_1385 = arith.index_cast %get3A_1383 : i32 to index
        %get3A_1386 = arith.index_cast %mul3A_1329 : i32 to index
        %get3A_1387 = tpu.vector_load %arg8[%get3A_1384, %get3A_1385, %get3A_1386] {strides = array<i32>} : memref<4x40x512xf32, #tpu.memory_space<vmem>>, vector<1x1x16xf32>,
        %get3A_1388 = vector.shape_cast %get3A_1387 : vector<1x1x16xf32> to vector<16xf32>
        %mul3A_1389 = arith.mulf %get3A_156, %get3A_1388 : vector<16xf32>
        %add3A_1390 = arith.addf %add3A_1381, %mul3A_1389 : vector<16xf32>
        %get3A_1391 = arith.constant 0 : i32
        %get3A_1392 = arith.constant 12 : i32
        %get3A_1393 = arith.index_cast %get3A_1391 : i32 to index
        %get3A_1394 = arith.index_cast %get3A_1392 : i32 to index
        %get3A_1395 = arith.index_cast %mul3A_1329 : i32 to index
        %get3A_1396 = tpu.vector_load %arg8[%get3A_1393, %get3A_1394, %get3A_1395] {strides = array<i32>} : memref<4x40x512xf32, #tpu.memory_space<vmem>>, vector<1x1x16xf32>,
        %get3A_1397 = vector.shape_cast %get3A_1396 : vector<1x1x16xf32> to vector<16xf32>
        %mul3A_1398 = arith.mulf %get3A_174, %get3A_1397 : vector<16xf32>
        %add3A_1399 = arith.addf %add3A_1390, %mul3A_1398 : vector<16xf32>
        %get3A_1400 = arith.constant 0 : i32
        %get3A_1401 = arith.constant 14 : i32
        %get3A_1402 = arith.index_cast %get3A_1400 : i32 to index
        %get3A_1403 = arith.index_cast %get3A_1401 : i32 to index
        %get3A_1404 = arith.index_cast %mul3A_1329 : i32 to index
        %get3A_1405 = tpu.vector_load %arg8[%get3A_1402, %get3A_1403, %get3A_1404] {strides = array<i32>} : memref<4x40x512xf32, #tpu.memory_space<vmem>>, vector<1x1x16xf32>,
        %get3A_1406 = vector.shape_cast %get3A_1405 : vector<1x1x16xf32> to vector<16xf32>
        %mul3A_1407 = arith.mulf %get3A_192, %get3A_1406 : vector<16xf32>
        %add3A_1408 = arith.addf %add3A_1399, %mul3A_1407 : vector<16xf32>
        %get3A_1409 = arith.constant 0 : i32
        %get3A_1410 = arith.constant 16 : i32
        %get3A_1411 = arith.index_cast %get3A_1409 : i32 to index
        %get3A_1412 = arith.index_cast %get3A_1410 : i32 to index
        %get3A_1413 = arith.index_cast %mul3A_1329 : i32 to index
        %get3A_1414 = tpu.vector_load %arg8[%get3A_1411, %get3A_1412, %get3A_1413] {strides = array<i32>} : memref<4x40x512xf32, #tpu.memory_space<vmem>>, vector<1x1x16xf32>,
        %get3A_1415 = vector.shape_cast %get3A_1414 : vector<1x1x16xf32> to vector<16xf32>
        %mul3A_1416 = arith.mulf %get3A_210, %get3A_1415 : vector<16xf32>
        %add3A_1417 = arith.addf %add3A_1408, %mul3A_1416 : vector<16xf32>
        %get3A_1418 = arith.constant 0 : i32
        %get3A_1419 = arith.constant 18 : i32
        %get3A_1420 = arith.index_cast %get3A_1418 : i32 to index
        %get3A_1421 = arith.index_cast %get3A_1419 : i32 to index
        %get3A_1422 = arith.index_cast %mul3A_1329 : i32 to index
        %get3A_1423 = tpu.vector_load %arg8[%get3A_1420, %get3A_1421, %get3A_1422] {strides = array<i32>} : memref<4x40x512xf32, #tpu.memory_space<vmem>>, vector<1x1x16xf32>,
        %get3A_1424 = vector.shape_cast %get3A_1423 : vector<1x1x16xf32> to vector<16xf32>
        %mul3A_1425 = arith.mulf %get3A_228, %get3A_1424 : vector<16xf32>
        %add3A_1426 = arith.addf %add3A_1417, %mul3A_1425 : vector<16xf32>
        %get3A_1427 = arith.constant 0 : i32
        %get3A_1428 = arith.constant 20 : i32
        %get3A_1429 = arith.index_cast %get3A_1427 : i32 to index
        %get3A_1430 = arith.index_cast %get3A_1428 : i32 to index
        %get3A_1431 = arith.index_cast %mul3A_1329 : i32 to index
        %get3A_1432 = tpu.vector_load %arg8[%get3A_1429, %get3A_1430, %get3A_1431] {strides = array<i32>} : memref<4x40x512xf32, #tpu.memory_space<vmem>>, vector<1x1x16xf32>,
        %get3A_1433 = vector.shape_cast %get3A_1432 : vector<1x1x16xf32> to vector<16xf32>
        %mul3A_1434 = arith.mulf %get3A_246, %get3A_1433 : vector<16xf32>
        %add3A_1435 = arith.addf %add3A_1426, %mul3A_1434 : vector<16xf32>
        %get3A_1436 = arith.constant 0 : i32
        %get3A_1437 = arith.constant 22 : i32
        %get3A_1438 = arith.index_cast %get3A_1436 : i32 to index
        %get3A_1439 = arith.index_cast %get3A_1437 : i32 to index
        %get3A_1440 = arith.index_cast %mul3A_1329 : i32 to index
        %get3A_1441 = tpu.vector_load %arg8[%get3A_1438, %get3A_1439, %get3A_1440] {strides = array<i32>} : memref<4x40x512xf32, #tpu.memory_space<vmem>>, vector<1x1x16xf32>,
        %get3A_1442 = vector.shape_cast %get3A_1441 : vector<1x1x16xf32> to vector<16xf32>
        %mul3A_1443 = arith.mulf %get3A_264, %get3A_1442 : vector<16xf32>
        %add3A_1444 = arith.addf %add3A_1435, %mul3A_1443 : vector<16xf32>
        %get3A_1445 = arith.constant 0 : i32
        %get3A_1446 = arith.constant 24 : i32
        %get3A_1447 = arith.index_cast %get3A_1445 : i32 to index
        %get3A_1448 = arith.index_cast %get3A_1446 : i32 to index
        %get3A_1449 = arith.index_cast %mul3A_1329 : i32 to index
        %get3A_1450 = tpu.vector_load %arg8[%get3A_1447, %get3A_1448, %get3A_1449] {strides = array<i32>} : memref<4x40x512xf32, #tpu.memory_space<vmem>>, vector<1x1x16xf32>,
        %get3A_1451 = vector.shape_cast %get3A_1450 : vector<1x1x16xf32> to vector<16xf32>
        %mul3A_1452 = arith.mulf %get3A_282, %get3A_1451 : vector<16xf32>
        %add3A_1453 = arith.addf %add3A_1444, %mul3A_1452 : vector<16xf32>
        %get3A_1454 = arith.constant 0 : i32
        %get3A_1455 = arith.constant 26 : i32
        %get3A_1456 = arith.index_cast %get3A_1454 : i32 to index
        %get3A_1457 = arith.index_cast %get3A_1455 : i32 to index
        %get3A_1458 = arith.index_cast %mul3A_1329 : i32 to index
        %get3A_1459 = tpu.vector_load %arg8[%get3A_1456, %get3A_1457, %get3A_1458] {strides = array<i32>} : memref<4x40x512xf32, #tpu.memory_space<vmem>>, vector<1x1x16xf32>,
        %get3A_1460 = vector.shape_cast %get3A_1459 : vector<1x1x16xf32> to vector<16xf32>
        %mul3A_1461 = arith.mulf %get3A_300, %get3A_1460 : vector<16xf32>
        %add3A_1462 = arith.addf %add3A_1453, %mul3A_1461 : vector<16xf32>
        %get3A_1463 = arith.constant 0 : i32
        %get3A_1464 = arith.constant 28 : i32
        %get3A_1465 = arith.index_cast %get3A_1463 : i32 to index
        %get3A_1466 = arith.index_cast %get3A_1464 : i32 to index
        %get3A_1467 = arith.index_cast %mul3A_1329 : i32 to index
        %get3A_1468 = tpu.vector_load %arg8[%get3A_1465, %get3A_1466, %get3A_1467] {strides = array<i32>} : memref<4x40x512xf32, #tpu.memory_space<vmem>>, vector<1x1x16xf32>,
        %get3A_1469 = vector.shape_cast %get3A_1468 : vector<1x1x16xf32> to vector<16xf32>
        %mul3A_1470 = arith.mulf %get3A_318, %get3A_1469 : vector<16xf32>
        %add3A_1471 = arith.addf %add3A_1462, %mul3A_1470 : vector<16xf32>
        %get3A_1472 = arith.constant 0 : i32
        %get3A_1473 = arith.constant 30 : i32
        %get3A_1474 = arith.index_cast %get3A_1472 : i32 to index
        %get3A_1475 = arith.index_cast %get3A_1473 : i32 to index
        %get3A_1476 = arith.index_cast %mul3A_1329 : i32 to index
        %get3A_1477 = tpu.vector_load %arg8[%get3A_1474, %get3A_1475, %get3A_1476] {strides = array<i32>} : memref<4x40x512xf32, #tpu.memory_space<vmem>>, vector<1x1x16xf32>,
        %get3A_1478 = vector.shape_cast %get3A_1477 : vector<1x1x16xf32> to vector<16xf32>
        %mul3A_1479 = arith.mulf %get3A_336, %get3A_1478 : vector<16xf32>
        %add3A_1480 = arith.addf %add3A_1471, %mul3A_1479 : vector<16xf32>
        %get3A_1481 = arith.constant 0 : i32
        %get3A_1482 = arith.constant 32 : i32
        %get3A_1483 = arith.index_cast %get3A_1481 : i32 to index
        %get3A_1484 = arith.index_cast %get3A_1482 : i32 to index
        %get3A_1485 = arith.index_cast %mul3A_1329 : i32 to index
        %get3A_1486 = tpu.vector_load %arg8[%get3A_1483, %get3A_1484, %get3A_1485] {strides = array<i32>} : memref<4x40x512xf32, #tpu.memory_space<vmem>>, vector<1x1x16xf32>,
        %get3A_1487 = vector.shape_cast %get3A_1486 : vector<1x1x16xf32> to vector<16xf32>
        %mul3A_1488 = arith.mulf %get3A_354, %get3A_1487 : vector<16xf32>
        %add3A_1489 = arith.addf %add3A_1480, %mul3A_1488 : vector<16xf32>
        %get3A_1490 = arith.constant 0 : i32
        %get3A_1491 = arith.constant 3 : i32
        %get3A_1492 = arith.index_cast %get3A_1490 : i32 to index
        %get3A_1493 = arith.index_cast %get3A_1491 : i32 to index
        %get3A_1494 = arith.index_cast %mul3A_1329 : i32 to index
        %get3A_1495 = tpu.vector_load %arg8[%get3A_1492, %get3A_1493, %get3A_1494] {strides = array<i32>} : memref<4x40x512xf32, #tpu.memory_space<vmem>>, vector<1x1x16xf32>,
        %get3A_1496 = vector.shape_cast %get3A_1495 : vector<1x1x16xf32> to vector<16xf32>
        %mul3A_1497 = arith.mulf %get3A_93, %get3A_1496 : vector<16xf32>
        %add3A_1498 = arith.addf %mul3A_1345, %mul3A_1497 : vector<16xf32>
        %get3A_1499 = arith.constant 0 : i32
        %get3A_1500 = arith.constant 5 : i32
        %get3A_1501 = arith.index_cast %get3A_1499 : i32 to index
        %get3A_1502 = arith.index_cast %get3A_1500 : i32 to index
        %get3A_1503 = arith.index_cast %mul3A_1329 : i32 to index
        %get3A_1504 = tpu.vector_load %arg8[%get3A_1501, %get3A_1502, %get3A_1503] {strides = array<i32>} : memref<4x40x512xf32, #tpu.memory_space<vmem>>, vector<1x1x16xf32>,
        %get3A_1505 = vector.shape_cast %get3A_1504 : vector<1x1x16xf32> to vector<16xf32>
        %mul3A_1506 = arith.mulf %get3A_111, %get3A_1505 : vector<16xf32>
        %add3A_1507 = arith.addf %add3A_1498, %mul3A_1506 : vector<16xf32>
        %get3A_1508 = arith.constant 0 : i32
        %get3A_1509 = arith.constant 7 : i32
        %get3A_1510 = arith.index_cast %get3A_1508 : i32 to index
        %get3A_1511 = arith.index_cast %get3A_1509 : i32 to index
        %get3A_1512 = arith.index_cast %mul3A_1329 : i32 to index
        %get3A_1513 = tpu.vector_load %arg8[%get3A_1510, %get3A_1511, %get3A_1512] {strides = array<i32>} : memref<4x40x512xf32, #tpu.memory_space<vmem>>, vector<1x1x16xf32>,
        %get3A_1514 = vector.shape_cast %get3A_1513 : vector<1x1x16xf32> to vector<16xf32>
        %mul3A_1515 = arith.mulf %get3A_129, %get3A_1514 : vector<16xf32>
        %add3A_1516 = arith.addf %add3A_1507, %mul3A_1515 : vector<16xf32>
        %get3A_1517 = arith.constant 0 : i32
        %get3A_1518 = arith.constant 9 : i32
        %get3A_1519 = arith.index_cast %get3A_1517 : i32 to index
        %get3A_1520 = arith.index_cast %get3A_1518 : i32 to index
        %get3A_1521 = arith.index_cast %mul3A_1329 : i32 to index
        %get3A_1522 = tpu.vector_load %arg8[%get3A_1519, %get3A_1520, %get3A_1521] {strides = array<i32>} : memref<4x40x512xf32, #tpu.memory_space<vmem>>, vector<1x1x16xf32>,
        %get3A_1523 = vector.shape_cast %get3A_1522 : vector<1x1x16xf32> to vector<16xf32>
        %mul3A_1524 = arith.mulf %get3A_147, %get3A_1523 : vector<16xf32>
        %add3A_1525 = arith.addf %add3A_1516, %mul3A_1524 : vector<16xf32>
        %get3A_1526 = arith.constant 0 : i32
        %get3A_1527 = arith.constant 11 : i32
        %get3A_1528 = arith.index_cast %get3A_1526 : i32 to index
        %get3A_1529 = arith.index_cast %get3A_1527 : i32 to index
        %get3A_1530 = arith.index_cast %mul3A_1329 : i32 to index
        %get3A_1531 = tpu.vector_load %arg8[%get3A_1528, %get3A_1529, %get3A_1530] {strides = array<i32>} : memref<4x40x512xf32, #tpu.memory_space<vmem>>, vector<1x1x16xf32>,
        %get3A_1532 = vector.shape_cast %get3A_1531 : vector<1x1x16xf32> to vector<16xf32>
        %mul3A_1533 = arith.mulf %get3A_165, %get3A_1532 : vector<16xf32>
        %add3A_1534 = arith.addf %add3A_1525, %mul3A_1533 : vector<16xf32>
        %get3A_1535 = arith.constant 0 : i32
        %get3A_1536 = arith.constant 13 : i32
        %get3A_1537 = arith.index_cast %get3A_1535 : i32 to index
        %get3A_1538 = arith.index_cast %get3A_1536 : i32 to index
        %get3A_1539 = arith.index_cast %mul3A_1329 : i32 to index
        %get3A_1540 = tpu.vector_load %arg8[%get3A_1537, %get3A_1538, %get3A_1539] {strides = array<i32>} : memref<4x40x512xf32, #tpu.memory_space<vmem>>, vector<1x1x16xf32>,
        %get3A_1541 = vector.shape_cast %get3A_1540 : vector<1x1x16xf32> to vector<16xf32>
        %mul3A_1542 = arith.mulf %get3A_183, %get3A_1541 : vector<16xf32>
        %add3A_1543 = arith.addf %add3A_1534, %mul3A_1542 : vector<16xf32>
        %get3A_1544 = arith.constant 0 : i32
        %get3A_1545 = arith.constant 15 : i32
        %get3A_1546 = arith.index_cast %get3A_1544 : i32 to index
        %get3A_1547 = arith.index_cast %get3A_1545 : i32 to index
        %get3A_1548 = arith.index_cast %mul3A_1329 : i32 to index
        %get3A_1549 = tpu.vector_load %arg8[%get3A_1546, %get3A_1547, %get3A_1548] {strides = array<i32>} : memref<4x40x512xf32, #tpu.memory_space<vmem>>, vector<1x1x16xf32>,
        %get3A_1550 = vector.shape_cast %get3A_1549 : vector<1x1x16xf32> to vector<16xf32>
        %mul3A_1551 = arith.mulf %get3A_201, %get3A_1550 : vector<16xf32>
        %add3A_1552 = arith.addf %add3A_1543, %mul3A_1551 : vector<16xf32>
        %get3A_1553 = arith.constant 0 : i32
        %get3A_1554 = arith.constant 17 : i32
        %get3A_1555 = arith.index_cast %get3A_1553 : i32 to index
        %get3A_1556 = arith.index_cast %get3A_1554 : i32 to index
        %get3A_1557 = arith.index_cast %mul3A_1329 : i32 to index
        %get3A_1558 = tpu.vector_load %arg8[%get3A_1555, %get3A_1556, %get3A_1557] {strides = array<i32>} : memref<4x40x512xf32, #tpu.memory_space<vmem>>, vector<1x1x16xf32>,
        %get3A_1559 = vector.shape_cast %get3A_1558 : vector<1x1x16xf32> to vector<16xf32>
        %mul3A_1560 = arith.mulf %get3A_219, %get3A_1559 : vector<16xf32>
        %add3A_1561 = arith.addf %add3A_1552, %mul3A_1560 : vector<16xf32>
        %get3A_1562 = arith.constant 0 : i32
        %get3A_1563 = arith.constant 19 : i32
        %get3A_1564 = arith.index_cast %get3A_1562 : i32 to index
        %get3A_1565 = arith.index_cast %get3A_1563 : i32 to index
        %get3A_1566 = arith.index_cast %mul3A_1329 : i32 to index
        %get3A_1567 = tpu.vector_load %arg8[%get3A_1564, %get3A_1565, %get3A_1566] {strides = array<i32>} : memref<4x40x512xf32, #tpu.memory_space<vmem>>, vector<1x1x16xf32>,
        %get3A_1568 = vector.shape_cast %get3A_1567 : vector<1x1x16xf32> to vector<16xf32>
        %mul3A_1569 = arith.mulf %get3A_237, %get3A_1568 : vector<16xf32>
        %add3A_1570 = arith.addf %add3A_1561, %mul3A_1569 : vector<16xf32>
        %get3A_1571 = arith.constant 0 : i32
        %get3A_1572 = arith.constant 21 : i32
        %get3A_1573 = arith.index_cast %get3A_1571 : i32 to index
        %get3A_1574 = arith.index_cast %get3A_1572 : i32 to index
        %get3A_1575 = arith.index_cast %mul3A_1329 : i32 to index
        %get3A_1576 = tpu.vector_load %arg8[%get3A_1573, %get3A_1574, %get3A_1575] {strides = array<i32>} : memref<4x40x512xf32, #tpu.memory_space<vmem>>, vector<1x1x16xf32>,
        %get3A_1577 = vector.shape_cast %get3A_1576 : vector<1x1x16xf32> to vector<16xf32>
        %mul3A_1578 = arith.mulf %get3A_255, %get3A_1577 : vector<16xf32>
        %add3A_1579 = arith.addf %add3A_1570, %mul3A_1578 : vector<16xf32>
        %get3A_1580 = arith.constant 0 : i32
        %get3A_1581 = arith.constant 23 : i32
        %get3A_1582 = arith.index_cast %get3A_1580 : i32 to index
        %get3A_1583 = arith.index_cast %get3A_1581 : i32 to index
        %get3A_1584 = arith.index_cast %mul3A_1329 : i32 to index
        %get3A_1585 = tpu.vector_load %arg8[%get3A_1582, %get3A_1583, %get3A_1584] {strides = array<i32>} : memref<4x40x512xf32, #tpu.memory_space<vmem>>, vector<1x1x16xf32>,
        %get3A_1586 = vector.shape_cast %get3A_1585 : vector<1x1x16xf32> to vector<16xf32>
        %mul3A_1587 = arith.mulf %get3A_273, %get3A_1586 : vector<16xf32>
        %add3A_1588 = arith.addf %add3A_1579, %mul3A_1587 : vector<16xf32>
        %get3A_1589 = arith.constant 0 : i32
        %get3A_1590 = arith.constant 25 : i32
        %get3A_1591 = arith.index_cast %get3A_1589 : i32 to index
        %get3A_1592 = arith.index_cast %get3A_1590 : i32 to index
        %get3A_1593 = arith.index_cast %mul3A_1329 : i32 to index
        %get3A_1594 = tpu.vector_load %arg8[%get3A_1591, %get3A_1592, %get3A_1593] {strides = array<i32>} : memref<4x40x512xf32, #tpu.memory_space<vmem>>, vector<1x1x16xf32>,
        %get3A_1595 = vector.shape_cast %get3A_1594 : vector<1x1x16xf32> to vector<16xf32>
        %mul3A_1596 = arith.mulf %get3A_291, %get3A_1595 : vector<16xf32>
        %add3A_1597 = arith.addf %add3A_1588, %mul3A_1596 : vector<16xf32>
        %get3A_1598 = arith.constant 0 : i32
        %get3A_1599 = arith.constant 27 : i32
        %get3A_1600 = arith.index_cast %get3A_1598 : i32 to index
        %get3A_1601 = arith.index_cast %get3A_1599 : i32 to index
        %get3A_1602 = arith.index_cast %mul3A_1329 : i32 to index
        %get3A_1603 = tpu.vector_load %arg8[%get3A_1600, %get3A_1601, %get3A_1602] {strides = array<i32>} : memref<4x40x512xf32, #tpu.memory_space<vmem>>, vector<1x1x16xf32>,
        %get3A_1604 = vector.shape_cast %get3A_1603 : vector<1x1x16xf32> to vector<16xf32>
        %mul3A_1605 = arith.mulf %get3A_309, %get3A_1604 : vector<16xf32>
        %add3A_1606 = arith.addf %add3A_1597, %mul3A_1605 : vector<16xf32>
        %get3A_1607 = arith.constant 0 : i32
        %get3A_1608 = arith.constant 29 : i32
        %get3A_1609 = arith.index_cast %get3A_1607 : i32 to index
        %get3A_1610 = arith.index_cast %get3A_1608 : i32 to index
        %get3A_1611 = arith.index_cast %mul3A_1329 : i32 to index
        %get3A_1612 = tpu.vector_load %arg8[%get3A_1609, %get3A_1610, %get3A_1611] {strides = array<i32>} : memref<4x40x512xf32, #tpu.memory_space<vmem>>, vector<1x1x16xf32>,
        %get3A_1613 = vector.shape_cast %get3A_1612 : vector<1x1x16xf32> to vector<16xf32>
        %mul3A_1614 = arith.mulf %get3A_327, %get3A_1613 : vector<16xf32>
        %add3A_1615 = arith.addf %add3A_1606, %mul3A_1614 : vector<16xf32>
        %get3A_1616 = arith.constant 0 : i32
        %get3A_1617 = arith.constant 31 : i32
        %get3A_1618 = arith.index_cast %get3A_1616 : i32 to index
        %get3A_1619 = arith.index_cast %get3A_1617 : i32 to index
        %get3A_1620 = arith.index_cast %mul3A_1329 : i32 to index
        %get3A_1621 = tpu.vector_load %arg8[%get3A_1618, %get3A_1619, %get3A_1620] {strides = array<i32>} : memref<4x40x512xf32, #tpu.memory_space<vmem>>, vector<1x1x16xf32>,
        %get3A_1622 = vector.shape_cast %get3A_1621 : vector<1x1x16xf32> to vector<16xf32>
        %mul3A_1623 = arith.mulf %get3A_345, %get3A_1622 : vector<16xf32>
        %add3A_1624 = arith.addf %add3A_1615, %mul3A_1623 : vector<16xf32>
        %add3A_1625 = arith.addf %add3A_1489, %add3A_1624 : vector<16xf32>
        %swap3A = arith.index_cast %add3A_47 : i32 to index
        %swap3A_1626 = arith.index_cast %mul3A_1329 : i32 to index
        %swap3A_1627 = tpu.vector_load %arg9[%swap3A, %swap3A_1626] {strides = array<i32>} : memref<32x512xf32, #tpu.memory_space<vmem>>, vector<1x16xf32>,
        %swap3A_1628 = vector.shape_cast %swap3A_1627 : vector<1x16xf32> to vector<16xf32>
        %swap3A_1629 = vector.shape_cast %add3A_1625 : vector<16xf32> to vector<1x16xf32>
        tpu.vector_store %arg9[%swap3A, %swap3A_1626], %swap3A_1629 {strides = array<i32>} : memref<32x512xf32, #tpu.memory_space<vmem>>, vector<1x16xf32>,
      }
      %scan3A_360 = arith.constant 32 : i32
      %mul3A_361 = arith.constant 4 : i32
      %mul3A_362 = arith.muli %mul3A_361, %scan3A_43 : i32
      %add3A_363 = arith.constant 1 : i32
      %add3A_364 = arith.addi %mul3A_362, %add3A_363 : i32
      %lt3A_365 = arith.constant 29 : i32
      %lt3A_366 = arith.cmpi slt, %add3A_364, %lt3A_365 : i32
      %convert_element_type3A_367 = arith.extui %lt3A_366 : i1 to i32
      %cond3A_368 = arith.constant 0 : i32
      %cond3A_369 = arith.cmpi ne, %convert_element_type3A_367, %cond3A_368 : i32
      scf.if %cond3A_369 {
        %add3A_1327 = arith.constant 4 : i32
        %add3A_1328 = arith.addi %add3A_364, %add3A_1327 : i32
        %sub3A = arith.constant 1 : i32
        %sub3A_1329 = arith.subi %add3A_1328, %sub3A : i32
        %mul3A_1330 = arith.constant 40 : i32
        %mul3A_1331 = arith.muli %sub3A_1329, %mul3A_1330 : i32
        %dma_start3A_1332 = arith.constant 0 : i32
        %dma_start3A_1333 = arith.constant 0 : i32
        %dma_start3A_1334 = arith.constant 0 : i32
        %dma_start3A_1335 = tpu.memref_slice %arg8[%dma_start3A_1332, %dma_start3A_1333, %dma_start3A_1334] : memref<4x40x512xf32, #tpu.memory_space<vmem>> -> memref<1x40x512xf32, #tpu.memory_space<vmem>>
        %dma_start3A_1336 = tpu.memref_squeeze %dma_start3A_1335 : memref<1x40x512xf32, #tpu.memory_space<vmem>> -> memref<40x512xf32, #tpu.memory_space<vmem>>
        %dma_start3A_1337 = tpu.memref_slice %arg6[%mul3A_1331] : memref<1280xi32, #tpu.memory_space<vmem>> -> memref<40xi32, #tpu.memory_space<vmem>>
        %dma_start3A_1338 = arith.constant 0 : i32
        %dma_start3A_1339 = arith.constant 0 : i32
        %dma_start3A_1340 = tpu.memref_slice %arg2[%dma_start3A_1338, %dma_start3A_1339] : memref<10000x512xf32, #tpu.memory_space<hbm>> -> memref<10000x512xf32, #tpu.memory_space<hbm>>
        tpu.enqueue_indirect_dma source(%dma_start3A_1340 : memref<10000x512xf32, #tpu.memory_space<hbm>>) target(%dma_start3A_1336 : memref<40x512xf32, #tpu.memory_space<vmem>>) offsets(%dma_start3A_1337 : memref<40xi32, #tpu.memory_space<vmem>>) semaphore(%arg10 : memref<!tpu.dma_semaphore, #tpu.memory_space<semaphore_mem>>)
      } else {
      }
      %dma_wait3A_370 = arith.constant 1 : i32
      %dma_wait3A_371 = arith.constant 0 : i32
      %dma_wait3A_372 = arith.constant 0 : i32
      %dma_wait3A_373 = tpu.memref_slice %arg8[%dma_wait3A_370, %dma_wait3A_371, %dma_wait3A_372] : memref<4x40x512xf32, #tpu.memory_space<vmem>> -> memref<1x40x512xf32, #tpu.memory_space<vmem>>
      %dma_wait3A_374 = tpu.memref_squeeze %dma_wait3A_373 : memref<1x40x512xf32, #tpu.memory_space<vmem>> -> memref<40x512xf32, #tpu.memory_space<vmem>>
      %dma_wait3A_375 = arith.constant 0 : i32
      %dma_wait3A_376 = tpu.memref_slice %arg6[%dma_wait3A_375] : memref<1280xi32, #tpu.memory_space<vmem>> -> memref<40xi32, #tpu.memory_space<vmem>>
      %dma_wait3A_377 = arith.constant 0 : i32
      %dma_wait3A_378 = arith.constant 0 : i32
      %dma_wait3A_379 = tpu.memref_slice %arg2[%dma_wait3A_377, %dma_wait3A_378] : memref<10000x512xf32, #tpu.memory_space<hbm>> -> memref<10000x512xf32, #tpu.memory_space<hbm>>
      tpu.wait_indirect_dma semaphore(%arg11 : memref<!tpu.dma_semaphore, #tpu.memory_space<semaphore_mem>>) src(%dma_wait3A_379 : memref<10000x512xf32, #tpu.memory_space<hbm>>) dst(%dma_wait3A_374 : memref<40x512xf32, #tpu.memory_space<vmem>>)
      %mul3A_380 = arith.constant 33 : i32
      %mul3A_381 = arith.muli %add3A_364, %mul3A_380 : i32
      %add3A_382 = arith.constant 0 : i32
      %add3A_383 = arith.addi %mul3A_381, %add3A_382 : i32
      %mul3A_384 = arith.constant 16 : i32
      %mul3A_385 = arith.muli %add3A_383, %mul3A_384 : i32
      %get3A_386 = arith.index_cast %mul3A_385 : i32 to index
      %get3A_387 = tpu.vector_load %arg7[%get3A_386] {strides = array<i32>} : memref<16896xf32, #tpu.memory_space<vmem>>, vector<16xf32>,
      %get3A_388 = vector.shape_cast %get3A_387 : vector<16xf32> to vector<16xf32>
      %mul3A_389 = arith.constant 33 : i32
      %mul3A_390 = arith.muli %add3A_364, %mul3A_389 : i32
      %add3A_391 = arith.constant 1 : i32
      %add3A_392 = arith.addi %mul3A_390, %add3A_391 : i32
      %mul3A_393 = arith.constant 16 : i32
      %mul3A_394 = arith.muli %add3A_392, %mul3A_393 : i32
      %get3A_395 = arith.index_cast %mul3A_394 : i32 to index
      %get3A_396 = tpu.vector_load %arg7[%get3A_395] {strides = array<i32>} : memref<16896xf32, #tpu.memory_space<vmem>>, vector<16xf32>,
      %get3A_397 = vector.shape_cast %get3A_396 : vector<16xf32> to vector<16xf32>
      %mul3A_398 = arith.constant 33 : i32
      %mul3A_399 = arith.muli %add3A_364, %mul3A_398 : i32
      %add3A_400 = arith.constant 2 : i32
      %add3A_401 = arith.addi %mul3A_399, %add3A_400 : i32
      %mul3A_402 = arith.constant 16 : i32
      %mul3A_403 = arith.muli %add3A_401, %mul3A_402 : i32
      %get3A_404 = arith.index_cast %mul3A_403 : i32 to index
      %get3A_405 = tpu.vector_load %arg7[%get3A_404] {strides = array<i32>} : memref<16896xf32, #tpu.memory_space<vmem>>, vector<16xf32>,
      %get3A_406 = vector.shape_cast %get3A_405 : vector<16xf32> to vector<16xf32>
      %mul3A_407 = arith.constant 33 : i32
      %mul3A_408 = arith.muli %add3A_364, %mul3A_407 : i32
      %add3A_409 = arith.constant 3 : i32
      %add3A_410 = arith.addi %mul3A_408, %add3A_409 : i32
      %mul3A_411 = arith.constant 16 : i32
      %mul3A_412 = arith.muli %add3A_410, %mul3A_411 : i32
      %get3A_413 = arith.index_cast %mul3A_412 : i32 to index
      %get3A_414 = tpu.vector_load %arg7[%get3A_413] {strides = array<i32>} : memref<16896xf32, #tpu.memory_space<vmem>>, vector<16xf32>,
      %get3A_415 = vector.shape_cast %get3A_414 : vector<16xf32> to vector<16xf32>
      %mul3A_416 = arith.constant 33 : i32
      %mul3A_417 = arith.muli %add3A_364, %mul3A_416 : i32
      %add3A_418 = arith.constant 4 : i32
      %add3A_419 = arith.addi %mul3A_417, %add3A_418 : i32
      %mul3A_420 = arith.constant 16 : i32
      %mul3A_421 = arith.muli %add3A_419, %mul3A_420 : i32
      %get3A_422 = arith.index_cast %mul3A_421 : i32 to index
      %get3A_423 = tpu.vector_load %arg7[%get3A_422] {strides = array<i32>} : memref<16896xf32, #tpu.memory_space<vmem>>, vector<16xf32>,
      %get3A_424 = vector.shape_cast %get3A_423 : vector<16xf32> to vector<16xf32>
      %mul3A_425 = arith.constant 33 : i32
      %mul3A_426 = arith.muli %add3A_364, %mul3A_425 : i32
      %add3A_427 = arith.constant 5 : i32
      %add3A_428 = arith.addi %mul3A_426, %add3A_427 : i32
      %mul3A_429 = arith.constant 16 : i32
      %mul3A_430 = arith.muli %add3A_428, %mul3A_429 : i32
      %get3A_431 = arith.index_cast %mul3A_430 : i32 to index
      %get3A_432 = tpu.vector_load %arg7[%get3A_431] {strides = array<i32>} : memref<16896xf32, #tpu.memory_space<vmem>>, vector<16xf32>,
      %get3A_433 = vector.shape_cast %get3A_432 : vector<16xf32> to vector<16xf32>
      %mul3A_434 = arith.constant 33 : i32
      %mul3A_435 = arith.muli %add3A_364, %mul3A_434 : i32
      %add3A_436 = arith.constant 6 : i32
      %add3A_437 = arith.addi %mul3A_435, %add3A_436 : i32
      %mul3A_438 = arith.constant 16 : i32
      %mul3A_439 = arith.muli %add3A_437, %mul3A_438 : i32
      %get3A_440 = arith.index_cast %mul3A_439 : i32 to index
      %get3A_441 = tpu.vector_load %arg7[%get3A_440] {strides = array<i32>} : memref<16896xf32, #tpu.memory_space<vmem>>, vector<16xf32>,
      %get3A_442 = vector.shape_cast %get3A_441 : vector<16xf32> to vector<16xf32>
      %mul3A_443 = arith.constant 33 : i32
      %mul3A_444 = arith.muli %add3A_364, %mul3A_443 : i32
      %add3A_445 = arith.constant 7 : i32
      %add3A_446 = arith.addi %mul3A_444, %add3A_445 : i32
      %mul3A_447 = arith.constant 16 : i32
      %mul3A_448 = arith.muli %add3A_446, %mul3A_447 : i32
      %get3A_449 = arith.index_cast %mul3A_448 : i32 to index
      %get3A_450 = tpu.vector_load %arg7[%get3A_449] {strides = array<i32>} : memref<16896xf32, #tpu.memory_space<vmem>>, vector<16xf32>,
      %get3A_451 = vector.shape_cast %get3A_450 : vector<16xf32> to vector<16xf32>
      %mul3A_452 = arith.constant 33 : i32
      %mul3A_453 = arith.muli %add3A_364, %mul3A_452 : i32
      %add3A_454 = arith.constant 8 : i32
      %add3A_455 = arith.addi %mul3A_453, %add3A_454 : i32
      %mul3A_456 = arith.constant 16 : i32
      %mul3A_457 = arith.muli %add3A_455, %mul3A_456 : i32
      %get3A_458 = arith.index_cast %mul3A_457 : i32 to index
      %get3A_459 = tpu.vector_load %arg7[%get3A_458] {strides = array<i32>} : memref<16896xf32, #tpu.memory_space<vmem>>, vector<16xf32>,
      %get3A_460 = vector.shape_cast %get3A_459 : vector<16xf32> to vector<16xf32>
      %mul3A_461 = arith.constant 33 : i32
      %mul3A_462 = arith.muli %add3A_364, %mul3A_461 : i32
      %add3A_463 = arith.constant 9 : i32
      %add3A_464 = arith.addi %mul3A_462, %add3A_463 : i32
      %mul3A_465 = arith.constant 16 : i32
      %mul3A_466 = arith.muli %add3A_464, %mul3A_465 : i32
      %get3A_467 = arith.index_cast %mul3A_466 : i32 to index
      %get3A_468 = tpu.vector_load %arg7[%get3A_467] {strides = array<i32>} : memref<16896xf32, #tpu.memory_space<vmem>>, vector<16xf32>,
      %get3A_469 = vector.shape_cast %get3A_468 : vector<16xf32> to vector<16xf32>
      %mul3A_470 = arith.constant 33 : i32
      %mul3A_471 = arith.muli %add3A_364, %mul3A_470 : i32
      %add3A_472 = arith.constant 10 : i32
      %add3A_473 = arith.addi %mul3A_471, %add3A_472 : i32
      %mul3A_474 = arith.constant 16 : i32
      %mul3A_475 = arith.muli %add3A_473, %mul3A_474 : i32
      %get3A_476 = arith.index_cast %mul3A_475 : i32 to index
      %get3A_477 = tpu.vector_load %arg7[%get3A_476] {strides = array<i32>} : memref<16896xf32, #tpu.memory_space<vmem>>, vector<16xf32>,
      %get3A_478 = vector.shape_cast %get3A_477 : vector<16xf32> to vector<16xf32>
      %mul3A_479 = arith.constant 33 : i32
      %mul3A_480 = arith.muli %add3A_364, %mul3A_479 : i32
      %add3A_481 = arith.constant 11 : i32
      %add3A_482 = arith.addi %mul3A_480, %add3A_481 : i32
      %mul3A_483 = arith.constant 16 : i32
      %mul3A_484 = arith.muli %add3A_482, %mul3A_483 : i32
      %get3A_485 = arith.index_cast %mul3A_484 : i32 to index
      %get3A_486 = tpu.vector_load %arg7[%get3A_485] {strides = array<i32>} : memref<16896xf32, #tpu.memory_space<vmem>>, vector<16xf32>,
      %get3A_487 = vector.shape_cast %get3A_486 : vector<16xf32> to vector<16xf32>
      %mul3A_488 = arith.constant 33 : i32
      %mul3A_489 = arith.muli %add3A_364, %mul3A_488 : i32
      %add3A_490 = arith.constant 12 : i32
      %add3A_491 = arith.addi %mul3A_489, %add3A_490 : i32
      %mul3A_492 = arith.constant 16 : i32
      %mul3A_493 = arith.muli %add3A_491, %mul3A_492 : i32
      %get3A_494 = arith.index_cast %mul3A_493 : i32 to index
      %get3A_495 = tpu.vector_load %arg7[%get3A_494] {strides = array<i32>} : memref<16896xf32, #tpu.memory_space<vmem>>, vector<16xf32>,
      %get3A_496 = vector.shape_cast %get3A_495 : vector<16xf32> to vector<16xf32>
      %mul3A_497 = arith.constant 33 : i32
      %mul3A_498 = arith.muli %add3A_364, %mul3A_497 : i32
      %add3A_499 = arith.constant 13 : i32
      %add3A_500 = arith.addi %mul3A_498, %add3A_499 : i32
      %mul3A_501 = arith.constant 16 : i32
      %mul3A_502 = arith.muli %add3A_500, %mul3A_501 : i32
      %get3A_503 = arith.index_cast %mul3A_502 : i32 to index
      %get3A_504 = tpu.vector_load %arg7[%get3A_503] {strides = array<i32>} : memref<16896xf32, #tpu.memory_space<vmem>>, vector<16xf32>,
      %get3A_505 = vector.shape_cast %get3A_504 : vector<16xf32> to vector<16xf32>
      %mul3A_506 = arith.constant 33 : i32
      %mul3A_507 = arith.muli %add3A_364, %mul3A_506 : i32
      %add3A_508 = arith.constant 14 : i32
      %add3A_509 = arith.addi %mul3A_507, %add3A_508 : i32
      %mul3A_510 = arith.constant 16 : i32
      %mul3A_511 = arith.muli %add3A_509, %mul3A_510 : i32
      %get3A_512 = arith.index_cast %mul3A_511 : i32 to index
      %get3A_513 = tpu.vector_load %arg7[%get3A_512] {strides = array<i32>} : memref<16896xf32, #tpu.memory_space<vmem>>, vector<16xf32>,
      %get3A_514 = vector.shape_cast %get3A_513 : vector<16xf32> to vector<16xf32>
      %mul3A_515 = arith.constant 33 : i32
      %mul3A_516 = arith.muli %add3A_364, %mul3A_515 : i32
      %add3A_517 = arith.constant 15 : i32
      %add3A_518 = arith.addi %mul3A_516, %add3A_517 : i32
      %mul3A_519 = arith.constant 16 : i32
      %mul3A_520 = arith.muli %add3A_518, %mul3A_519 : i32
      %get3A_521 = arith.index_cast %mul3A_520 : i32 to index
      %get3A_522 = tpu.vector_load %arg7[%get3A_521] {strides = array<i32>} : memref<16896xf32, #tpu.memory_space<vmem>>, vector<16xf32>,
      %get3A_523 = vector.shape_cast %get3A_522 : vector<16xf32> to vector<16xf32>
      %mul3A_524 = arith.constant 33 : i32
      %mul3A_525 = arith.muli %add3A_364, %mul3A_524 : i32
      %add3A_526 = arith.constant 16 : i32
      %add3A_527 = arith.addi %mul3A_525, %add3A_526 : i32
      %mul3A_528 = arith.constant 16 : i32
      %mul3A_529 = arith.muli %add3A_527, %mul3A_528 : i32
      %get3A_530 = arith.index_cast %mul3A_529 : i32 to index
      %get3A_531 = tpu.vector_load %arg7[%get3A_530] {strides = array<i32>} : memref<16896xf32, #tpu.memory_space<vmem>>, vector<16xf32>,
      %get3A_532 = vector.shape_cast %get3A_531 : vector<16xf32> to vector<16xf32>
      %mul3A_533 = arith.constant 33 : i32
      %mul3A_534 = arith.muli %add3A_364, %mul3A_533 : i32
      %add3A_535 = arith.constant 17 : i32
      %add3A_536 = arith.addi %mul3A_534, %add3A_535 : i32
      %mul3A_537 = arith.constant 16 : i32
      %mul3A_538 = arith.muli %add3A_536, %mul3A_537 : i32
      %get3A_539 = arith.index_cast %mul3A_538 : i32 to index
      %get3A_540 = tpu.vector_load %arg7[%get3A_539] {strides = array<i32>} : memref<16896xf32, #tpu.memory_space<vmem>>, vector<16xf32>,
      %get3A_541 = vector.shape_cast %get3A_540 : vector<16xf32> to vector<16xf32>
      %mul3A_542 = arith.constant 33 : i32
      %mul3A_543 = arith.muli %add3A_364, %mul3A_542 : i32
      %add3A_544 = arith.constant 18 : i32
      %add3A_545 = arith.addi %mul3A_543, %add3A_544 : i32
      %mul3A_546 = arith.constant 16 : i32
      %mul3A_547 = arith.muli %add3A_545, %mul3A_546 : i32
      %get3A_548 = arith.index_cast %mul3A_547 : i32 to index
      %get3A_549 = tpu.vector_load %arg7[%get3A_548] {strides = array<i32>} : memref<16896xf32, #tpu.memory_space<vmem>>, vector<16xf32>,
      %get3A_550 = vector.shape_cast %get3A_549 : vector<16xf32> to vector<16xf32>
      %mul3A_551 = arith.constant 33 : i32
      %mul3A_552 = arith.muli %add3A_364, %mul3A_551 : i32
      %add3A_553 = arith.constant 19 : i32
      %add3A_554 = arith.addi %mul3A_552, %add3A_553 : i32
      %mul3A_555 = arith.constant 16 : i32
      %mul3A_556 = arith.muli %add3A_554, %mul3A_555 : i32
      %get3A_557 = arith.index_cast %mul3A_556 : i32 to index
      %get3A_558 = tpu.vector_load %arg7[%get3A_557] {strides = array<i32>} : memref<16896xf32, #tpu.memory_space<vmem>>, vector<16xf32>,
      %get3A_559 = vector.shape_cast %get3A_558 : vector<16xf32> to vector<16xf32>
      %mul3A_560 = arith.constant 33 : i32
      %mul3A_561 = arith.muli %add3A_364, %mul3A_560 : i32
      %add3A_562 = arith.constant 20 : i32
      %add3A_563 = arith.addi %mul3A_561, %add3A_562 : i32
      %mul3A_564 = arith.constant 16 : i32
      %mul3A_565 = arith.muli %add3A_563, %mul3A_564 : i32
      %get3A_566 = arith.index_cast %mul3A_565 : i32 to index
      %get3A_567 = tpu.vector_load %arg7[%get3A_566] {strides = array<i32>} : memref<16896xf32, #tpu.memory_space<vmem>>, vector<16xf32>,
      %get3A_568 = vector.shape_cast %get3A_567 : vector<16xf32> to vector<16xf32>
      %mul3A_569 = arith.constant 33 : i32
      %mul3A_570 = arith.muli %add3A_364, %mul3A_569 : i32
      %add3A_571 = arith.constant 21 : i32
      %add3A_572 = arith.addi %mul3A_570, %add3A_571 : i32
      %mul3A_573 = arith.constant 16 : i32
      %mul3A_574 = arith.muli %add3A_572, %mul3A_573 : i32
      %get3A_575 = arith.index_cast %mul3A_574 : i32 to index
      %get3A_576 = tpu.vector_load %arg7[%get3A_575] {strides = array<i32>} : memref<16896xf32, #tpu.memory_space<vmem>>, vector<16xf32>,
      %get3A_577 = vector.shape_cast %get3A_576 : vector<16xf32> to vector<16xf32>
      %mul3A_578 = arith.constant 33 : i32
      %mul3A_579 = arith.muli %add3A_364, %mul3A_578 : i32
      %add3A_580 = arith.constant 22 : i32
      %add3A_581 = arith.addi %mul3A_579, %add3A_580 : i32
      %mul3A_582 = arith.constant 16 : i32
      %mul3A_583 = arith.muli %add3A_581, %mul3A_582 : i32
      %get3A_584 = arith.index_cast %mul3A_583 : i32 to index
      %get3A_585 = tpu.vector_load %arg7[%get3A_584] {strides = array<i32>} : memref<16896xf32, #tpu.memory_space<vmem>>, vector<16xf32>,
      %get3A_586 = vector.shape_cast %get3A_585 : vector<16xf32> to vector<16xf32>
      %mul3A_587 = arith.constant 33 : i32
      %mul3A_588 = arith.muli %add3A_364, %mul3A_587 : i32
      %add3A_589 = arith.constant 23 : i32
      %add3A_590 = arith.addi %mul3A_588, %add3A_589 : i32
      %mul3A_591 = arith.constant 16 : i32
      %mul3A_592 = arith.muli %add3A_590, %mul3A_591 : i32
      %get3A_593 = arith.index_cast %mul3A_592 : i32 to index
      %get3A_594 = tpu.vector_load %arg7[%get3A_593] {strides = array<i32>} : memref<16896xf32, #tpu.memory_space<vmem>>, vector<16xf32>,
      %get3A_595 = vector.shape_cast %get3A_594 : vector<16xf32> to vector<16xf32>
      %mul3A_596 = arith.constant 33 : i32
      %mul3A_597 = arith.muli %add3A_364, %mul3A_596 : i32
      %add3A_598 = arith.constant 24 : i32
      %add3A_599 = arith.addi %mul3A_597, %add3A_598 : i32
      %mul3A_600 = arith.constant 16 : i32
      %mul3A_601 = arith.muli %add3A_599, %mul3A_600 : i32
      %get3A_602 = arith.index_cast %mul3A_601 : i32 to index
      %get3A_603 = tpu.vector_load %arg7[%get3A_602] {strides = array<i32>} : memref<16896xf32, #tpu.memory_space<vmem>>, vector<16xf32>,
      %get3A_604 = vector.shape_cast %get3A_603 : vector<16xf32> to vector<16xf32>
      %mul3A_605 = arith.constant 33 : i32
      %mul3A_606 = arith.muli %add3A_364, %mul3A_605 : i32
      %add3A_607 = arith.constant 25 : i32
      %add3A_608 = arith.addi %mul3A_606, %add3A_607 : i32
      %mul3A_609 = arith.constant 16 : i32
      %mul3A_610 = arith.muli %add3A_608, %mul3A_609 : i32
      %get3A_611 = arith.index_cast %mul3A_610 : i32 to index
      %get3A_612 = tpu.vector_load %arg7[%get3A_611] {strides = array<i32>} : memref<16896xf32, #tpu.memory_space<vmem>>, vector<16xf32>,
      %get3A_613 = vector.shape_cast %get3A_612 : vector<16xf32> to vector<16xf32>
      %mul3A_614 = arith.constant 33 : i32
      %mul3A_615 = arith.muli %add3A_364, %mul3A_614 : i32
      %add3A_616 = arith.constant 26 : i32
      %add3A_617 = arith.addi %mul3A_615, %add3A_616 : i32
      %mul3A_618 = arith.constant 16 : i32
      %mul3A_619 = arith.muli %add3A_617, %mul3A_618 : i32
      %get3A_620 = arith.index_cast %mul3A_619 : i32 to index
      %get3A_621 = tpu.vector_load %arg7[%get3A_620] {strides = array<i32>} : memref<16896xf32, #tpu.memory_space<vmem>>, vector<16xf32>,
      %get3A_622 = vector.shape_cast %get3A_621 : vector<16xf32> to vector<16xf32>
      %mul3A_623 = arith.constant 33 : i32
      %mul3A_624 = arith.muli %add3A_364, %mul3A_623 : i32
      %add3A_625 = arith.constant 27 : i32
      %add3A_626 = arith.addi %mul3A_624, %add3A_625 : i32
      %mul3A_627 = arith.constant 16 : i32
      %mul3A_628 = arith.muli %add3A_626, %mul3A_627 : i32
      %get3A_629 = arith.index_cast %mul3A_628 : i32 to index
      %get3A_630 = tpu.vector_load %arg7[%get3A_629] {strides = array<i32>} : memref<16896xf32, #tpu.memory_space<vmem>>, vector<16xf32>,
      %get3A_631 = vector.shape_cast %get3A_630 : vector<16xf32> to vector<16xf32>
      %mul3A_632 = arith.constant 33 : i32
      %mul3A_633 = arith.muli %add3A_364, %mul3A_632 : i32
      %add3A_634 = arith.constant 28 : i32
      %add3A_635 = arith.addi %mul3A_633, %add3A_634 : i32
      %mul3A_636 = arith.constant 16 : i32
      %mul3A_637 = arith.muli %add3A_635, %mul3A_636 : i32
      %get3A_638 = arith.index_cast %mul3A_637 : i32 to index
      %get3A_639 = tpu.vector_load %arg7[%get3A_638] {strides = array<i32>} : memref<16896xf32, #tpu.memory_space<vmem>>, vector<16xf32>,
      %get3A_640 = vector.shape_cast %get3A_639 : vector<16xf32> to vector<16xf32>
      %mul3A_641 = arith.constant 33 : i32
      %mul3A_642 = arith.muli %add3A_364, %mul3A_641 : i32
      %add3A_643 = arith.constant 29 : i32
      %add3A_644 = arith.addi %mul3A_642, %add3A_643 : i32
      %mul3A_645 = arith.constant 16 : i32
      %mul3A_646 = arith.muli %add3A_644, %mul3A_645 : i32
      %get3A_647 = arith.index_cast %mul3A_646 : i32 to index
      %get3A_648 = tpu.vector_load %arg7[%get3A_647] {strides = array<i32>} : memref<16896xf32, #tpu.memory_space<vmem>>, vector<16xf32>,
      %get3A_649 = vector.shape_cast %get3A_648 : vector<16xf32> to vector<16xf32>
      %mul3A_650 = arith.constant 33 : i32
      %mul3A_651 = arith.muli %add3A_364, %mul3A_650 : i32
      %add3A_652 = arith.constant 30 : i32
      %add3A_653 = arith.addi %mul3A_651, %add3A_652 : i32
      %mul3A_654 = arith.constant 16 : i32
      %mul3A_655 = arith.muli %add3A_653, %mul3A_654 : i32
      %get3A_656 = arith.index_cast %mul3A_655 : i32 to index
      %get3A_657 = tpu.vector_load %arg7[%get3A_656] {strides = array<i32>} : memref<16896xf32, #tpu.memory_space<vmem>>, vector<16xf32>,
      %get3A_658 = vector.shape_cast %get3A_657 : vector<16xf32> to vector<16xf32>
      %mul3A_659 = arith.constant 33 : i32
      %mul3A_660 = arith.muli %add3A_364, %mul3A_659 : i32
      %add3A_661 = arith.constant 31 : i32
      %add3A_662 = arith.addi %mul3A_660, %add3A_661 : i32
      %mul3A_663 = arith.constant 16 : i32
      %mul3A_664 = arith.muli %add3A_662, %mul3A_663 : i32
      %get3A_665 = arith.index_cast %mul3A_664 : i32 to index
      %get3A_666 = tpu.vector_load %arg7[%get3A_665] {strides = array<i32>} : memref<16896xf32, #tpu.memory_space<vmem>>, vector<16xf32>,
      %get3A_667 = vector.shape_cast %get3A_666 : vector<16xf32> to vector<16xf32>
      %mul3A_668 = arith.constant 33 : i32
      %mul3A_669 = arith.muli %add3A_364, %mul3A_668 : i32
      %add3A_670 = arith.constant 32 : i32
      %add3A_671 = arith.addi %mul3A_669, %add3A_670 : i32
      %mul3A_672 = arith.constant 16 : i32
      %mul3A_673 = arith.muli %add3A_671, %mul3A_672 : i32
      %get3A_674 = arith.index_cast %mul3A_673 : i32 to index
      %get3A_675 = tpu.vector_load %arg7[%get3A_674] {strides = array<i32>} : memref<16896xf32, #tpu.memory_space<vmem>>, vector<16xf32>,
      %get3A_676 = vector.shape_cast %get3A_675 : vector<16xf32> to vector<16xf32>
      %scan3A_677 = arith.constant 0 : i32
      %scan3A_678 = arith.constant 0 : i32
      %scan3A_679 = arith.constant 32 : i32
      %scan3A_680 = arith.addi %scan3A_678, %scan3A_679 : i32
      %scan3A_681 = arith.constant 1 : i32
      scf.for %scan3A_1327 = %scan3A_678 to %scan3A_680 step %scan3A_681  : i32 {
        %mul3A_1328 = arith.constant 16 : i32
        %mul3A_1329 = arith.muli %scan3A_1327, %mul3A_1328 : i32
        %get3A_1330 = arith.constant 1 : i32
        %get3A_1331 = arith.constant 0 : i32
        %get3A_1332 = arith.index_cast %get3A_1330 : i32 to index
        %get3A_1333 = arith.index_cast %get3A_1331 : i32 to index
        %get3A_1334 = arith.index_cast %mul3A_1329 : i32 to index
        %get3A_1335 = tpu.vector_load %arg8[%get3A_1332, %get3A_1333, %get3A_1334] {strides = array<i32>} : memref<4x40x512xf32, #tpu.memory_space<vmem>>, vector<1x1x16xf32>,
        %get3A_1336 = vector.shape_cast %get3A_1335 : vector<1x1x16xf32> to vector<16xf32>
        %mul3A_1337 = arith.mulf %get3A_388, %get3A_1336 : vector<16xf32>
        %get3A_1338 = arith.constant 1 : i32
        %get3A_1339 = arith.constant 1 : i32
        %get3A_1340 = arith.index_cast %get3A_1338 : i32 to index
        %get3A_1341 = arith.index_cast %get3A_1339 : i32 to index
        %get3A_1342 = arith.index_cast %mul3A_1329 : i32 to index
        %get3A_1343 = tpu.vector_load %arg8[%get3A_1340, %get3A_1341, %get3A_1342] {strides = array<i32>} : memref<4x40x512xf32, #tpu.memory_space<vmem>>, vector<1x1x16xf32>,
        %get3A_1344 = vector.shape_cast %get3A_1343 : vector<1x1x16xf32> to vector<16xf32>
        %mul3A_1345 = arith.mulf %get3A_397, %get3A_1344 : vector<16xf32>
        %get3A_1346 = arith.constant 1 : i32
        %get3A_1347 = arith.constant 2 : i32
        %get3A_1348 = arith.index_cast %get3A_1346 : i32 to index
        %get3A_1349 = arith.index_cast %get3A_1347 : i32 to index
        %get3A_1350 = arith.index_cast %mul3A_1329 : i32 to index
        %get3A_1351 = tpu.vector_load %arg8[%get3A_1348, %get3A_1349, %get3A_1350] {strides = array<i32>} : memref<4x40x512xf32, #tpu.memory_space<vmem>>, vector<1x1x16xf32>,
        %get3A_1352 = vector.shape_cast %get3A_1351 : vector<1x1x16xf32> to vector<16xf32>
        %mul3A_1353 = arith.mulf %get3A_406, %get3A_1352 : vector<16xf32>
        %add3A_1354 = arith.addf %mul3A_1337, %mul3A_1353 : vector<16xf32>
        %get3A_1355 = arith.constant 1 : i32
        %get3A_1356 = arith.constant 4 : i32
        %get3A_1357 = arith.index_cast %get3A_1355 : i32 to index
        %get3A_1358 = arith.index_cast %get3A_1356 : i32 to index
        %get3A_1359 = arith.index_cast %mul3A_1329 : i32 to index
        %get3A_1360 = tpu.vector_load %arg8[%get3A_1357, %get3A_1358, %get3A_1359] {strides = array<i32>} : memref<4x40x512xf32, #tpu.memory_space<vmem>>, vector<1x1x16xf32>,
        %get3A_1361 = vector.shape_cast %get3A_1360 : vector<1x1x16xf32> to vector<16xf32>
        %mul3A_1362 = arith.mulf %get3A_424, %get3A_1361 : vector<16xf32>
        %add3A_1363 = arith.addf %add3A_1354, %mul3A_1362 : vector<16xf32>
        %get3A_1364 = arith.constant 1 : i32
        %get3A_1365 = arith.constant 6 : i32
        %get3A_1366 = arith.index_cast %get3A_1364 : i32 to index
        %get3A_1367 = arith.index_cast %get3A_1365 : i32 to index
        %get3A_1368 = arith.index_cast %mul3A_1329 : i32 to index
        %get3A_1369 = tpu.vector_load %arg8[%get3A_1366, %get3A_1367, %get3A_1368] {strides = array<i32>} : memref<4x40x512xf32, #tpu.memory_space<vmem>>, vector<1x1x16xf32>,
        %get3A_1370 = vector.shape_cast %get3A_1369 : vector<1x1x16xf32> to vector<16xf32>
        %mul3A_1371 = arith.mulf %get3A_442, %get3A_1370 : vector<16xf32>
        %add3A_1372 = arith.addf %add3A_1363, %mul3A_1371 : vector<16xf32>
        %get3A_1373 = arith.constant 1 : i32
        %get3A_1374 = arith.constant 8 : i32
        %get3A_1375 = arith.index_cast %get3A_1373 : i32 to index
        %get3A_1376 = arith.index_cast %get3A_1374 : i32 to index
        %get3A_1377 = arith.index_cast %mul3A_1329 : i32 to index
        %get3A_1378 = tpu.vector_load %arg8[%get3A_1375, %get3A_1376, %get3A_1377] {strides = array<i32>} : memref<4x40x512xf32, #tpu.memory_space<vmem>>, vector<1x1x16xf32>,
        %get3A_1379 = vector.shape_cast %get3A_1378 : vector<1x1x16xf32> to vector<16xf32>
        %mul3A_1380 = arith.mulf %get3A_460, %get3A_1379 : vector<16xf32>
        %add3A_1381 = arith.addf %add3A_1372, %mul3A_1380 : vector<16xf32>
        %get3A_1382 = arith.constant 1 : i32
        %get3A_1383 = arith.constant 10 : i32
        %get3A_1384 = arith.index_cast %get3A_1382 : i32 to index
        %get3A_1385 = arith.index_cast %get3A_1383 : i32 to index
        %get3A_1386 = arith.index_cast %mul3A_1329 : i32 to index
        %get3A_1387 = tpu.vector_load %arg8[%get3A_1384, %get3A_1385, %get3A_1386] {strides = array<i32>} : memref<4x40x512xf32, #tpu.memory_space<vmem>>, vector<1x1x16xf32>,
        %get3A_1388 = vector.shape_cast %get3A_1387 : vector<1x1x16xf32> to vector<16xf32>
        %mul3A_1389 = arith.mulf %get3A_478, %get3A_1388 : vector<16xf32>
        %add3A_1390 = arith.addf %add3A_1381, %mul3A_1389 : vector<16xf32>
        %get3A_1391 = arith.constant 1 : i32
        %get3A_1392 = arith.constant 12 : i32
        %get3A_1393 = arith.index_cast %get3A_1391 : i32 to index
        %get3A_1394 = arith.index_cast %get3A_1392 : i32 to index
        %get3A_1395 = arith.index_cast %mul3A_1329 : i32 to index
        %get3A_1396 = tpu.vector_load %arg8[%get3A_1393, %get3A_1394, %get3A_1395] {strides = array<i32>} : memref<4x40x512xf32, #tpu.memory_space<vmem>>, vector<1x1x16xf32>,
        %get3A_1397 = vector.shape_cast %get3A_1396 : vector<1x1x16xf32> to vector<16xf32>
        %mul3A_1398 = arith.mulf %get3A_496, %get3A_1397 : vector<16xf32>
        %add3A_1399 = arith.addf %add3A_1390, %mul3A_1398 : vector<16xf32>
        %get3A_1400 = arith.constant 1 : i32
        %get3A_1401 = arith.constant 14 : i32
        %get3A_1402 = arith.index_cast %get3A_1400 : i32 to index
        %get3A_1403 = arith.index_cast %get3A_1401 : i32 to index
        %get3A_1404 = arith.index_cast %mul3A_1329 : i32 to index
        %get3A_1405 = tpu.vector_load %arg8[%get3A_1402, %get3A_1403, %get3A_1404] {strides = array<i32>} : memref<4x40x512xf32, #tpu.memory_space<vmem>>, vector<1x1x16xf32>,
        %get3A_1406 = vector.shape_cast %get3A_1405 : vector<1x1x16xf32> to vector<16xf32>
        %mul3A_1407 = arith.mulf %get3A_514, %get3A_1406 : vector<16xf32>
        %add3A_1408 = arith.addf %add3A_1399, %mul3A_1407 : vector<16xf32>
        %get3A_1409 = arith.constant 1 : i32
        %get3A_1410 = arith.constant 16 : i32
        %get3A_1411 = arith.index_cast %get3A_1409 : i32 to index
        %get3A_1412 = arith.index_cast %get3A_1410 : i32 to index
        %get3A_1413 = arith.index_cast %mul3A_1329 : i32 to index
        %get3A_1414 = tpu.vector_load %arg8[%get3A_1411, %get3A_1412, %get3A_1413] {strides = array<i32>} : memref<4x40x512xf32, #tpu.memory_space<vmem>>, vector<1x1x16xf32>,
        %get3A_1415 = vector.shape_cast %get3A_1414 : vector<1x1x16xf32> to vector<16xf32>
        %mul3A_1416 = arith.mulf %get3A_532, %get3A_1415 : vector<16xf32>
        %add3A_1417 = arith.addf %add3A_1408, %mul3A_1416 : vector<16xf32>
        %get3A_1418 = arith.constant 1 : i32
        %get3A_1419 = arith.constant 18 : i32
        %get3A_1420 = arith.index_cast %get3A_1418 : i32 to index
        %get3A_1421 = arith.index_cast %get3A_1419 : i32 to index
        %get3A_1422 = arith.index_cast %mul3A_1329 : i32 to index
        %get3A_1423 = tpu.vector_load %arg8[%get3A_1420, %get3A_1421, %get3A_1422] {strides = array<i32>} : memref<4x40x512xf32, #tpu.memory_space<vmem>>, vector<1x1x16xf32>,
        %get3A_1424 = vector.shape_cast %get3A_1423 : vector<1x1x16xf32> to vector<16xf32>
        %mul3A_1425 = arith.mulf %get3A_550, %get3A_1424 : vector<16xf32>
        %add3A_1426 = arith.addf %add3A_1417, %mul3A_1425 : vector<16xf32>
        %get3A_1427 = arith.constant 1 : i32
        %get3A_1428 = arith.constant 20 : i32
        %get3A_1429 = arith.index_cast %get3A_1427 : i32 to index
        %get3A_1430 = arith.index_cast %get3A_1428 : i32 to index
        %get3A_1431 = arith.index_cast %mul3A_1329 : i32 to index
        %get3A_1432 = tpu.vector_load %arg8[%get3A_1429, %get3A_1430, %get3A_1431] {strides = array<i32>} : memref<4x40x512xf32, #tpu.memory_space<vmem>>, vector<1x1x16xf32>,
        %get3A_1433 = vector.shape_cast %get3A_1432 : vector<1x1x16xf32> to vector<16xf32>
        %mul3A_1434 = arith.mulf %get3A_568, %get3A_1433 : vector<16xf32>
        %add3A_1435 = arith.addf %add3A_1426, %mul3A_1434 : vector<16xf32>
        %get3A_1436 = arith.constant 1 : i32
        %get3A_1437 = arith.constant 22 : i32
        %get3A_1438 = arith.index_cast %get3A_1436 : i32 to index
        %get3A_1439 = arith.index_cast %get3A_1437 : i32 to index
        %get3A_1440 = arith.index_cast %mul3A_1329 : i32 to index
        %get3A_1441 = tpu.vector_load %arg8[%get3A_1438, %get3A_1439, %get3A_1440] {strides = array<i32>} : memref<4x40x512xf32, #tpu.memory_space<vmem>>, vector<1x1x16xf32>,
        %get3A_1442 = vector.shape_cast %get3A_1441 : vector<1x1x16xf32> to vector<16xf32>
        %mul3A_1443 = arith.mulf %get3A_586, %get3A_1442 : vector<16xf32>
        %add3A_1444 = arith.addf %add3A_1435, %mul3A_1443 : vector<16xf32>
        %get3A_1445 = arith.constant 1 : i32
        %get3A_1446 = arith.constant 24 : i32
        %get3A_1447 = arith.index_cast %get3A_1445 : i32 to index
        %get3A_1448 = arith.index_cast %get3A_1446 : i32 to index
        %get3A_1449 = arith.index_cast %mul3A_1329 : i32 to index
        %get3A_1450 = tpu.vector_load %arg8[%get3A_1447, %get3A_1448, %get3A_1449] {strides = array<i32>} : memref<4x40x512xf32, #tpu.memory_space<vmem>>, vector<1x1x16xf32>,
        %get3A_1451 = vector.shape_cast %get3A_1450 : vector<1x1x16xf32> to vector<16xf32>
        %mul3A_1452 = arith.mulf %get3A_604, %get3A_1451 : vector<16xf32>
        %add3A_1453 = arith.addf %add3A_1444, %mul3A_1452 : vector<16xf32>
        %get3A_1454 = arith.constant 1 : i32
        %get3A_1455 = arith.constant 26 : i32
        %get3A_1456 = arith.index_cast %get3A_1454 : i32 to index
        %get3A_1457 = arith.index_cast %get3A_1455 : i32 to index
        %get3A_1458 = arith.index_cast %mul3A_1329 : i32 to index
        %get3A_1459 = tpu.vector_load %arg8[%get3A_1456, %get3A_1457, %get3A_1458] {strides = array<i32>} : memref<4x40x512xf32, #tpu.memory_space<vmem>>, vector<1x1x16xf32>,
        %get3A_1460 = vector.shape_cast %get3A_1459 : vector<1x1x16xf32> to vector<16xf32>
        %mul3A_1461 = arith.mulf %get3A_622, %get3A_1460 : vector<16xf32>
        %add3A_1462 = arith.addf %add3A_1453, %mul3A_1461 : vector<16xf32>
        %get3A_1463 = arith.constant 1 : i32
        %get3A_1464 = arith.constant 28 : i32
        %get3A_1465 = arith.index_cast %get3A_1463 : i32 to index
        %get3A_1466 = arith.index_cast %get3A_1464 : i32 to index
        %get3A_1467 = arith.index_cast %mul3A_1329 : i32 to index
        %get3A_1468 = tpu.vector_load %arg8[%get3A_1465, %get3A_1466, %get3A_1467] {strides = array<i32>} : memref<4x40x512xf32, #tpu.memory_space<vmem>>, vector<1x1x16xf32>,
        %get3A_1469 = vector.shape_cast %get3A_1468 : vector<1x1x16xf32> to vector<16xf32>
        %mul3A_1470 = arith.mulf %get3A_640, %get3A_1469 : vector<16xf32>
        %add3A_1471 = arith.addf %add3A_1462, %mul3A_1470 : vector<16xf32>
        %get3A_1472 = arith.constant 1 : i32
        %get3A_1473 = arith.constant 30 : i32
        %get3A_1474 = arith.index_cast %get3A_1472 : i32 to index
        %get3A_1475 = arith.index_cast %get3A_1473 : i32 to index
        %get3A_1476 = arith.index_cast %mul3A_1329 : i32 to index
        %get3A_1477 = tpu.vector_load %arg8[%get3A_1474, %get3A_1475, %get3A_1476] {strides = array<i32>} : memref<4x40x512xf32, #tpu.memory_space<vmem>>, vector<1x1x16xf32>,
        %get3A_1478 = vector.shape_cast %get3A_1477 : vector<1x1x16xf32> to vector<16xf32>
        %mul3A_1479 = arith.mulf %get3A_658, %get3A_1478 : vector<16xf32>
        %add3A_1480 = arith.addf %add3A_1471, %mul3A_1479 : vector<16xf32>
        %get3A_1481 = arith.constant 1 : i32
        %get3A_1482 = arith.constant 32 : i32
        %get3A_1483 = arith.index_cast %get3A_1481 : i32 to index
        %get3A_1484 = arith.index_cast %get3A_1482 : i32 to index
        %get3A_1485 = arith.index_cast %mul3A_1329 : i32 to index
        %get3A_1486 = tpu.vector_load %arg8[%get3A_1483, %get3A_1484, %get3A_1485] {strides = array<i32>} : memref<4x40x512xf32, #tpu.memory_space<vmem>>, vector<1x1x16xf32>,
        %get3A_1487 = vector.shape_cast %get3A_1486 : vector<1x1x16xf32> to vector<16xf32>
        %mul3A_1488 = arith.mulf %get3A_676, %get3A_1487 : vector<16xf32>
        %add3A_1489 = arith.addf %add3A_1480, %mul3A_1488 : vector<16xf32>
        %get3A_1490 = arith.constant 1 : i32
        %get3A_1491 = arith.constant 3 : i32
        %get3A_1492 = arith.index_cast %get3A_1490 : i32 to index
        %get3A_1493 = arith.index_cast %get3A_1491 : i32 to index
        %get3A_1494 = arith.index_cast %mul3A_1329 : i32 to index
        %get3A_1495 = tpu.vector_load %arg8[%get3A_1492, %get3A_1493, %get3A_1494] {strides = array<i32>} : memref<4x40x512xf32, #tpu.memory_space<vmem>>, vector<1x1x16xf32>,
        %get3A_1496 = vector.shape_cast %get3A_1495 : vector<1x1x16xf32> to vector<16xf32>
        %mul3A_1497 = arith.mulf %get3A_415, %get3A_1496 : vector<16xf32>
        %add3A_1498 = arith.addf %mul3A_1345, %mul3A_1497 : vector<16xf32>
        %get3A_1499 = arith.constant 1 : i32
        %get3A_1500 = arith.constant 5 : i32
        %get3A_1501 = arith.index_cast %get3A_1499 : i32 to index
        %get3A_1502 = arith.index_cast %get3A_1500 : i32 to index
        %get3A_1503 = arith.index_cast %mul3A_1329 : i32 to index
        %get3A_1504 = tpu.vector_load %arg8[%get3A_1501, %get3A_1502, %get3A_1503] {strides = array<i32>} : memref<4x40x512xf32, #tpu.memory_space<vmem>>, vector<1x1x16xf32>,
        %get3A_1505 = vector.shape_cast %get3A_1504 : vector<1x1x16xf32> to vector<16xf32>
        %mul3A_1506 = arith.mulf %get3A_433, %get3A_1505 : vector<16xf32>
        %add3A_1507 = arith.addf %add3A_1498, %mul3A_1506 : vector<16xf32>
        %get3A_1508 = arith.constant 1 : i32
        %get3A_1509 = arith.constant 7 : i32
        %get3A_1510 = arith.index_cast %get3A_1508 : i32 to index
        %get3A_1511 = arith.index_cast %get3A_1509 : i32 to index
        %get3A_1512 = arith.index_cast %mul3A_1329 : i32 to index
        %get3A_1513 = tpu.vector_load %arg8[%get3A_1510, %get3A_1511, %get3A_1512] {strides = array<i32>} : memref<4x40x512xf32, #tpu.memory_space<vmem>>, vector<1x1x16xf32>,
        %get3A_1514 = vector.shape_cast %get3A_1513 : vector<1x1x16xf32> to vector<16xf32>
        %mul3A_1515 = arith.mulf %get3A_451, %get3A_1514 : vector<16xf32>
        %add3A_1516 = arith.addf %add3A_1507, %mul3A_1515 : vector<16xf32>
        %get3A_1517 = arith.constant 1 : i32
        %get3A_1518 = arith.constant 9 : i32
        %get3A_1519 = arith.index_cast %get3A_1517 : i32 to index
        %get3A_1520 = arith.index_cast %get3A_1518 : i32 to index
        %get3A_1521 = arith.index_cast %mul3A_1329 : i32 to index
        %get3A_1522 = tpu.vector_load %arg8[%get3A_1519, %get3A_1520, %get3A_1521] {strides = array<i32>} : memref<4x40x512xf32, #tpu.memory_space<vmem>>, vector<1x1x16xf32>,
        %get3A_1523 = vector.shape_cast %get3A_1522 : vector<1x1x16xf32> to vector<16xf32>
        %mul3A_1524 = arith.mulf %get3A_469, %get3A_1523 : vector<16xf32>
        %add3A_1525 = arith.addf %add3A_1516, %mul3A_1524 : vector<16xf32>
        %get3A_1526 = arith.constant 1 : i32
        %get3A_1527 = arith.constant 11 : i32
        %get3A_1528 = arith.index_cast %get3A_1526 : i32 to index
        %get3A_1529 = arith.index_cast %get3A_1527 : i32 to index
        %get3A_1530 = arith.index_cast %mul3A_1329 : i32 to index
        %get3A_1531 = tpu.vector_load %arg8[%get3A_1528, %get3A_1529, %get3A_1530] {strides = array<i32>} : memref<4x40x512xf32, #tpu.memory_space<vmem>>, vector<1x1x16xf32>,
        %get3A_1532 = vector.shape_cast %get3A_1531 : vector<1x1x16xf32> to vector<16xf32>
        %mul3A_1533 = arith.mulf %get3A_487, %get3A_1532 : vector<16xf32>
        %add3A_1534 = arith.addf %add3A_1525, %mul3A_1533 : vector<16xf32>
        %get3A_1535 = arith.constant 1 : i32
        %get3A_1536 = arith.constant 13 : i32
        %get3A_1537 = arith.index_cast %get3A_1535 : i32 to index
        %get3A_1538 = arith.index_cast %get3A_1536 : i32 to index
        %get3A_1539 = arith.index_cast %mul3A_1329 : i32 to index
        %get3A_1540 = tpu.vector_load %arg8[%get3A_1537, %get3A_1538, %get3A_1539] {strides = array<i32>} : memref<4x40x512xf32, #tpu.memory_space<vmem>>, vector<1x1x16xf32>,
        %get3A_1541 = vector.shape_cast %get3A_1540 : vector<1x1x16xf32> to vector<16xf32>
        %mul3A_1542 = arith.mulf %get3A_505, %get3A_1541 : vector<16xf32>
        %add3A_1543 = arith.addf %add3A_1534, %mul3A_1542 : vector<16xf32>
        %get3A_1544 = arith.constant 1 : i32
        %get3A_1545 = arith.constant 15 : i32
        %get3A_1546 = arith.index_cast %get3A_1544 : i32 to index
        %get3A_1547 = arith.index_cast %get3A_1545 : i32 to index
        %get3A_1548 = arith.index_cast %mul3A_1329 : i32 to index
        %get3A_1549 = tpu.vector_load %arg8[%get3A_1546, %get3A_1547, %get3A_1548] {strides = array<i32>} : memref<4x40x512xf32, #tpu.memory_space<vmem>>, vector<1x1x16xf32>,
        %get3A_1550 = vector.shape_cast %get3A_1549 : vector<1x1x16xf32> to vector<16xf32>
        %mul3A_1551 = arith.mulf %get3A_523, %get3A_1550 : vector<16xf32>
        %add3A_1552 = arith.addf %add3A_1543, %mul3A_1551 : vector<16xf32>
        %get3A_1553 = arith.constant 1 : i32
        %get3A_1554 = arith.constant 17 : i32
        %get3A_1555 = arith.index_cast %get3A_1553 : i32 to index
        %get3A_1556 = arith.index_cast %get3A_1554 : i32 to index
        %get3A_1557 = arith.index_cast %mul3A_1329 : i32 to index
        %get3A_1558 = tpu.vector_load %arg8[%get3A_1555, %get3A_1556, %get3A_1557] {strides = array<i32>} : memref<4x40x512xf32, #tpu.memory_space<vmem>>, vector<1x1x16xf32>,
        %get3A_1559 = vector.shape_cast %get3A_1558 : vector<1x1x16xf32> to vector<16xf32>
        %mul3A_1560 = arith.mulf %get3A_541, %get3A_1559 : vector<16xf32>
        %add3A_1561 = arith.addf %add3A_1552, %mul3A_1560 : vector<16xf32>
        %get3A_1562 = arith.constant 1 : i32
        %get3A_1563 = arith.constant 19 : i32
        %get3A_1564 = arith.index_cast %get3A_1562 : i32 to index
        %get3A_1565 = arith.index_cast %get3A_1563 : i32 to index
        %get3A_1566 = arith.index_cast %mul3A_1329 : i32 to index
        %get3A_1567 = tpu.vector_load %arg8[%get3A_1564, %get3A_1565, %get3A_1566] {strides = array<i32>} : memref<4x40x512xf32, #tpu.memory_space<vmem>>, vector<1x1x16xf32>,
        %get3A_1568 = vector.shape_cast %get3A_1567 : vector<1x1x16xf32> to vector<16xf32>
        %mul3A_1569 = arith.mulf %get3A_559, %get3A_1568 : vector<16xf32>
        %add3A_1570 = arith.addf %add3A_1561, %mul3A_1569 : vector<16xf32>
        %get3A_1571 = arith.constant 1 : i32
        %get3A_1572 = arith.constant 21 : i32
        %get3A_1573 = arith.index_cast %get3A_1571 : i32 to index
        %get3A_1574 = arith.index_cast %get3A_1572 : i32 to index
        %get3A_1575 = arith.index_cast %mul3A_1329 : i32 to index
        %get3A_1576 = tpu.vector_load %arg8[%get3A_1573, %get3A_1574, %get3A_1575] {strides = array<i32>} : memref<4x40x512xf32, #tpu.memory_space<vmem>>, vector<1x1x16xf32>,
        %get3A_1577 = vector.shape_cast %get3A_1576 : vector<1x1x16xf32> to vector<16xf32>
        %mul3A_1578 = arith.mulf %get3A_577, %get3A_1577 : vector<16xf32>
        %add3A_1579 = arith.addf %add3A_1570, %mul3A_1578 : vector<16xf32>
        %get3A_1580 = arith.constant 1 : i32
        %get3A_1581 = arith.constant 23 : i32
        %get3A_1582 = arith.index_cast %get3A_1580 : i32 to index
        %get3A_1583 = arith.index_cast %get3A_1581 : i32 to index
        %get3A_1584 = arith.index_cast %mul3A_1329 : i32 to index
        %get3A_1585 = tpu.vector_load %arg8[%get3A_1582, %get3A_1583, %get3A_1584] {strides = array<i32>} : memref<4x40x512xf32, #tpu.memory_space<vmem>>, vector<1x1x16xf32>,
        %get3A_1586 = vector.shape_cast %get3A_1585 : vector<1x1x16xf32> to vector<16xf32>
        %mul3A_1587 = arith.mulf %get3A_595, %get3A_1586 : vector<16xf32>
        %add3A_1588 = arith.addf %add3A_1579, %mul3A_1587 : vector<16xf32>
        %get3A_1589 = arith.constant 1 : i32
        %get3A_1590 = arith.constant 25 : i32
        %get3A_1591 = arith.index_cast %get3A_1589 : i32 to index
        %get3A_1592 = arith.index_cast %get3A_1590 : i32 to index
        %get3A_1593 = arith.index_cast %mul3A_1329 : i32 to index
        %get3A_1594 = tpu.vector_load %arg8[%get3A_1591, %get3A_1592, %get3A_1593] {strides = array<i32>} : memref<4x40x512xf32, #tpu.memory_space<vmem>>, vector<1x1x16xf32>,
        %get3A_1595 = vector.shape_cast %get3A_1594 : vector<1x1x16xf32> to vector<16xf32>
        %mul3A_1596 = arith.mulf %get3A_613, %get3A_1595 : vector<16xf32>
        %add3A_1597 = arith.addf %add3A_1588, %mul3A_1596 : vector<16xf32>
        %get3A_1598 = arith.constant 1 : i32
        %get3A_1599 = arith.constant 27 : i32
        %get3A_1600 = arith.index_cast %get3A_1598 : i32 to index
        %get3A_1601 = arith.index_cast %get3A_1599 : i32 to index
        %get3A_1602 = arith.index_cast %mul3A_1329 : i32 to index
        %get3A_1603 = tpu.vector_load %arg8[%get3A_1600, %get3A_1601, %get3A_1602] {strides = array<i32>} : memref<4x40x512xf32, #tpu.memory_space<vmem>>, vector<1x1x16xf32>,
        %get3A_1604 = vector.shape_cast %get3A_1603 : vector<1x1x16xf32> to vector<16xf32>
        %mul3A_1605 = arith.mulf %get3A_631, %get3A_1604 : vector<16xf32>
        %add3A_1606 = arith.addf %add3A_1597, %mul3A_1605 : vector<16xf32>
        %get3A_1607 = arith.constant 1 : i32
        %get3A_1608 = arith.constant 29 : i32
        %get3A_1609 = arith.index_cast %get3A_1607 : i32 to index
        %get3A_1610 = arith.index_cast %get3A_1608 : i32 to index
        %get3A_1611 = arith.index_cast %mul3A_1329 : i32 to index
        %get3A_1612 = tpu.vector_load %arg8[%get3A_1609, %get3A_1610, %get3A_1611] {strides = array<i32>} : memref<4x40x512xf32, #tpu.memory_space<vmem>>, vector<1x1x16xf32>,
        %get3A_1613 = vector.shape_cast %get3A_1612 : vector<1x1x16xf32> to vector<16xf32>
        %mul3A_1614 = arith.mulf %get3A_649, %get3A_1613 : vector<16xf32>
        %add3A_1615 = arith.addf %add3A_1606, %mul3A_1614 : vector<16xf32>
        %get3A_1616 = arith.constant 1 : i32
        %get3A_1617 = arith.constant 31 : i32
        %get3A_1618 = arith.index_cast %get3A_1616 : i32 to index
        %get3A_1619 = arith.index_cast %get3A_1617 : i32 to index
        %get3A_1620 = arith.index_cast %mul3A_1329 : i32 to index
        %get3A_1621 = tpu.vector_load %arg8[%get3A_1618, %get3A_1619, %get3A_1620] {strides = array<i32>} : memref<4x40x512xf32, #tpu.memory_space<vmem>>, vector<1x1x16xf32>,
        %get3A_1622 = vector.shape_cast %get3A_1621 : vector<1x1x16xf32> to vector<16xf32>
        %mul3A_1623 = arith.mulf %get3A_667, %get3A_1622 : vector<16xf32>
        %add3A_1624 = arith.addf %add3A_1615, %mul3A_1623 : vector<16xf32>
        %add3A_1625 = arith.addf %add3A_1489, %add3A_1624 : vector<16xf32>
        %swap3A = arith.index_cast %add3A_364 : i32 to index
        %swap3A_1626 = arith.index_cast %mul3A_1329 : i32 to index
        %swap3A_1627 = tpu.vector_load %arg9[%swap3A, %swap3A_1626] {strides = array<i32>} : memref<32x512xf32, #tpu.memory_space<vmem>>, vector<1x16xf32>,
        %swap3A_1628 = vector.shape_cast %swap3A_1627 : vector<1x16xf32> to vector<16xf32>
        %swap3A_1629 = vector.shape_cast %add3A_1625 : vector<16xf32> to vector<1x16xf32>
        tpu.vector_store %arg9[%swap3A, %swap3A_1626], %swap3A_1629 {strides = array<i32>} : memref<32x512xf32, #tpu.memory_space<vmem>>, vector<1x16xf32>,
      }
      %scan3A_682 = arith.constant 32 : i32
      %mul3A_683 = arith.constant 4 : i32
      %mul3A_684 = arith.muli %mul3A_683, %scan3A_43 : i32
      %add3A_685 = arith.constant 2 : i32
      %add3A_686 = arith.addi %mul3A_684, %add3A_685 : i32
      %lt3A_687 = arith.constant 29 : i32
      %lt3A_688 = arith.cmpi slt, %add3A_686, %lt3A_687 : i32
      %convert_element_type3A_689 = arith.extui %lt3A_688 : i1 to i32
      %cond3A_690 = arith.constant 0 : i32
      %cond3A_691 = arith.cmpi ne, %convert_element_type3A_689, %cond3A_690 : i32
      scf.if %cond3A_691 {
        %add3A_1327 = arith.constant 4 : i32
        %add3A_1328 = arith.addi %add3A_686, %add3A_1327 : i32
        %sub3A = arith.constant 1 : i32
        %sub3A_1329 = arith.subi %add3A_1328, %sub3A : i32
        %mul3A_1330 = arith.constant 40 : i32
        %mul3A_1331 = arith.muli %sub3A_1329, %mul3A_1330 : i32
        %dma_start3A_1332 = arith.constant 1 : i32
        %dma_start3A_1333 = arith.constant 0 : i32
        %dma_start3A_1334 = arith.constant 0 : i32
        %dma_start3A_1335 = tpu.memref_slice %arg8[%dma_start3A_1332, %dma_start3A_1333, %dma_start3A_1334] : memref<4x40x512xf32, #tpu.memory_space<vmem>> -> memref<1x40x512xf32, #tpu.memory_space<vmem>>
        %dma_start3A_1336 = tpu.memref_squeeze %dma_start3A_1335 : memref<1x40x512xf32, #tpu.memory_space<vmem>> -> memref<40x512xf32, #tpu.memory_space<vmem>>
        %dma_start3A_1337 = tpu.memref_slice %arg6[%mul3A_1331] : memref<1280xi32, #tpu.memory_space<vmem>> -> memref<40xi32, #tpu.memory_space<vmem>>
        %dma_start3A_1338 = arith.constant 0 : i32
        %dma_start3A_1339 = arith.constant 0 : i32
        %dma_start3A_1340 = tpu.memref_slice %arg2[%dma_start3A_1338, %dma_start3A_1339] : memref<10000x512xf32, #tpu.memory_space<hbm>> -> memref<10000x512xf32, #tpu.memory_space<hbm>>
        tpu.enqueue_indirect_dma source(%dma_start3A_1340 : memref<10000x512xf32, #tpu.memory_space<hbm>>) target(%dma_start3A_1336 : memref<40x512xf32, #tpu.memory_space<vmem>>) offsets(%dma_start3A_1337 : memref<40xi32, #tpu.memory_space<vmem>>) semaphore(%arg11 : memref<!tpu.dma_semaphore, #tpu.memory_space<semaphore_mem>>)
      } else {
      }
      %dma_wait3A_692 = arith.constant 2 : i32
      %dma_wait3A_693 = arith.constant 0 : i32
      %dma_wait3A_694 = arith.constant 0 : i32
      %dma_wait3A_695 = tpu.memref_slice %arg8[%dma_wait3A_692, %dma_wait3A_693, %dma_wait3A_694] : memref<4x40x512xf32, #tpu.memory_space<vmem>> -> memref<1x40x512xf32, #tpu.memory_space<vmem>>
      %dma_wait3A_696 = tpu.memref_squeeze %dma_wait3A_695 : memref<1x40x512xf32, #tpu.memory_space<vmem>> -> memref<40x512xf32, #tpu.memory_space<vmem>>
      %dma_wait3A_697 = arith.constant 0 : i32
      %dma_wait3A_698 = tpu.memref_slice %arg6[%dma_wait3A_697] : memref<1280xi32, #tpu.memory_space<vmem>> -> memref<40xi32, #tpu.memory_space<vmem>>
      %dma_wait3A_699 = arith.constant 0 : i32
      %dma_wait3A_700 = arith.constant 0 : i32
      %dma_wait3A_701 = tpu.memref_slice %arg2[%dma_wait3A_699, %dma_wait3A_700] : memref<10000x512xf32, #tpu.memory_space<hbm>> -> memref<10000x512xf32, #tpu.memory_space<hbm>>
      tpu.wait_indirect_dma semaphore(%arg12 : memref<!tpu.dma_semaphore, #tpu.memory_space<semaphore_mem>>) src(%dma_wait3A_701 : memref<10000x512xf32, #tpu.memory_space<hbm>>) dst(%dma_wait3A_696 : memref<40x512xf32, #tpu.memory_space<vmem>>)
      %mul3A_702 = arith.constant 33 : i32
      %mul3A_703 = arith.muli %add3A_686, %mul3A_702 : i32
      %add3A_704 = arith.constant 0 : i32
      %add3A_705 = arith.addi %mul3A_703, %add3A_704 : i32
      %mul3A_706 = arith.constant 16 : i32
      %mul3A_707 = arith.muli %add3A_705, %mul3A_706 : i32
      %get3A_708 = arith.index_cast %mul3A_707 : i32 to index
      %get3A_709 = tpu.vector_load %arg7[%get3A_708] {strides = array<i32>} : memref<16896xf32, #tpu.memory_space<vmem>>, vector<16xf32>,
      %get3A_710 = vector.shape_cast %get3A_709 : vector<16xf32> to vector<16xf32>
      %mul3A_711 = arith.constant 33 : i32
      %mul3A_712 = arith.muli %add3A_686, %mul3A_711 : i32
      %add3A_713 = arith.constant 1 : i32
      %add3A_714 = arith.addi %mul3A_712, %add3A_713 : i32
      %mul3A_715 = arith.constant 16 : i32
      %mul3A_716 = arith.muli %add3A_714, %mul3A_715 : i32
      %get3A_717 = arith.index_cast %mul3A_716 : i32 to index
      %get3A_718 = tpu.vector_load %arg7[%get3A_717] {strides = array<i32>} : memref<16896xf32, #tpu.memory_space<vmem>>, vector<16xf32>,
      %get3A_719 = vector.shape_cast %get3A_718 : vector<16xf32> to vector<16xf32>
      %mul3A_720 = arith.constant 33 : i32
      %mul3A_721 = arith.muli %add3A_686, %mul3A_720 : i32
      %add3A_722 = arith.constant 2 : i32
      %add3A_723 = arith.addi %mul3A_721, %add3A_722 : i32
      %mul3A_724 = arith.constant 16 : i32
      %mul3A_725 = arith.muli %add3A_723, %mul3A_724 : i32
      %get3A_726 = arith.index_cast %mul3A_725 : i32 to index
      %get3A_727 = tpu.vector_load %arg7[%get3A_726] {strides = array<i32>} : memref<16896xf32, #tpu.memory_space<vmem>>, vector<16xf32>,
      %get3A_728 = vector.shape_cast %get3A_727 : vector<16xf32> to vector<16xf32>
      %mul3A_729 = arith.constant 33 : i32
      %mul3A_730 = arith.muli %add3A_686, %mul3A_729 : i32
      %add3A_731 = arith.constant 3 : i32
      %add3A_732 = arith.addi %mul3A_730, %add3A_731 : i32
      %mul3A_733 = arith.constant 16 : i32
      %mul3A_734 = arith.muli %add3A_732, %mul3A_733 : i32
      %get3A_735 = arith.index_cast %mul3A_734 : i32 to index
      %get3A_736 = tpu.vector_load %arg7[%get3A_735] {strides = array<i32>} : memref<16896xf32, #tpu.memory_space<vmem>>, vector<16xf32>,
      %get3A_737 = vector.shape_cast %get3A_736 : vector<16xf32> to vector<16xf32>
      %mul3A_738 = arith.constant 33 : i32
      %mul3A_739 = arith.muli %add3A_686, %mul3A_738 : i32
      %add3A_740 = arith.constant 4 : i32
      %add3A_741 = arith.addi %mul3A_739, %add3A_740 : i32
      %mul3A_742 = arith.constant 16 : i32
      %mul3A_743 = arith.muli %add3A_741, %mul3A_742 : i32
      %get3A_744 = arith.index_cast %mul3A_743 : i32 to index
      %get3A_745 = tpu.vector_load %arg7[%get3A_744] {strides = array<i32>} : memref<16896xf32, #tpu.memory_space<vmem>>, vector<16xf32>,
      %get3A_746 = vector.shape_cast %get3A_745 : vector<16xf32> to vector<16xf32>
      %mul3A_747 = arith.constant 33 : i32
      %mul3A_748 = arith.muli %add3A_686, %mul3A_747 : i32
      %add3A_749 = arith.constant 5 : i32
      %add3A_750 = arith.addi %mul3A_748, %add3A_749 : i32
      %mul3A_751 = arith.constant 16 : i32
      %mul3A_752 = arith.muli %add3A_750, %mul3A_751 : i32
      %get3A_753 = arith.index_cast %mul3A_752 : i32 to index
      %get3A_754 = tpu.vector_load %arg7[%get3A_753] {strides = array<i32>} : memref<16896xf32, #tpu.memory_space<vmem>>, vector<16xf32>,
      %get3A_755 = vector.shape_cast %get3A_754 : vector<16xf32> to vector<16xf32>
      %mul3A_756 = arith.constant 33 : i32
      %mul3A_757 = arith.muli %add3A_686, %mul3A_756 : i32
      %add3A_758 = arith.constant 6 : i32
      %add3A_759 = arith.addi %mul3A_757, %add3A_758 : i32
      %mul3A_760 = arith.constant 16 : i32
      %mul3A_761 = arith.muli %add3A_759, %mul3A_760 : i32
      %get3A_762 = arith.index_cast %mul3A_761 : i32 to index
      %get3A_763 = tpu.vector_load %arg7[%get3A_762] {strides = array<i32>} : memref<16896xf32, #tpu.memory_space<vmem>>, vector<16xf32>,
      %get3A_764 = vector.shape_cast %get3A_763 : vector<16xf32> to vector<16xf32>
      %mul3A_765 = arith.constant 33 : i32
      %mul3A_766 = arith.muli %add3A_686, %mul3A_765 : i32
      %add3A_767 = arith.constant 7 : i32
      %add3A_768 = arith.addi %mul3A_766, %add3A_767 : i32
      %mul3A_769 = arith.constant 16 : i32
      %mul3A_770 = arith.muli %add3A_768, %mul3A_769 : i32
      %get3A_771 = arith.index_cast %mul3A_770 : i32 to index
      %get3A_772 = tpu.vector_load %arg7[%get3A_771] {strides = array<i32>} : memref<16896xf32, #tpu.memory_space<vmem>>, vector<16xf32>,
      %get3A_773 = vector.shape_cast %get3A_772 : vector<16xf32> to vector<16xf32>
      %mul3A_774 = arith.constant 33 : i32
      %mul3A_775 = arith.muli %add3A_686, %mul3A_774 : i32
      %add3A_776 = arith.constant 8 : i32
      %add3A_777 = arith.addi %mul3A_775, %add3A_776 : i32
      %mul3A_778 = arith.constant 16 : i32
      %mul3A_779 = arith.muli %add3A_777, %mul3A_778 : i32
      %get3A_780 = arith.index_cast %mul3A_779 : i32 to index
      %get3A_781 = tpu.vector_load %arg7[%get3A_780] {strides = array<i32>} : memref<16896xf32, #tpu.memory_space<vmem>>, vector<16xf32>,
      %get3A_782 = vector.shape_cast %get3A_781 : vector<16xf32> to vector<16xf32>
      %mul3A_783 = arith.constant 33 : i32
      %mul3A_784 = arith.muli %add3A_686, %mul3A_783 : i32
      %add3A_785 = arith.constant 9 : i32
      %add3A_786 = arith.addi %mul3A_784, %add3A_785 : i32
      %mul3A_787 = arith.constant 16 : i32
      %mul3A_788 = arith.muli %add3A_786, %mul3A_787 : i32
      %get3A_789 = arith.index_cast %mul3A_788 : i32 to index
      %get3A_790 = tpu.vector_load %arg7[%get3A_789] {strides = array<i32>} : memref<16896xf32, #tpu.memory_space<vmem>>, vector<16xf32>,
      %get3A_791 = vector.shape_cast %get3A_790 : vector<16xf32> to vector<16xf32>
      %mul3A_792 = arith.constant 33 : i32
      %mul3A_793 = arith.muli %add3A_686, %mul3A_792 : i32
      %add3A_794 = arith.constant 10 : i32
      %add3A_795 = arith.addi %mul3A_793, %add3A_794 : i32
      %mul3A_796 = arith.constant 16 : i32
      %mul3A_797 = arith.muli %add3A_795, %mul3A_796 : i32
      %get3A_798 = arith.index_cast %mul3A_797 : i32 to index
      %get3A_799 = tpu.vector_load %arg7[%get3A_798] {strides = array<i32>} : memref<16896xf32, #tpu.memory_space<vmem>>, vector<16xf32>,
      %get3A_800 = vector.shape_cast %get3A_799 : vector<16xf32> to vector<16xf32>
      %mul3A_801 = arith.constant 33 : i32
      %mul3A_802 = arith.muli %add3A_686, %mul3A_801 : i32
      %add3A_803 = arith.constant 11 : i32
      %add3A_804 = arith.addi %mul3A_802, %add3A_803 : i32
      %mul3A_805 = arith.constant 16 : i32
      %mul3A_806 = arith.muli %add3A_804, %mul3A_805 : i32
      %get3A_807 = arith.index_cast %mul3A_806 : i32 to index
      %get3A_808 = tpu.vector_load %arg7[%get3A_807] {strides = array<i32>} : memref<16896xf32, #tpu.memory_space<vmem>>, vector<16xf32>,
      %get3A_809 = vector.shape_cast %get3A_808 : vector<16xf32> to vector<16xf32>
      %mul3A_810 = arith.constant 33 : i32
      %mul3A_811 = arith.muli %add3A_686, %mul3A_810 : i32
      %add3A_812 = arith.constant 12 : i32
      %add3A_813 = arith.addi %mul3A_811, %add3A_812 : i32
      %mul3A_814 = arith.constant 16 : i32
      %mul3A_815 = arith.muli %add3A_813, %mul3A_814 : i32
      %get3A_816 = arith.index_cast %mul3A_815 : i32 to index
      %get3A_817 = tpu.vector_load %arg7[%get3A_816] {strides = array<i32>} : memref<16896xf32, #tpu.memory_space<vmem>>, vector<16xf32>,
      %get3A_818 = vector.shape_cast %get3A_817 : vector<16xf32> to vector<16xf32>
      %mul3A_819 = arith.constant 33 : i32
      %mul3A_820 = arith.muli %add3A_686, %mul3A_819 : i32
      %add3A_821 = arith.constant 13 : i32
      %add3A_822 = arith.addi %mul3A_820, %add3A_821 : i32
      %mul3A_823 = arith.constant 16 : i32
      %mul3A_824 = arith.muli %add3A_822, %mul3A_823 : i32
      %get3A_825 = arith.index_cast %mul3A_824 : i32 to index
      %get3A_826 = tpu.vector_load %arg7[%get3A_825] {strides = array<i32>} : memref<16896xf32, #tpu.memory_space<vmem>>, vector<16xf32>,
      %get3A_827 = vector.shape_cast %get3A_826 : vector<16xf32> to vector<16xf32>
      %mul3A_828 = arith.constant 33 : i32
      %mul3A_829 = arith.muli %add3A_686, %mul3A_828 : i32
      %add3A_830 = arith.constant 14 : i32
      %add3A_831 = arith.addi %mul3A_829, %add3A_830 : i32
      %mul3A_832 = arith.constant 16 : i32
      %mul3A_833 = arith.muli %add3A_831, %mul3A_832 : i32
      %get3A_834 = arith.index_cast %mul3A_833 : i32 to index
      %get3A_835 = tpu.vector_load %arg7[%get3A_834] {strides = array<i32>} : memref<16896xf32, #tpu.memory_space<vmem>>, vector<16xf32>,
      %get3A_836 = vector.shape_cast %get3A_835 : vector<16xf32> to vector<16xf32>
      %mul3A_837 = arith.constant 33 : i32
      %mul3A_838 = arith.muli %add3A_686, %mul3A_837 : i32
      %add3A_839 = arith.constant 15 : i32
      %add3A_840 = arith.addi %mul3A_838, %add3A_839 : i32
      %mul3A_841 = arith.constant 16 : i32
      %mul3A_842 = arith.muli %add3A_840, %mul3A_841 : i32
      %get3A_843 = arith.index_cast %mul3A_842 : i32 to index
      %get3A_844 = tpu.vector_load %arg7[%get3A_843] {strides = array<i32>} : memref<16896xf32, #tpu.memory_space<vmem>>, vector<16xf32>,
      %get3A_845 = vector.shape_cast %get3A_844 : vector<16xf32> to vector<16xf32>
      %mul3A_846 = arith.constant 33 : i32
      %mul3A_847 = arith.muli %add3A_686, %mul3A_846 : i32
      %add3A_848 = arith.constant 16 : i32
      %add3A_849 = arith.addi %mul3A_847, %add3A_848 : i32
      %mul3A_850 = arith.constant 16 : i32
      %mul3A_851 = arith.muli %add3A_849, %mul3A_850 : i32
      %get3A_852 = arith.index_cast %mul3A_851 : i32 to index
      %get3A_853 = tpu.vector_load %arg7[%get3A_852] {strides = array<i32>} : memref<16896xf32, #tpu.memory_space<vmem>>, vector<16xf32>,
      %get3A_854 = vector.shape_cast %get3A_853 : vector<16xf32> to vector<16xf32>
      %mul3A_855 = arith.constant 33 : i32
      %mul3A_856 = arith.muli %add3A_686, %mul3A_855 : i32
      %add3A_857 = arith.constant 17 : i32
      %add3A_858 = arith.addi %mul3A_856, %add3A_857 : i32
      %mul3A_859 = arith.constant 16 : i32
      %mul3A_860 = arith.muli %add3A_858, %mul3A_859 : i32
      %get3A_861 = arith.index_cast %mul3A_860 : i32 to index
      %get3A_862 = tpu.vector_load %arg7[%get3A_861] {strides = array<i32>} : memref<16896xf32, #tpu.memory_space<vmem>>, vector<16xf32>,
      %get3A_863 = vector.shape_cast %get3A_862 : vector<16xf32> to vector<16xf32>
      %mul3A_864 = arith.constant 33 : i32
      %mul3A_865 = arith.muli %add3A_686, %mul3A_864 : i32
      %add3A_866 = arith.constant 18 : i32
      %add3A_867 = arith.addi %mul3A_865, %add3A_866 : i32
      %mul3A_868 = arith.constant 16 : i32
      %mul3A_869 = arith.muli %add3A_867, %mul3A_868 : i32
      %get3A_870 = arith.index_cast %mul3A_869 : i32 to index
      %get3A_871 = tpu.vector_load %arg7[%get3A_870] {strides = array<i32>} : memref<16896xf32, #tpu.memory_space<vmem>>, vector<16xf32>,
      %get3A_872 = vector.shape_cast %get3A_871 : vector<16xf32> to vector<16xf32>
      %mul3A_873 = arith.constant 33 : i32
      %mul3A_874 = arith.muli %add3A_686, %mul3A_873 : i32
      %add3A_875 = arith.constant 19 : i32
      %add3A_876 = arith.addi %mul3A_874, %add3A_875 : i32
      %mul3A_877 = arith.constant 16 : i32
      %mul3A_878 = arith.muli %add3A_876, %mul3A_877 : i32
      %get3A_879 = arith.index_cast %mul3A_878 : i32 to index
      %get3A_880 = tpu.vector_load %arg7[%get3A_879] {strides = array<i32>} : memref<16896xf32, #tpu.memory_space<vmem>>, vector<16xf32>,
      %get3A_881 = vector.shape_cast %get3A_880 : vector<16xf32> to vector<16xf32>
      %mul3A_882 = arith.constant 33 : i32
      %mul3A_883 = arith.muli %add3A_686, %mul3A_882 : i32
      %add3A_884 = arith.constant 20 : i32
      %add3A_885 = arith.addi %mul3A_883, %add3A_884 : i32
      %mul3A_886 = arith.constant 16 : i32
      %mul3A_887 = arith.muli %add3A_885, %mul3A_886 : i32
      %get3A_888 = arith.index_cast %mul3A_887 : i32 to index
      %get3A_889 = tpu.vector_load %arg7[%get3A_888] {strides = array<i32>} : memref<16896xf32, #tpu.memory_space<vmem>>, vector<16xf32>,
      %get3A_890 = vector.shape_cast %get3A_889 : vector<16xf32> to vector<16xf32>
      %mul3A_891 = arith.constant 33 : i32
      %mul3A_892 = arith.muli %add3A_686, %mul3A_891 : i32
      %add3A_893 = arith.constant 21 : i32
      %add3A_894 = arith.addi %mul3A_892, %add3A_893 : i32
      %mul3A_895 = arith.constant 16 : i32
      %mul3A_896 = arith.muli %add3A_894, %mul3A_895 : i32
      %get3A_897 = arith.index_cast %mul3A_896 : i32 to index
      %get3A_898 = tpu.vector_load %arg7[%get3A_897] {strides = array<i32>} : memref<16896xf32, #tpu.memory_space<vmem>>, vector<16xf32>,
      %get3A_899 = vector.shape_cast %get3A_898 : vector<16xf32> to vector<16xf32>
      %mul3A_900 = arith.constant 33 : i32
      %mul3A_901 = arith.muli %add3A_686, %mul3A_900 : i32
      %add3A_902 = arith.constant 22 : i32
      %add3A_903 = arith.addi %mul3A_901, %add3A_902 : i32
      %mul3A_904 = arith.constant 16 : i32
      %mul3A_905 = arith.muli %add3A_903, %mul3A_904 : i32
      %get3A_906 = arith.index_cast %mul3A_905 : i32 to index
      %get3A_907 = tpu.vector_load %arg7[%get3A_906] {strides = array<i32>} : memref<16896xf32, #tpu.memory_space<vmem>>, vector<16xf32>,
      %get3A_908 = vector.shape_cast %get3A_907 : vector<16xf32> to vector<16xf32>
      %mul3A_909 = arith.constant 33 : i32
      %mul3A_910 = arith.muli %add3A_686, %mul3A_909 : i32
      %add3A_911 = arith.constant 23 : i32
      %add3A_912 = arith.addi %mul3A_910, %add3A_911 : i32
      %mul3A_913 = arith.constant 16 : i32
      %mul3A_914 = arith.muli %add3A_912, %mul3A_913 : i32
      %get3A_915 = arith.index_cast %mul3A_914 : i32 to index
      %get3A_916 = tpu.vector_load %arg7[%get3A_915] {strides = array<i32>} : memref<16896xf32, #tpu.memory_space<vmem>>, vector<16xf32>,
      %get3A_917 = vector.shape_cast %get3A_916 : vector<16xf32> to vector<16xf32>
      %mul3A_918 = arith.constant 33 : i32
      %mul3A_919 = arith.muli %add3A_686, %mul3A_918 : i32
      %add3A_920 = arith.constant 24 : i32
      %add3A_921 = arith.addi %mul3A_919, %add3A_920 : i32
      %mul3A_922 = arith.constant 16 : i32
      %mul3A_923 = arith.muli %add3A_921, %mul3A_922 : i32
      %get3A_924 = arith.index_cast %mul3A_923 : i32 to index
      %get3A_925 = tpu.vector_load %arg7[%get3A_924] {strides = array<i32>} : memref<16896xf32, #tpu.memory_space<vmem>>, vector<16xf32>,
      %get3A_926 = vector.shape_cast %get3A_925 : vector<16xf32> to vector<16xf32>
      %mul3A_927 = arith.constant 33 : i32
      %mul3A_928 = arith.muli %add3A_686, %mul3A_927 : i32
      %add3A_929 = arith.constant 25 : i32
      %add3A_930 = arith.addi %mul3A_928, %add3A_929 : i32
      %mul3A_931 = arith.constant 16 : i32
      %mul3A_932 = arith.muli %add3A_930, %mul3A_931 : i32
      %get3A_933 = arith.index_cast %mul3A_932 : i32 to index
      %get3A_934 = tpu.vector_load %arg7[%get3A_933] {strides = array<i32>} : memref<16896xf32, #tpu.memory_space<vmem>>, vector<16xf32>,
      %get3A_935 = vector.shape_cast %get3A_934 : vector<16xf32> to vector<16xf32>
      %mul3A_936 = arith.constant 33 : i32
      %mul3A_937 = arith.muli %add3A_686, %mul3A_936 : i32
      %add3A_938 = arith.constant 26 : i32
      %add3A_939 = arith.addi %mul3A_937, %add3A_938 : i32
      %mul3A_940 = arith.constant 16 : i32
      %mul3A_941 = arith.muli %add3A_939, %mul3A_940 : i32
      %get3A_942 = arith.index_cast %mul3A_941 : i32 to index
      %get3A_943 = tpu.vector_load %arg7[%get3A_942] {strides = array<i32>} : memref<16896xf32, #tpu.memory_space<vmem>>, vector<16xf32>,
      %get3A_944 = vector.shape_cast %get3A_943 : vector<16xf32> to vector<16xf32>
      %mul3A_945 = arith.constant 33 : i32
      %mul3A_946 = arith.muli %add3A_686, %mul3A_945 : i32
      %add3A_947 = arith.constant 27 : i32
      %add3A_948 = arith.addi %mul3A_946, %add3A_947 : i32
      %mul3A_949 = arith.constant 16 : i32
      %mul3A_950 = arith.muli %add3A_948, %mul3A_949 : i32
      %get3A_951 = arith.index_cast %mul3A_950 : i32 to index
      %get3A_952 = tpu.vector_load %arg7[%get3A_951] {strides = array<i32>} : memref<16896xf32, #tpu.memory_space<vmem>>, vector<16xf32>,
      %get3A_953 = vector.shape_cast %get3A_952 : vector<16xf32> to vector<16xf32>
      %mul3A_954 = arith.constant 33 : i32
      %mul3A_955 = arith.muli %add3A_686, %mul3A_954 : i32
      %add3A_956 = arith.constant 28 : i32
      %add3A_957 = arith.addi %mul3A_955, %add3A_956 : i32
      %mul3A_958 = arith.constant 16 : i32
      %mul3A_959 = arith.muli %add3A_957, %mul3A_958 : i32
      %get3A_960 = arith.index_cast %mul3A_959 : i32 to index
      %get3A_961 = tpu.vector_load %arg7[%get3A_960] {strides = array<i32>} : memref<16896xf32, #tpu.memory_space<vmem>>, vector<16xf32>,
      %get3A_962 = vector.shape_cast %get3A_961 : vector<16xf32> to vector<16xf32>
      %mul3A_963 = arith.constant 33 : i32
      %mul3A_964 = arith.muli %add3A_686, %mul3A_963 : i32
      %add3A_965 = arith.constant 29 : i32
      %add3A_966 = arith.addi %mul3A_964, %add3A_965 : i32
      %mul3A_967 = arith.constant 16 : i32
      %mul3A_968 = arith.muli %add3A_966, %mul3A_967 : i32
      %get3A_969 = arith.index_cast %mul3A_968 : i32 to index
      %get3A_970 = tpu.vector_load %arg7[%get3A_969] {strides = array<i32>} : memref<16896xf32, #tpu.memory_space<vmem>>, vector<16xf32>,
      %get3A_971 = vector.shape_cast %get3A_970 : vector<16xf32> to vector<16xf32>
      %mul3A_972 = arith.constant 33 : i32
      %mul3A_973 = arith.muli %add3A_686, %mul3A_972 : i32
      %add3A_974 = arith.constant 30 : i32
      %add3A_975 = arith.addi %mul3A_973, %add3A_974 : i32
      %mul3A_976 = arith.constant 16 : i32
      %mul3A_977 = arith.muli %add3A_975, %mul3A_976 : i32
      %get3A_978 = arith.index_cast %mul3A_977 : i32 to index
      %get3A_979 = tpu.vector_load %arg7[%get3A_978] {strides = array<i32>} : memref<16896xf32, #tpu.memory_space<vmem>>, vector<16xf32>,
      %get3A_980 = vector.shape_cast %get3A_979 : vector<16xf32> to vector<16xf32>
      %mul3A_981 = arith.constant 33 : i32
      %mul3A_982 = arith.muli %add3A_686, %mul3A_981 : i32
      %add3A_983 = arith.constant 31 : i32
      %add3A_984 = arith.addi %mul3A_982, %add3A_983 : i32
      %mul3A_985 = arith.constant 16 : i32
      %mul3A_986 = arith.muli %add3A_984, %mul3A_985 : i32
      %get3A_987 = arith.index_cast %mul3A_986 : i32 to index
      %get3A_988 = tpu.vector_load %arg7[%get3A_987] {strides = array<i32>} : memref<16896xf32, #tpu.memory_space<vmem>>, vector<16xf32>,
      %get3A_989 = vector.shape_cast %get3A_988 : vector<16xf32> to vector<16xf32>
      %mul3A_990 = arith.constant 33 : i32
      %mul3A_991 = arith.muli %add3A_686, %mul3A_990 : i32
      %add3A_992 = arith.constant 32 : i32
      %add3A_993 = arith.addi %mul3A_991, %add3A_992 : i32
      %mul3A_994 = arith.constant 16 : i32
      %mul3A_995 = arith.muli %add3A_993, %mul3A_994 : i32
      %get3A_996 = arith.index_cast %mul3A_995 : i32 to index
      %get3A_997 = tpu.vector_load %arg7[%get3A_996] {strides = array<i32>} : memref<16896xf32, #tpu.memory_space<vmem>>, vector<16xf32>,
      %get3A_998 = vector.shape_cast %get3A_997 : vector<16xf32> to vector<16xf32>
      %scan3A_999 = arith.constant 0 : i32
      %scan3A_1000 = arith.constant 0 : i32
      %scan3A_1001 = arith.constant 32 : i32
      %scan3A_1002 = arith.addi %scan3A_1000, %scan3A_1001 : i32
      %scan3A_1003 = arith.constant 1 : i32
      scf.for %scan3A_1327 = %scan3A_1000 to %scan3A_1002 step %scan3A_1003  : i32 {
        %mul3A_1328 = arith.constant 16 : i32
        %mul3A_1329 = arith.muli %scan3A_1327, %mul3A_1328 : i32
        %get3A_1330 = arith.constant 2 : i32
        %get3A_1331 = arith.constant 0 : i32
        %get3A_1332 = arith.index_cast %get3A_1330 : i32 to index
        %get3A_1333 = arith.index_cast %get3A_1331 : i32 to index
        %get3A_1334 = arith.index_cast %mul3A_1329 : i32 to index
        %get3A_1335 = tpu.vector_load %arg8[%get3A_1332, %get3A_1333, %get3A_1334] {strides = array<i32>} : memref<4x40x512xf32, #tpu.memory_space<vmem>>, vector<1x1x16xf32>,
        %get3A_1336 = vector.shape_cast %get3A_1335 : vector<1x1x16xf32> to vector<16xf32>
        %mul3A_1337 = arith.mulf %get3A_710, %get3A_1336 : vector<16xf32>
        %get3A_1338 = arith.constant 2 : i32
        %get3A_1339 = arith.constant 1 : i32
        %get3A_1340 = arith.index_cast %get3A_1338 : i32 to index
        %get3A_1341 = arith.index_cast %get3A_1339 : i32 to index
        %get3A_1342 = arith.index_cast %mul3A_1329 : i32 to index
        %get3A_1343 = tpu.vector_load %arg8[%get3A_1340, %get3A_1341, %get3A_1342] {strides = array<i32>} : memref<4x40x512xf32, #tpu.memory_space<vmem>>, vector<1x1x16xf32>,
        %get3A_1344 = vector.shape_cast %get3A_1343 : vector<1x1x16xf32> to vector<16xf32>
        %mul3A_1345 = arith.mulf %get3A_719, %get3A_1344 : vector<16xf32>
        %get3A_1346 = arith.constant 2 : i32
        %get3A_1347 = arith.constant 2 : i32
        %get3A_1348 = arith.index_cast %get3A_1346 : i32 to index
        %get3A_1349 = arith.index_cast %get3A_1347 : i32 to index
        %get3A_1350 = arith.index_cast %mul3A_1329 : i32 to index
        %get3A_1351 = tpu.vector_load %arg8[%get3A_1348, %get3A_1349, %get3A_1350] {strides = array<i32>} : memref<4x40x512xf32, #tpu.memory_space<vmem>>, vector<1x1x16xf32>,
        %get3A_1352 = vector.shape_cast %get3A_1351 : vector<1x1x16xf32> to vector<16xf32>
        %mul3A_1353 = arith.mulf %get3A_728, %get3A_1352 : vector<16xf32>
        %add3A_1354 = arith.addf %mul3A_1337, %mul3A_1353 : vector<16xf32>
        %get3A_1355 = arith.constant 2 : i32
        %get3A_1356 = arith.constant 4 : i32
        %get3A_1357 = arith.index_cast %get3A_1355 : i32 to index
        %get3A_1358 = arith.index_cast %get3A_1356 : i32 to index
        %get3A_1359 = arith.index_cast %mul3A_1329 : i32 to index
        %get3A_1360 = tpu.vector_load %arg8[%get3A_1357, %get3A_1358, %get3A_1359] {strides = array<i32>} : memref<4x40x512xf32, #tpu.memory_space<vmem>>, vector<1x1x16xf32>,
        %get3A_1361 = vector.shape_cast %get3A_1360 : vector<1x1x16xf32> to vector<16xf32>
        %mul3A_1362 = arith.mulf %get3A_746, %get3A_1361 : vector<16xf32>
        %add3A_1363 = arith.addf %add3A_1354, %mul3A_1362 : vector<16xf32>
        %get3A_1364 = arith.constant 2 : i32
        %get3A_1365 = arith.constant 6 : i32
        %get3A_1366 = arith.index_cast %get3A_1364 : i32 to index
        %get3A_1367 = arith.index_cast %get3A_1365 : i32 to index
        %get3A_1368 = arith.index_cast %mul3A_1329 : i32 to index
        %get3A_1369 = tpu.vector_load %arg8[%get3A_1366, %get3A_1367, %get3A_1368] {strides = array<i32>} : memref<4x40x512xf32, #tpu.memory_space<vmem>>, vector<1x1x16xf32>,
        %get3A_1370 = vector.shape_cast %get3A_1369 : vector<1x1x16xf32> to vector<16xf32>
        %mul3A_1371 = arith.mulf %get3A_764, %get3A_1370 : vector<16xf32>
        %add3A_1372 = arith.addf %add3A_1363, %mul3A_1371 : vector<16xf32>
        %get3A_1373 = arith.constant 2 : i32
        %get3A_1374 = arith.constant 8 : i32
        %get3A_1375 = arith.index_cast %get3A_1373 : i32 to index
        %get3A_1376 = arith.index_cast %get3A_1374 : i32 to index
        %get3A_1377 = arith.index_cast %mul3A_1329 : i32 to index
        %get3A_1378 = tpu.vector_load %arg8[%get3A_1375, %get3A_1376, %get3A_1377] {strides = array<i32>} : memref<4x40x512xf32, #tpu.memory_space<vmem>>, vector<1x1x16xf32>,
        %get3A_1379 = vector.shape_cast %get3A_1378 : vector<1x1x16xf32> to vector<16xf32>
        %mul3A_1380 = arith.mulf %get3A_782, %get3A_1379 : vector<16xf32>
        %add3A_1381 = arith.addf %add3A_1372, %mul3A_1380 : vector<16xf32>
        %get3A_1382 = arith.constant 2 : i32
        %get3A_1383 = arith.constant 10 : i32
        %get3A_1384 = arith.index_cast %get3A_1382 : i32 to index
        %get3A_1385 = arith.index_cast %get3A_1383 : i32 to index
        %get3A_1386 = arith.index_cast %mul3A_1329 : i32 to index
        %get3A_1387 = tpu.vector_load %arg8[%get3A_1384, %get3A_1385, %get3A_1386] {strides = array<i32>} : memref<4x40x512xf32, #tpu.memory_space<vmem>>, vector<1x1x16xf32>,
        %get3A_1388 = vector.shape_cast %get3A_1387 : vector<1x1x16xf32> to vector<16xf32>
        %mul3A_1389 = arith.mulf %get3A_800, %get3A_1388 : vector<16xf32>
        %add3A_1390 = arith.addf %add3A_1381, %mul3A_1389 : vector<16xf32>
        %get3A_1391 = arith.constant 2 : i32
        %get3A_1392 = arith.constant 12 : i32
        %get3A_1393 = arith.index_cast %get3A_1391 : i32 to index
        %get3A_1394 = arith.index_cast %get3A_1392 : i32 to index
        %get3A_1395 = arith.index_cast %mul3A_1329 : i32 to index
        %get3A_1396 = tpu.vector_load %arg8[%get3A_1393, %get3A_1394, %get3A_1395] {strides = array<i32>} : memref<4x40x512xf32, #tpu.memory_space<vmem>>, vector<1x1x16xf32>,
        %get3A_1397 = vector.shape_cast %get3A_1396 : vector<1x1x16xf32> to vector<16xf32>
        %mul3A_1398 = arith.mulf %get3A_818, %get3A_1397 : vector<16xf32>
        %add3A_1399 = arith.addf %add3A_1390, %mul3A_1398 : vector<16xf32>
        %get3A_1400 = arith.constant 2 : i32
        %get3A_1401 = arith.constant 14 : i32
        %get3A_1402 = arith.index_cast %get3A_1400 : i32 to index
        %get3A_1403 = arith.index_cast %get3A_1401 : i32 to index
        %get3A_1404 = arith.index_cast %mul3A_1329 : i32 to index
        %get3A_1405 = tpu.vector_load %arg8[%get3A_1402, %get3A_1403, %get3A_1404] {strides = array<i32>} : memref<4x40x512xf32, #tpu.memory_space<vmem>>, vector<1x1x16xf32>,
        %get3A_1406 = vector.shape_cast %get3A_1405 : vector<1x1x16xf32> to vector<16xf32>
        %mul3A_1407 = arith.mulf %get3A_836, %get3A_1406 : vector<16xf32>
        %add3A_1408 = arith.addf %add3A_1399, %mul3A_1407 : vector<16xf32>
        %get3A_1409 = arith.constant 2 : i32
        %get3A_1410 = arith.constant 16 : i32
        %get3A_1411 = arith.index_cast %get3A_1409 : i32 to index
        %get3A_1412 = arith.index_cast %get3A_1410 : i32 to index
        %get3A_1413 = arith.index_cast %mul3A_1329 : i32 to index
        %get3A_1414 = tpu.vector_load %arg8[%get3A_1411, %get3A_1412, %get3A_1413] {strides = array<i32>} : memref<4x40x512xf32, #tpu.memory_space<vmem>>, vector<1x1x16xf32>,
        %get3A_1415 = vector.shape_cast %get3A_1414 : vector<1x1x16xf32> to vector<16xf32>
        %mul3A_1416 = arith.mulf %get3A_854, %get3A_1415 : vector<16xf32>
        %add3A_1417 = arith.addf %add3A_1408, %mul3A_1416 : vector<16xf32>
        %get3A_1418 = arith.constant 2 : i32
        %get3A_1419 = arith.constant 18 : i32
        %get3A_1420 = arith.index_cast %get3A_1418 : i32 to index
        %get3A_1421 = arith.index_cast %get3A_1419 : i32 to index
        %get3A_1422 = arith.index_cast %mul3A_1329 : i32 to index
        %get3A_1423 = tpu.vector_load %arg8[%get3A_1420, %get3A_1421, %get3A_1422] {strides = array<i32>} : memref<4x40x512xf32, #tpu.memory_space<vmem>>, vector<1x1x16xf32>,
        %get3A_1424 = vector.shape_cast %get3A_1423 : vector<1x1x16xf32> to vector<16xf32>
        %mul3A_1425 = arith.mulf %get3A_872, %get3A_1424 : vector<16xf32>
        %add3A_1426 = arith.addf %add3A_1417, %mul3A_1425 : vector<16xf32>
        %get3A_1427 = arith.constant 2 : i32
        %get3A_1428 = arith.constant 20 : i32
        %get3A_1429 = arith.index_cast %get3A_1427 : i32 to index
        %get3A_1430 = arith.index_cast %get3A_1428 : i32 to index
        %get3A_1431 = arith.index_cast %mul3A_1329 : i32 to index
        %get3A_1432 = tpu.vector_load %arg8[%get3A_1429, %get3A_1430, %get3A_1431] {strides = array<i32>} : memref<4x40x512xf32, #tpu.memory_space<vmem>>, vector<1x1x16xf32>,
        %get3A_1433 = vector.shape_cast %get3A_1432 : vector<1x1x16xf32> to vector<16xf32>
        %mul3A_1434 = arith.mulf %get3A_890, %get3A_1433 : vector<16xf32>
        %add3A_1435 = arith.addf %add3A_1426, %mul3A_1434 : vector<16xf32>
        %get3A_1436 = arith.constant 2 : i32
        %get3A_1437 = arith.constant 22 : i32
        %get3A_1438 = arith.index_cast %get3A_1436 : i32 to index
        %get3A_1439 = arith.index_cast %get3A_1437 : i32 to index
        %get3A_1440 = arith.index_cast %mul3A_1329 : i32 to index
        %get3A_1441 = tpu.vector_load %arg8[%get3A_1438, %get3A_1439, %get3A_1440] {strides = array<i32>} : memref<4x40x512xf32, #tpu.memory_space<vmem>>, vector<1x1x16xf32>,
        %get3A_1442 = vector.shape_cast %get3A_1441 : vector<1x1x16xf32> to vector<16xf32>
        %mul3A_1443 = arith.mulf %get3A_908, %get3A_1442 : vector<16xf32>
        %add3A_1444 = arith.addf %add3A_1435, %mul3A_1443 : vector<16xf32>
        %get3A_1445 = arith.constant 2 : i32
        %get3A_1446 = arith.constant 24 : i32
        %get3A_1447 = arith.index_cast %get3A_1445 : i32 to index
        %get3A_1448 = arith.index_cast %get3A_1446 : i32 to index
        %get3A_1449 = arith.index_cast %mul3A_1329 : i32 to index
        %get3A_1450 = tpu.vector_load %arg8[%get3A_1447, %get3A_1448, %get3A_1449] {strides = array<i32>} : memref<4x40x512xf32, #tpu.memory_space<vmem>>, vector<1x1x16xf32>,
        %get3A_1451 = vector.shape_cast %get3A_1450 : vector<1x1x16xf32> to vector<16xf32>
        %mul3A_1452 = arith.mulf %get3A_926, %get3A_1451 : vector<16xf32>
        %add3A_1453 = arith.addf %add3A_1444, %mul3A_1452 : vector<16xf32>
        %get3A_1454 = arith.constant 2 : i32
        %get3A_1455 = arith.constant 26 : i32
        %get3A_1456 = arith.index_cast %get3A_1454 : i32 to index
        %get3A_1457 = arith.index_cast %get3A_1455 : i32 to index
        %get3A_1458 = arith.index_cast %mul3A_1329 : i32 to index
        %get3A_1459 = tpu.vector_load %arg8[%get3A_1456, %get3A_1457, %get3A_1458] {strides = array<i32>} : memref<4x40x512xf32, #tpu.memory_space<vmem>>, vector<1x1x16xf32>,
        %get3A_1460 = vector.shape_cast %get3A_1459 : vector<1x1x16xf32> to vector<16xf32>
        %mul3A_1461 = arith.mulf %get3A_944, %get3A_1460 : vector<16xf32>
        %add3A_1462 = arith.addf %add3A_1453, %mul3A_1461 : vector<16xf32>
        %get3A_1463 = arith.constant 2 : i32
        %get3A_1464 = arith.constant 28 : i32
        %get3A_1465 = arith.index_cast %get3A_1463 : i32 to index
        %get3A_1466 = arith.index_cast %get3A_1464 : i32 to index
        %get3A_1467 = arith.index_cast %mul3A_1329 : i32 to index
        %get3A_1468 = tpu.vector_load %arg8[%get3A_1465, %get3A_1466, %get3A_1467] {strides = array<i32>} : memref<4x40x512xf32, #tpu.memory_space<vmem>>, vector<1x1x16xf32>,
        %get3A_1469 = vector.shape_cast %get3A_1468 : vector<1x1x16xf32> to vector<16xf32>
        %mul3A_1470 = arith.mulf %get3A_962, %get3A_1469 : vector<16xf32>
        %add3A_1471 = arith.addf %add3A_1462, %mul3A_1470 : vector<16xf32>
        %get3A_1472 = arith.constant 2 : i32
        %get3A_1473 = arith.constant 30 : i32
        %get3A_1474 = arith.index_cast %get3A_1472 : i32 to index
        %get3A_1475 = arith.index_cast %get3A_1473 : i32 to index
        %get3A_1476 = arith.index_cast %mul3A_1329 : i32 to index
        %get3A_1477 = tpu.vector_load %arg8[%get3A_1474, %get3A_1475, %get3A_1476] {strides = array<i32>} : memref<4x40x512xf32, #tpu.memory_space<vmem>>, vector<1x1x16xf32>,
        %get3A_1478 = vector.shape_cast %get3A_1477 : vector<1x1x16xf32> to vector<16xf32>
        %mul3A_1479 = arith.mulf %get3A_980, %get3A_1478 : vector<16xf32>
        %add3A_1480 = arith.addf %add3A_1471, %mul3A_1479 : vector<16xf32>
        %get3A_1481 = arith.constant 2 : i32
        %get3A_1482 = arith.constant 32 : i32
        %get3A_1483 = arith.index_cast %get3A_1481 : i32 to index
        %get3A_1484 = arith.index_cast %get3A_1482 : i32 to index
        %get3A_1485 = arith.index_cast %mul3A_1329 : i32 to index
        %get3A_1486 = tpu.vector_load %arg8[%get3A_1483, %get3A_1484, %get3A_1485] {strides = array<i32>} : memref<4x40x512xf32, #tpu.memory_space<vmem>>, vector<1x1x16xf32>,
        %get3A_1487 = vector.shape_cast %get3A_1486 : vector<1x1x16xf32> to vector<16xf32>
        %mul3A_1488 = arith.mulf %get3A_998, %get3A_1487 : vector<16xf32>
        %add3A_1489 = arith.addf %add3A_1480, %mul3A_1488 : vector<16xf32>
        %get3A_1490 = arith.constant 2 : i32
        %get3A_1491 = arith.constant 3 : i32
        %get3A_1492 = arith.index_cast %get3A_1490 : i32 to index
        %get3A_1493 = arith.index_cast %get3A_1491 : i32 to index
        %get3A_1494 = arith.index_cast %mul3A_1329 : i32 to index
        %get3A_1495 = tpu.vector_load %arg8[%get3A_1492, %get3A_1493, %get3A_1494] {strides = array<i32>} : memref<4x40x512xf32, #tpu.memory_space<vmem>>, vector<1x1x16xf32>,
        %get3A_1496 = vector.shape_cast %get3A_1495 : vector<1x1x16xf32> to vector<16xf32>
        %mul3A_1497 = arith.mulf %get3A_737, %get3A_1496 : vector<16xf32>
        %add3A_1498 = arith.addf %mul3A_1345, %mul3A_1497 : vector<16xf32>
        %get3A_1499 = arith.constant 2 : i32
        %get3A_1500 = arith.constant 5 : i32
        %get3A_1501 = arith.index_cast %get3A_1499 : i32 to index
        %get3A_1502 = arith.index_cast %get3A_1500 : i32 to index
        %get3A_1503 = arith.index_cast %mul3A_1329 : i32 to index
        %get3A_1504 = tpu.vector_load %arg8[%get3A_1501, %get3A_1502, %get3A_1503] {strides = array<i32>} : memref<4x40x512xf32, #tpu.memory_space<vmem>>, vector<1x1x16xf32>,
        %get3A_1505 = vector.shape_cast %get3A_1504 : vector<1x1x16xf32> to vector<16xf32>
        %mul3A_1506 = arith.mulf %get3A_755, %get3A_1505 : vector<16xf32>
        %add3A_1507 = arith.addf %add3A_1498, %mul3A_1506 : vector<16xf32>
        %get3A_1508 = arith.constant 2 : i32
        %get3A_1509 = arith.constant 7 : i32
        %get3A_1510 = arith.index_cast %get3A_1508 : i32 to index
        %get3A_1511 = arith.index_cast %get3A_1509 : i32 to index
        %get3A_1512 = arith.index_cast %mul3A_1329 : i32 to index
        %get3A_1513 = tpu.vector_load %arg8[%get3A_1510, %get3A_1511, %get3A_1512] {strides = array<i32>} : memref<4x40x512xf32, #tpu.memory_space<vmem>>, vector<1x1x16xf32>,
        %get3A_1514 = vector.shape_cast %get3A_1513 : vector<1x1x16xf32> to vector<16xf32>
        %mul3A_1515 = arith.mulf %get3A_773, %get3A_1514 : vector<16xf32>
        %add3A_1516 = arith.addf %add3A_1507, %mul3A_1515 : vector<16xf32>
        %get3A_1517 = arith.constant 2 : i32
        %get3A_1518 = arith.constant 9 : i32
        %get3A_1519 = arith.index_cast %get3A_1517 : i32 to index
        %get3A_1520 = arith.index_cast %get3A_1518 : i32 to index
        %get3A_1521 = arith.index_cast %mul3A_1329 : i32 to index
        %get3A_1522 = tpu.vector_load %arg8[%get3A_1519, %get3A_1520, %get3A_1521] {strides = array<i32>} : memref<4x40x512xf32, #tpu.memory_space<vmem>>, vector<1x1x16xf32>,
        %get3A_1523 = vector.shape_cast %get3A_1522 : vector<1x1x16xf32> to vector<16xf32>
        %mul3A_1524 = arith.mulf %get3A_791, %get3A_1523 : vector<16xf32>
        %add3A_1525 = arith.addf %add3A_1516, %mul3A_1524 : vector<16xf32>
        %get3A_1526 = arith.constant 2 : i32
        %get3A_1527 = arith.constant 11 : i32
        %get3A_1528 = arith.index_cast %get3A_1526 : i32 to index
        %get3A_1529 = arith.index_cast %get3A_1527 : i32 to index
        %get3A_1530 = arith.index_cast %mul3A_1329 : i32 to index
        %get3A_1531 = tpu.vector_load %arg8[%get3A_1528, %get3A_1529, %get3A_1530] {strides = array<i32>} : memref<4x40x512xf32, #tpu.memory_space<vmem>>, vector<1x1x16xf32>,
        %get3A_1532 = vector.shape_cast %get3A_1531 : vector<1x1x16xf32> to vector<16xf32>
        %mul3A_1533 = arith.mulf %get3A_809, %get3A_1532 : vector<16xf32>
        %add3A_1534 = arith.addf %add3A_1525, %mul3A_1533 : vector<16xf32>
        %get3A_1535 = arith.constant 2 : i32
        %get3A_1536 = arith.constant 13 : i32
        %get3A_1537 = arith.index_cast %get3A_1535 : i32 to index
        %get3A_1538 = arith.index_cast %get3A_1536 : i32 to index
        %get3A_1539 = arith.index_cast %mul3A_1329 : i32 to index
        %get3A_1540 = tpu.vector_load %arg8[%get3A_1537, %get3A_1538, %get3A_1539] {strides = array<i32>} : memref<4x40x512xf32, #tpu.memory_space<vmem>>, vector<1x1x16xf32>,
        %get3A_1541 = vector.shape_cast %get3A_1540 : vector<1x1x16xf32> to vector<16xf32>
        %mul3A_1542 = arith.mulf %get3A_827, %get3A_1541 : vector<16xf32>
        %add3A_1543 = arith.addf %add3A_1534, %mul3A_1542 : vector<16xf32>
        %get3A_1544 = arith.constant 2 : i32
        %get3A_1545 = arith.constant 15 : i32
        %get3A_1546 = arith.index_cast %get3A_1544 : i32 to index
        %get3A_1547 = arith.index_cast %get3A_1545 : i32 to index
        %get3A_1548 = arith.index_cast %mul3A_1329 : i32 to index
        %get3A_1549 = tpu.vector_load %arg8[%get3A_1546, %get3A_1547, %get3A_1548] {strides = array<i32>} : memref<4x40x512xf32, #tpu.memory_space<vmem>>, vector<1x1x16xf32>,
        %get3A_1550 = vector.shape_cast %get3A_1549 : vector<1x1x16xf32> to vector<16xf32>
        %mul3A_1551 = arith.mulf %get3A_845, %get3A_1550 : vector<16xf32>
        %add3A_1552 = arith.addf %add3A_1543, %mul3A_1551 : vector<16xf32>
        %get3A_1553 = arith.constant 2 : i32
        %get3A_1554 = arith.constant 17 : i32
        %get3A_1555 = arith.index_cast %get3A_1553 : i32 to index
        %get3A_1556 = arith.index_cast %get3A_1554 : i32 to index
        %get3A_1557 = arith.index_cast %mul3A_1329 : i32 to index
        %get3A_1558 = tpu.vector_load %arg8[%get3A_1555, %get3A_1556, %get3A_1557] {strides = array<i32>} : memref<4x40x512xf32, #tpu.memory_space<vmem>>, vector<1x1x16xf32>,
        %get3A_1559 = vector.shape_cast %get3A_1558 : vector<1x1x16xf32> to vector<16xf32>
        %mul3A_1560 = arith.mulf %get3A_863, %get3A_1559 : vector<16xf32>
        %add3A_1561 = arith.addf %add3A_1552, %mul3A_1560 : vector<16xf32>
        %get3A_1562 = arith.constant 2 : i32
        %get3A_1563 = arith.constant 19 : i32
        %get3A_1564 = arith.index_cast %get3A_1562 : i32 to index
        %get3A_1565 = arith.index_cast %get3A_1563 : i32 to index
        %get3A_1566 = arith.index_cast %mul3A_1329 : i32 to index
        %get3A_1567 = tpu.vector_load %arg8[%get3A_1564, %get3A_1565, %get3A_1566] {strides = array<i32>} : memref<4x40x512xf32, #tpu.memory_space<vmem>>, vector<1x1x16xf32>,
        %get3A_1568 = vector.shape_cast %get3A_1567 : vector<1x1x16xf32> to vector<16xf32>
        %mul3A_1569 = arith.mulf %get3A_881, %get3A_1568 : vector<16xf32>
        %add3A_1570 = arith.addf %add3A_1561, %mul3A_1569 : vector<16xf32>
        %get3A_1571 = arith.constant 2 : i32
        %get3A_1572 = arith.constant 21 : i32
        %get3A_1573 = arith.index_cast %get3A_1571 : i32 to index
        %get3A_1574 = arith.index_cast %get3A_1572 : i32 to index
        %get3A_1575 = arith.index_cast %mul3A_1329 : i32 to index
        %get3A_1576 = tpu.vector_load %arg8[%get3A_1573, %get3A_1574, %get3A_1575] {strides = array<i32>} : memref<4x40x512xf32, #tpu.memory_space<vmem>>, vector<1x1x16xf32>,
        %get3A_1577 = vector.shape_cast %get3A_1576 : vector<1x1x16xf32> to vector<16xf32>
        %mul3A_1578 = arith.mulf %get3A_899, %get3A_1577 : vector<16xf32>
        %add3A_1579 = arith.addf %add3A_1570, %mul3A_1578 : vector<16xf32>
        %get3A_1580 = arith.constant 2 : i32
        %get3A_1581 = arith.constant 23 : i32
        %get3A_1582 = arith.index_cast %get3A_1580 : i32 to index
        %get3A_1583 = arith.index_cast %get3A_1581 : i32 to index
        %get3A_1584 = arith.index_cast %mul3A_1329 : i32 to index
        %get3A_1585 = tpu.vector_load %arg8[%get3A_1582, %get3A_1583, %get3A_1584] {strides = array<i32>} : memref<4x40x512xf32, #tpu.memory_space<vmem>>, vector<1x1x16xf32>,
        %get3A_1586 = vector.shape_cast %get3A_1585 : vector<1x1x16xf32> to vector<16xf32>
        %mul3A_1587 = arith.mulf %get3A_917, %get3A_1586 : vector<16xf32>
        %add3A_1588 = arith.addf %add3A_1579, %mul3A_1587 : vector<16xf32>
        %get3A_1589 = arith.constant 2 : i32
        %get3A_1590 = arith.constant 25 : i32
        %get3A_1591 = arith.index_cast %get3A_1589 : i32 to index
        %get3A_1592 = arith.index_cast %get3A_1590 : i32 to index
        %get3A_1593 = arith.index_cast %mul3A_1329 : i32 to index
        %get3A_1594 = tpu.vector_load %arg8[%get3A_1591, %get3A_1592, %get3A_1593] {strides = array<i32>} : memref<4x40x512xf32, #tpu.memory_space<vmem>>, vector<1x1x16xf32>,
        %get3A_1595 = vector.shape_cast %get3A_1594 : vector<1x1x16xf32> to vector<16xf32>
        %mul3A_1596 = arith.mulf %get3A_935, %get3A_1595 : vector<16xf32>
        %add3A_1597 = arith.addf %add3A_1588, %mul3A_1596 : vector<16xf32>
        %get3A_1598 = arith.constant 2 : i32
        %get3A_1599 = arith.constant 27 : i32
        %get3A_1600 = arith.index_cast %get3A_1598 : i32 to index
        %get3A_1601 = arith.index_cast %get3A_1599 : i32 to index
        %get3A_1602 = arith.index_cast %mul3A_1329 : i32 to index
        %get3A_1603 = tpu.vector_load %arg8[%get3A_1600, %get3A_1601, %get3A_1602] {strides = array<i32>} : memref<4x40x512xf32, #tpu.memory_space<vmem>>, vector<1x1x16xf32>,
        %get3A_1604 = vector.shape_cast %get3A_1603 : vector<1x1x16xf32> to vector<16xf32>
        %mul3A_1605 = arith.mulf %get3A_953, %get3A_1604 : vector<16xf32>
        %add3A_1606 = arith.addf %add3A_1597, %mul3A_1605 : vector<16xf32>
        %get3A_1607 = arith.constant 2 : i32
        %get3A_1608 = arith.constant 29 : i32
        %get3A_1609 = arith.index_cast %get3A_1607 : i32 to index
        %get3A_1610 = arith.index_cast %get3A_1608 : i32 to index
        %get3A_1611 = arith.index_cast %mul3A_1329 : i32 to index
        %get3A_1612 = tpu.vector_load %arg8[%get3A_1609, %get3A_1610, %get3A_1611] {strides = array<i32>} : memref<4x40x512xf32, #tpu.memory_space<vmem>>, vector<1x1x16xf32>,
        %get3A_1613 = vector.shape_cast %get3A_1612 : vector<1x1x16xf32> to vector<16xf32>
        %mul3A_1614 = arith.mulf %get3A_971, %get3A_1613 : vector<16xf32>
        %add3A_1615 = arith.addf %add3A_1606, %mul3A_1614 : vector<16xf32>
        %get3A_1616 = arith.constant 2 : i32
        %get3A_1617 = arith.constant 31 : i32
        %get3A_1618 = arith.index_cast %get3A_1616 : i32 to index
        %get3A_1619 = arith.index_cast %get3A_1617 : i32 to index
        %get3A_1620 = arith.index_cast %mul3A_1329 : i32 to index
        %get3A_1621 = tpu.vector_load %arg8[%get3A_1618, %get3A_1619, %get3A_1620] {strides = array<i32>} : memref<4x40x512xf32, #tpu.memory_space<vmem>>, vector<1x1x16xf32>,
        %get3A_1622 = vector.shape_cast %get3A_1621 : vector<1x1x16xf32> to vector<16xf32>
        %mul3A_1623 = arith.mulf %get3A_989, %get3A_1622 : vector<16xf32>
        %add3A_1624 = arith.addf %add3A_1615, %mul3A_1623 : vector<16xf32>
        %add3A_1625 = arith.addf %add3A_1489, %add3A_1624 : vector<16xf32>
        %swap3A = arith.index_cast %add3A_686 : i32 to index
        %swap3A_1626 = arith.index_cast %mul3A_1329 : i32 to index
        %swap3A_1627 = tpu.vector_load %arg9[%swap3A, %swap3A_1626] {strides = array<i32>} : memref<32x512xf32, #tpu.memory_space<vmem>>, vector<1x16xf32>,
        %swap3A_1628 = vector.shape_cast %swap3A_1627 : vector<1x16xf32> to vector<16xf32>
        %swap3A_1629 = vector.shape_cast %add3A_1625 : vector<16xf32> to vector<1x16xf32>
        tpu.vector_store %arg9[%swap3A, %swap3A_1626], %swap3A_1629 {strides = array<i32>} : memref<32x512xf32, #tpu.memory_space<vmem>>, vector<1x16xf32>,
      }
      %scan3A_1004 = arith.constant 32 : i32
      %mul3A_1005 = arith.constant 4 : i32
      %mul3A_1006 = arith.muli %mul3A_1005, %scan3A_43 : i32
      %add3A_1007 = arith.constant 3 : i32
      %add3A_1008 = arith.addi %mul3A_1006, %add3A_1007 : i32
      %lt3A_1009 = arith.constant 29 : i32
      %lt3A_1010 = arith.cmpi slt, %add3A_1008, %lt3A_1009 : i32
      %convert_element_type3A_1011 = arith.extui %lt3A_1010 : i1 to i32
      %cond3A_1012 = arith.constant 0 : i32
      %cond3A_1013 = arith.cmpi ne, %convert_element_type3A_1011, %cond3A_1012 : i32
      scf.if %cond3A_1013 {
        %add3A_1327 = arith.constant 4 : i32
        %add3A_1328 = arith.addi %add3A_1008, %add3A_1327 : i32
        %sub3A = arith.constant 1 : i32
        %sub3A_1329 = arith.subi %add3A_1328, %sub3A : i32
        %mul3A_1330 = arith.constant 40 : i32
        %mul3A_1331 = arith.muli %sub3A_1329, %mul3A_1330 : i32
        %dma_start3A_1332 = arith.constant 2 : i32
        %dma_start3A_1333 = arith.constant 0 : i32
        %dma_start3A_1334 = arith.constant 0 : i32
        %dma_start3A_1335 = tpu.memref_slice %arg8[%dma_start3A_1332, %dma_start3A_1333, %dma_start3A_1334] : memref<4x40x512xf32, #tpu.memory_space<vmem>> -> memref<1x40x512xf32, #tpu.memory_space<vmem>>
        %dma_start3A_1336 = tpu.memref_squeeze %dma_start3A_1335 : memref<1x40x512xf32, #tpu.memory_space<vmem>> -> memref<40x512xf32, #tpu.memory_space<vmem>>
        %dma_start3A_1337 = tpu.memref_slice %arg6[%mul3A_1331] : memref<1280xi32, #tpu.memory_space<vmem>> -> memref<40xi32, #tpu.memory_space<vmem>>
        %dma_start3A_1338 = arith.constant 0 : i32
        %dma_start3A_1339 = arith.constant 0 : i32
        %dma_start3A_1340 = tpu.memref_slice %arg2[%dma_start3A_1338, %dma_start3A_1339] : memref<10000x512xf32, #tpu.memory_space<hbm>> -> memref<10000x512xf32, #tpu.memory_space<hbm>>
        tpu.enqueue_indirect_dma source(%dma_start3A_1340 : memref<10000x512xf32, #tpu.memory_space<hbm>>) target(%dma_start3A_1336 : memref<40x512xf32, #tpu.memory_space<vmem>>) offsets(%dma_start3A_1337 : memref<40xi32, #tpu.memory_space<vmem>>) semaphore(%arg12 : memref<!tpu.dma_semaphore, #tpu.memory_space<semaphore_mem>>)
      } else {
      }
      %dma_wait3A_1014 = arith.constant 3 : i32
      %dma_wait3A_1015 = arith.constant 0 : i32
      %dma_wait3A_1016 = arith.constant 0 : i32
      %dma_wait3A_1017 = tpu.memref_slice %arg8[%dma_wait3A_1014, %dma_wait3A_1015, %dma_wait3A_1016] : memref<4x40x512xf32, #tpu.memory_space<vmem>> -> memref<1x40x512xf32, #tpu.memory_space<vmem>>
      %dma_wait3A_1018 = tpu.memref_squeeze %dma_wait3A_1017 : memref<1x40x512xf32, #tpu.memory_space<vmem>> -> memref<40x512xf32, #tpu.memory_space<vmem>>
      %dma_wait3A_1019 = arith.constant 0 : i32
      %dma_wait3A_1020 = tpu.memref_slice %arg6[%dma_wait3A_1019] : memref<1280xi32, #tpu.memory_space<vmem>> -> memref<40xi32, #tpu.memory_space<vmem>>
      %dma_wait3A_1021 = arith.constant 0 : i32
      %dma_wait3A_1022 = arith.constant 0 : i32
      %dma_wait3A_1023 = tpu.memref_slice %arg2[%dma_wait3A_1021, %dma_wait3A_1022] : memref<10000x512xf32, #tpu.memory_space<hbm>> -> memref<10000x512xf32, #tpu.memory_space<hbm>>
      tpu.wait_indirect_dma semaphore(%arg13 : memref<!tpu.dma_semaphore, #tpu.memory_space<semaphore_mem>>) src(%dma_wait3A_1023 : memref<10000x512xf32, #tpu.memory_space<hbm>>) dst(%dma_wait3A_1018 : memref<40x512xf32, #tpu.memory_space<vmem>>)
      %mul3A_1024 = arith.constant 33 : i32
      %mul3A_1025 = arith.muli %add3A_1008, %mul3A_1024 : i32
      %add3A_1026 = arith.constant 0 : i32
      %add3A_1027 = arith.addi %mul3A_1025, %add3A_1026 : i32
      %mul3A_1028 = arith.constant 16 : i32
      %mul3A_1029 = arith.muli %add3A_1027, %mul3A_1028 : i32
      %get3A_1030 = arith.index_cast %mul3A_1029 : i32 to index
      %get3A_1031 = tpu.vector_load %arg7[%get3A_1030] {strides = array<i32>} : memref<16896xf32, #tpu.memory_space<vmem>>, vector<16xf32>,
      %get3A_1032 = vector.shape_cast %get3A_1031 : vector<16xf32> to vector<16xf32>
      %mul3A_1033 = arith.constant 33 : i32
      %mul3A_1034 = arith.muli %add3A_1008, %mul3A_1033 : i32
      %add3A_1035 = arith.constant 1 : i32
      %add3A_1036 = arith.addi %mul3A_1034, %add3A_1035 : i32
      %mul3A_1037 = arith.constant 16 : i32
      %mul3A_1038 = arith.muli %add3A_1036, %mul3A_1037 : i32
      %get3A_1039 = arith.index_cast %mul3A_1038 : i32 to index
      %get3A_1040 = tpu.vector_load %arg7[%get3A_1039] {strides = array<i32>} : memref<16896xf32, #tpu.memory_space<vmem>>, vector<16xf32>,
      %get3A_1041 = vector.shape_cast %get3A_1040 : vector<16xf32> to vector<16xf32>
      %mul3A_1042 = arith.constant 33 : i32
      %mul3A_1043 = arith.muli %add3A_1008, %mul3A_1042 : i32
      %add3A_1044 = arith.constant 2 : i32
      %add3A_1045 = arith.addi %mul3A_1043, %add3A_1044 : i32
      %mul3A_1046 = arith.constant 16 : i32
      %mul3A_1047 = arith.muli %add3A_1045, %mul3A_1046 : i32
      %get3A_1048 = arith.index_cast %mul3A_1047 : i32 to index
      %get3A_1049 = tpu.vector_load %arg7[%get3A_1048] {strides = array<i32>} : memref<16896xf32, #tpu.memory_space<vmem>>, vector<16xf32>,
      %get3A_1050 = vector.shape_cast %get3A_1049 : vector<16xf32> to vector<16xf32>
      %mul3A_1051 = arith.constant 33 : i32
      %mul3A_1052 = arith.muli %add3A_1008, %mul3A_1051 : i32
      %add3A_1053 = arith.constant 3 : i32
      %add3A_1054 = arith.addi %mul3A_1052, %add3A_1053 : i32
      %mul3A_1055 = arith.constant 16 : i32
      %mul3A_1056 = arith.muli %add3A_1054, %mul3A_1055 : i32
      %get3A_1057 = arith.index_cast %mul3A_1056 : i32 to index
      %get3A_1058 = tpu.vector_load %arg7[%get3A_1057] {strides = array<i32>} : memref<16896xf32, #tpu.memory_space<vmem>>, vector<16xf32>,
      %get3A_1059 = vector.shape_cast %get3A_1058 : vector<16xf32> to vector<16xf32>
      %mul3A_1060 = arith.constant 33 : i32
      %mul3A_1061 = arith.muli %add3A_1008, %mul3A_1060 : i32
      %add3A_1062 = arith.constant 4 : i32
      %add3A_1063 = arith.addi %mul3A_1061, %add3A_1062 : i32
      %mul3A_1064 = arith.constant 16 : i32
      %mul3A_1065 = arith.muli %add3A_1063, %mul3A_1064 : i32
      %get3A_1066 = arith.index_cast %mul3A_1065 : i32 to index
      %get3A_1067 = tpu.vector_load %arg7[%get3A_1066] {strides = array<i32>} : memref<16896xf32, #tpu.memory_space<vmem>>, vector<16xf32>,
      %get3A_1068 = vector.shape_cast %get3A_1067 : vector<16xf32> to vector<16xf32>
      %mul3A_1069 = arith.constant 33 : i32
      %mul3A_1070 = arith.muli %add3A_1008, %mul3A_1069 : i32
      %add3A_1071 = arith.constant 5 : i32
      %add3A_1072 = arith.addi %mul3A_1070, %add3A_1071 : i32
      %mul3A_1073 = arith.constant 16 : i32
      %mul3A_1074 = arith.muli %add3A_1072, %mul3A_1073 : i32
      %get3A_1075 = arith.index_cast %mul3A_1074 : i32 to index
      %get3A_1076 = tpu.vector_load %arg7[%get3A_1075] {strides = array<i32>} : memref<16896xf32, #tpu.memory_space<vmem>>, vector<16xf32>,
      %get3A_1077 = vector.shape_cast %get3A_1076 : vector<16xf32> to vector<16xf32>
      %mul3A_1078 = arith.constant 33 : i32
      %mul3A_1079 = arith.muli %add3A_1008, %mul3A_1078 : i32
      %add3A_1080 = arith.constant 6 : i32
      %add3A_1081 = arith.addi %mul3A_1079, %add3A_1080 : i32
      %mul3A_1082 = arith.constant 16 : i32
      %mul3A_1083 = arith.muli %add3A_1081, %mul3A_1082 : i32
      %get3A_1084 = arith.index_cast %mul3A_1083 : i32 to index
      %get3A_1085 = tpu.vector_load %arg7[%get3A_1084] {strides = array<i32>} : memref<16896xf32, #tpu.memory_space<vmem>>, vector<16xf32>,
      %get3A_1086 = vector.shape_cast %get3A_1085 : vector<16xf32> to vector<16xf32>
      %mul3A_1087 = arith.constant 33 : i32
      %mul3A_1088 = arith.muli %add3A_1008, %mul3A_1087 : i32
      %add3A_1089 = arith.constant 7 : i32
      %add3A_1090 = arith.addi %mul3A_1088, %add3A_1089 : i32
      %mul3A_1091 = arith.constant 16 : i32
      %mul3A_1092 = arith.muli %add3A_1090, %mul3A_1091 : i32
      %get3A_1093 = arith.index_cast %mul3A_1092 : i32 to index
      %get3A_1094 = tpu.vector_load %arg7[%get3A_1093] {strides = array<i32>} : memref<16896xf32, #tpu.memory_space<vmem>>, vector<16xf32>,
      %get3A_1095 = vector.shape_cast %get3A_1094 : vector<16xf32> to vector<16xf32>
      %mul3A_1096 = arith.constant 33 : i32
      %mul3A_1097 = arith.muli %add3A_1008, %mul3A_1096 : i32
      %add3A_1098 = arith.constant 8 : i32
      %add3A_1099 = arith.addi %mul3A_1097, %add3A_1098 : i32
      %mul3A_1100 = arith.constant 16 : i32
      %mul3A_1101 = arith.muli %add3A_1099, %mul3A_1100 : i32
      %get3A_1102 = arith.index_cast %mul3A_1101 : i32 to index
      %get3A_1103 = tpu.vector_load %arg7[%get3A_1102] {strides = array<i32>} : memref<16896xf32, #tpu.memory_space<vmem>>, vector<16xf32>,
      %get3A_1104 = vector.shape_cast %get3A_1103 : vector<16xf32> to vector<16xf32>
      %mul3A_1105 = arith.constant 33 : i32
      %mul3A_1106 = arith.muli %add3A_1008, %mul3A_1105 : i32
      %add3A_1107 = arith.constant 9 : i32
      %add3A_1108 = arith.addi %mul3A_1106, %add3A_1107 : i32
      %mul3A_1109 = arith.constant 16 : i32
      %mul3A_1110 = arith.muli %add3A_1108, %mul3A_1109 : i32
      %get3A_1111 = arith.index_cast %mul3A_1110 : i32 to index
      %get3A_1112 = tpu.vector_load %arg7[%get3A_1111] {strides = array<i32>} : memref<16896xf32, #tpu.memory_space<vmem>>, vector<16xf32>,
      %get3A_1113 = vector.shape_cast %get3A_1112 : vector<16xf32> to vector<16xf32>
      %mul3A_1114 = arith.constant 33 : i32
      %mul3A_1115 = arith.muli %add3A_1008, %mul3A_1114 : i32
      %add3A_1116 = arith.constant 10 : i32
      %add3A_1117 = arith.addi %mul3A_1115, %add3A_1116 : i32
      %mul3A_1118 = arith.constant 16 : i32
      %mul3A_1119 = arith.muli %add3A_1117, %mul3A_1118 : i32
      %get3A_1120 = arith.index_cast %mul3A_1119 : i32 to index
      %get3A_1121 = tpu.vector_load %arg7[%get3A_1120] {strides = array<i32>} : memref<16896xf32, #tpu.memory_space<vmem>>, vector<16xf32>,
      %get3A_1122 = vector.shape_cast %get3A_1121 : vector<16xf32> to vector<16xf32>
      %mul3A_1123 = arith.constant 33 : i32
      %mul3A_1124 = arith.muli %add3A_1008, %mul3A_1123 : i32
      %add3A_1125 = arith.constant 11 : i32
      %add3A_1126 = arith.addi %mul3A_1124, %add3A_1125 : i32
      %mul3A_1127 = arith.constant 16 : i32
      %mul3A_1128 = arith.muli %add3A_1126, %mul3A_1127 : i32
      %get3A_1129 = arith.index_cast %mul3A_1128 : i32 to index
      %get3A_1130 = tpu.vector_load %arg7[%get3A_1129] {strides = array<i32>} : memref<16896xf32, #tpu.memory_space<vmem>>, vector<16xf32>,
      %get3A_1131 = vector.shape_cast %get3A_1130 : vector<16xf32> to vector<16xf32>
      %mul3A_1132 = arith.constant 33 : i32
      %mul3A_1133 = arith.muli %add3A_1008, %mul3A_1132 : i32
      %add3A_1134 = arith.constant 12 : i32
      %add3A_1135 = arith.addi %mul3A_1133, %add3A_1134 : i32
      %mul3A_1136 = arith.constant 16 : i32
      %mul3A_1137 = arith.muli %add3A_1135, %mul3A_1136 : i32
      %get3A_1138 = arith.index_cast %mul3A_1137 : i32 to index
      %get3A_1139 = tpu.vector_load %arg7[%get3A_1138] {strides = array<i32>} : memref<16896xf32, #tpu.memory_space<vmem>>, vector<16xf32>,
      %get3A_1140 = vector.shape_cast %get3A_1139 : vector<16xf32> to vector<16xf32>
      %mul3A_1141 = arith.constant 33 : i32
      %mul3A_1142 = arith.muli %add3A_1008, %mul3A_1141 : i32
      %add3A_1143 = arith.constant 13 : i32
      %add3A_1144 = arith.addi %mul3A_1142, %add3A_1143 : i32
      %mul3A_1145 = arith.constant 16 : i32
      %mul3A_1146 = arith.muli %add3A_1144, %mul3A_1145 : i32
      %get3A_1147 = arith.index_cast %mul3A_1146 : i32 to index
      %get3A_1148 = tpu.vector_load %arg7[%get3A_1147] {strides = array<i32>} : memref<16896xf32, #tpu.memory_space<vmem>>, vector<16xf32>,
      %get3A_1149 = vector.shape_cast %get3A_1148 : vector<16xf32> to vector<16xf32>
      %mul3A_1150 = arith.constant 33 : i32
      %mul3A_1151 = arith.muli %add3A_1008, %mul3A_1150 : i32
      %add3A_1152 = arith.constant 14 : i32
      %add3A_1153 = arith.addi %mul3A_1151, %add3A_1152 : i32
      %mul3A_1154 = arith.constant 16 : i32
      %mul3A_1155 = arith.muli %add3A_1153, %mul3A_1154 : i32
      %get3A_1156 = arith.index_cast %mul3A_1155 : i32 to index
      %get3A_1157 = tpu.vector_load %arg7[%get3A_1156] {strides = array<i32>} : memref<16896xf32, #tpu.memory_space<vmem>>, vector<16xf32>,
      %get3A_1158 = vector.shape_cast %get3A_1157 : vector<16xf32> to vector<16xf32>
      %mul3A_1159 = arith.constant 33 : i32
      %mul3A_1160 = arith.muli %add3A_1008, %mul3A_1159 : i32
      %add3A_1161 = arith.constant 15 : i32
      %add3A_1162 = arith.addi %mul3A_1160, %add3A_1161 : i32
      %mul3A_1163 = arith.constant 16 : i32
      %mul3A_1164 = arith.muli %add3A_1162, %mul3A_1163 : i32
      %get3A_1165 = arith.index_cast %mul3A_1164 : i32 to index
      %get3A_1166 = tpu.vector_load %arg7[%get3A_1165] {strides = array<i32>} : memref<16896xf32, #tpu.memory_space<vmem>>, vector<16xf32>,
      %get3A_1167 = vector.shape_cast %get3A_1166 : vector<16xf32> to vector<16xf32>
      %mul3A_1168 = arith.constant 33 : i32
      %mul3A_1169 = arith.muli %add3A_1008, %mul3A_1168 : i32
      %add3A_1170 = arith.constant 16 : i32
      %add3A_1171 = arith.addi %mul3A_1169, %add3A_1170 : i32
      %mul3A_1172 = arith.constant 16 : i32
      %mul3A_1173 = arith.muli %add3A_1171, %mul3A_1172 : i32
      %get3A_1174 = arith.index_cast %mul3A_1173 : i32 to index
      %get3A_1175 = tpu.vector_load %arg7[%get3A_1174] {strides = array<i32>} : memref<16896xf32, #tpu.memory_space<vmem>>, vector<16xf32>,
      %get3A_1176 = vector.shape_cast %get3A_1175 : vector<16xf32> to vector<16xf32>
      %mul3A_1177 = arith.constant 33 : i32
      %mul3A_1178 = arith.muli %add3A_1008, %mul3A_1177 : i32
      %add3A_1179 = arith.constant 17 : i32
      %add3A_1180 = arith.addi %mul3A_1178, %add3A_1179 : i32
      %mul3A_1181 = arith.constant 16 : i32
      %mul3A_1182 = arith.muli %add3A_1180, %mul3A_1181 : i32
      %get3A_1183 = arith.index_cast %mul3A_1182 : i32 to index
      %get3A_1184 = tpu.vector_load %arg7[%get3A_1183] {strides = array<i32>} : memref<16896xf32, #tpu.memory_space<vmem>>, vector<16xf32>,
      %get3A_1185 = vector.shape_cast %get3A_1184 : vector<16xf32> to vector<16xf32>
      %mul3A_1186 = arith.constant 33 : i32
      %mul3A_1187 = arith.muli %add3A_1008, %mul3A_1186 : i32
      %add3A_1188 = arith.constant 18 : i32
      %add3A_1189 = arith.addi %mul3A_1187, %add3A_1188 : i32
      %mul3A_1190 = arith.constant 16 : i32
      %mul3A_1191 = arith.muli %add3A_1189, %mul3A_1190 : i32
      %get3A_1192 = arith.index_cast %mul3A_1191 : i32 to index
      %get3A_1193 = tpu.vector_load %arg7[%get3A_1192] {strides = array<i32>} : memref<16896xf32, #tpu.memory_space<vmem>>, vector<16xf32>,
      %get3A_1194 = vector.shape_cast %get3A_1193 : vector<16xf32> to vector<16xf32>
      %mul3A_1195 = arith.constant 33 : i32
      %mul3A_1196 = arith.muli %add3A_1008, %mul3A_1195 : i32
      %add3A_1197 = arith.constant 19 : i32
      %add3A_1198 = arith.addi %mul3A_1196, %add3A_1197 : i32
      %mul3A_1199 = arith.constant 16 : i32
      %mul3A_1200 = arith.muli %add3A_1198, %mul3A_1199 : i32
      %get3A_1201 = arith.index_cast %mul3A_1200 : i32 to index
      %get3A_1202 = tpu.vector_load %arg7[%get3A_1201] {strides = array<i32>} : memref<16896xf32, #tpu.memory_space<vmem>>, vector<16xf32>,
      %get3A_1203 = vector.shape_cast %get3A_1202 : vector<16xf32> to vector<16xf32>
      %mul3A_1204 = arith.constant 33 : i32
      %mul3A_1205 = arith.muli %add3A_1008, %mul3A_1204 : i32
      %add3A_1206 = arith.constant 20 : i32
      %add3A_1207 = arith.addi %mul3A_1205, %add3A_1206 : i32
      %mul3A_1208 = arith.constant 16 : i32
      %mul3A_1209 = arith.muli %add3A_1207, %mul3A_1208 : i32
      %get3A_1210 = arith.index_cast %mul3A_1209 : i32 to index
      %get3A_1211 = tpu.vector_load %arg7[%get3A_1210] {strides = array<i32>} : memref<16896xf32, #tpu.memory_space<vmem>>, vector<16xf32>,
      %get3A_1212 = vector.shape_cast %get3A_1211 : vector<16xf32> to vector<16xf32>
      %mul3A_1213 = arith.constant 33 : i32
      %mul3A_1214 = arith.muli %add3A_1008, %mul3A_1213 : i32
      %add3A_1215 = arith.constant 21 : i32
      %add3A_1216 = arith.addi %mul3A_1214, %add3A_1215 : i32
      %mul3A_1217 = arith.constant 16 : i32
      %mul3A_1218 = arith.muli %add3A_1216, %mul3A_1217 : i32
      %get3A_1219 = arith.index_cast %mul3A_1218 : i32 to index
      %get3A_1220 = tpu.vector_load %arg7[%get3A_1219] {strides = array<i32>} : memref<16896xf32, #tpu.memory_space<vmem>>, vector<16xf32>,
      %get3A_1221 = vector.shape_cast %get3A_1220 : vector<16xf32> to vector<16xf32>
      %mul3A_1222 = arith.constant 33 : i32
      %mul3A_1223 = arith.muli %add3A_1008, %mul3A_1222 : i32
      %add3A_1224 = arith.constant 22 : i32
      %add3A_1225 = arith.addi %mul3A_1223, %add3A_1224 : i32
      %mul3A_1226 = arith.constant 16 : i32
      %mul3A_1227 = arith.muli %add3A_1225, %mul3A_1226 : i32
      %get3A_1228 = arith.index_cast %mul3A_1227 : i32 to index
      %get3A_1229 = tpu.vector_load %arg7[%get3A_1228] {strides = array<i32>} : memref<16896xf32, #tpu.memory_space<vmem>>, vector<16xf32>,
      %get3A_1230 = vector.shape_cast %get3A_1229 : vector<16xf32> to vector<16xf32>
      %mul3A_1231 = arith.constant 33 : i32
      %mul3A_1232 = arith.muli %add3A_1008, %mul3A_1231 : i32
      %add3A_1233 = arith.constant 23 : i32
      %add3A_1234 = arith.addi %mul3A_1232, %add3A_1233 : i32
      %mul3A_1235 = arith.constant 16 : i32
      %mul3A_1236 = arith.muli %add3A_1234, %mul3A_1235 : i32
      %get3A_1237 = arith.index_cast %mul3A_1236 : i32 to index
      %get3A_1238 = tpu.vector_load %arg7[%get3A_1237] {strides = array<i32>} : memref<16896xf32, #tpu.memory_space<vmem>>, vector<16xf32>,
      %get3A_1239 = vector.shape_cast %get3A_1238 : vector<16xf32> to vector<16xf32>
      %mul3A_1240 = arith.constant 33 : i32
      %mul3A_1241 = arith.muli %add3A_1008, %mul3A_1240 : i32
      %add3A_1242 = arith.constant 24 : i32
      %add3A_1243 = arith.addi %mul3A_1241, %add3A_1242 : i32
      %mul3A_1244 = arith.constant 16 : i32
      %mul3A_1245 = arith.muli %add3A_1243, %mul3A_1244 : i32
      %get3A_1246 = arith.index_cast %mul3A_1245 : i32 to index
      %get3A_1247 = tpu.vector_load %arg7[%get3A_1246] {strides = array<i32>} : memref<16896xf32, #tpu.memory_space<vmem>>, vector<16xf32>,
      %get3A_1248 = vector.shape_cast %get3A_1247 : vector<16xf32> to vector<16xf32>
      %mul3A_1249 = arith.constant 33 : i32
      %mul3A_1250 = arith.muli %add3A_1008, %mul3A_1249 : i32
      %add3A_1251 = arith.constant 25 : i32
      %add3A_1252 = arith.addi %mul3A_1250, %add3A_1251 : i32
      %mul3A_1253 = arith.constant 16 : i32
      %mul3A_1254 = arith.muli %add3A_1252, %mul3A_1253 : i32
      %get3A_1255 = arith.index_cast %mul3A_1254 : i32 to index
      %get3A_1256 = tpu.vector_load %arg7[%get3A_1255] {strides = array<i32>} : memref<16896xf32, #tpu.memory_space<vmem>>, vector<16xf32>,
      %get3A_1257 = vector.shape_cast %get3A_1256 : vector<16xf32> to vector<16xf32>
      %mul3A_1258 = arith.constant 33 : i32
      %mul3A_1259 = arith.muli %add3A_1008, %mul3A_1258 : i32
      %add3A_1260 = arith.constant 26 : i32
      %add3A_1261 = arith.addi %mul3A_1259, %add3A_1260 : i32
      %mul3A_1262 = arith.constant 16 : i32
      %mul3A_1263 = arith.muli %add3A_1261, %mul3A_1262 : i32
      %get3A_1264 = arith.index_cast %mul3A_1263 : i32 to index
      %get3A_1265 = tpu.vector_load %arg7[%get3A_1264] {strides = array<i32>} : memref<16896xf32, #tpu.memory_space<vmem>>, vector<16xf32>,
      %get3A_1266 = vector.shape_cast %get3A_1265 : vector<16xf32> to vector<16xf32>
      %mul3A_1267 = arith.constant 33 : i32
      %mul3A_1268 = arith.muli %add3A_1008, %mul3A_1267 : i32
      %add3A_1269 = arith.constant 27 : i32
      %add3A_1270 = arith.addi %mul3A_1268, %add3A_1269 : i32
      %mul3A_1271 = arith.constant 16 : i32
      %mul3A_1272 = arith.muli %add3A_1270, %mul3A_1271 : i32
      %get3A_1273 = arith.index_cast %mul3A_1272 : i32 to index
      %get3A_1274 = tpu.vector_load %arg7[%get3A_1273] {strides = array<i32>} : memref<16896xf32, #tpu.memory_space<vmem>>, vector<16xf32>,
      %get3A_1275 = vector.shape_cast %get3A_1274 : vector<16xf32> to vector<16xf32>
      %mul3A_1276 = arith.constant 33 : i32
      %mul3A_1277 = arith.muli %add3A_1008, %mul3A_1276 : i32
      %add3A_1278 = arith.constant 28 : i32
      %add3A_1279 = arith.addi %mul3A_1277, %add3A_1278 : i32
      %mul3A_1280 = arith.constant 16 : i32
      %mul3A_1281 = arith.muli %add3A_1279, %mul3A_1280 : i32
      %get3A_1282 = arith.index_cast %mul3A_1281 : i32 to index
      %get3A_1283 = tpu.vector_load %arg7[%get3A_1282] {strides = array<i32>} : memref<16896xf32, #tpu.memory_space<vmem>>, vector<16xf32>,
      %get3A_1284 = vector.shape_cast %get3A_1283 : vector<16xf32> to vector<16xf32>
      %mul3A_1285 = arith.constant 33 : i32
      %mul3A_1286 = arith.muli %add3A_1008, %mul3A_1285 : i32
      %add3A_1287 = arith.constant 29 : i32
      %add3A_1288 = arith.addi %mul3A_1286, %add3A_1287 : i32
      %mul3A_1289 = arith.constant 16 : i32
      %mul3A_1290 = arith.muli %add3A_1288, %mul3A_1289 : i32
      %get3A_1291 = arith.index_cast %mul3A_1290 : i32 to index
      %get3A_1292 = tpu.vector_load %arg7[%get3A_1291] {strides = array<i32>} : memref<16896xf32, #tpu.memory_space<vmem>>, vector<16xf32>,
      %get3A_1293 = vector.shape_cast %get3A_1292 : vector<16xf32> to vector<16xf32>
      %mul3A_1294 = arith.constant 33 : i32
      %mul3A_1295 = arith.muli %add3A_1008, %mul3A_1294 : i32
      %add3A_1296 = arith.constant 30 : i32
      %add3A_1297 = arith.addi %mul3A_1295, %add3A_1296 : i32
      %mul3A_1298 = arith.constant 16 : i32
      %mul3A_1299 = arith.muli %add3A_1297, %mul3A_1298 : i32
      %get3A_1300 = arith.index_cast %mul3A_1299 : i32 to index
      %get3A_1301 = tpu.vector_load %arg7[%get3A_1300] {strides = array<i32>} : memref<16896xf32, #tpu.memory_space<vmem>>, vector<16xf32>,
      %get3A_1302 = vector.shape_cast %get3A_1301 : vector<16xf32> to vector<16xf32>
      %mul3A_1303 = arith.constant 33 : i32
      %mul3A_1304 = arith.muli %add3A_1008, %mul3A_1303 : i32
      %add3A_1305 = arith.constant 31 : i32
      %add3A_1306 = arith.addi %mul3A_1304, %add3A_1305 : i32
      %mul3A_1307 = arith.constant 16 : i32
      %mul3A_1308 = arith.muli %add3A_1306, %mul3A_1307 : i32
      %get3A_1309 = arith.index_cast %mul3A_1308 : i32 to index
      %get3A_1310 = tpu.vector_load %arg7[%get3A_1309] {strides = array<i32>} : memref<16896xf32, #tpu.memory_space<vmem>>, vector<16xf32>,
      %get3A_1311 = vector.shape_cast %get3A_1310 : vector<16xf32> to vector<16xf32>
      %mul3A_1312 = arith.constant 33 : i32
      %mul3A_1313 = arith.muli %add3A_1008, %mul3A_1312 : i32
      %add3A_1314 = arith.constant 32 : i32
      %add3A_1315 = arith.addi %mul3A_1313, %add3A_1314 : i32
      %mul3A_1316 = arith.constant 16 : i32
      %mul3A_1317 = arith.muli %add3A_1315, %mul3A_1316 : i32
      %get3A_1318 = arith.index_cast %mul3A_1317 : i32 to index
      %get3A_1319 = tpu.vector_load %arg7[%get3A_1318] {strides = array<i32>} : memref<16896xf32, #tpu.memory_space<vmem>>, vector<16xf32>,
      %get3A_1320 = vector.shape_cast %get3A_1319 : vector<16xf32> to vector<16xf32>
      %scan3A_1321 = arith.constant 0 : i32
      %scan3A_1322 = arith.constant 0 : i32
      %scan3A_1323 = arith.constant 32 : i32
      %scan3A_1324 = arith.addi %scan3A_1322, %scan3A_1323 : i32
      %scan3A_1325 = arith.constant 1 : i32
      scf.for %scan3A_1327 = %scan3A_1322 to %scan3A_1324 step %scan3A_1325  : i32 {
        %mul3A_1328 = arith.constant 16 : i32
        %mul3A_1329 = arith.muli %scan3A_1327, %mul3A_1328 : i32
        %get3A_1330 = arith.constant 3 : i32
        %get3A_1331 = arith.constant 0 : i32
        %get3A_1332 = arith.index_cast %get3A_1330 : i32 to index
        %get3A_1333 = arith.index_cast %get3A_1331 : i32 to index
        %get3A_1334 = arith.index_cast %mul3A_1329 : i32 to index
        %get3A_1335 = tpu.vector_load %arg8[%get3A_1332, %get3A_1333, %get3A_1334] {strides = array<i32>} : memref<4x40x512xf32, #tpu.memory_space<vmem>>, vector<1x1x16xf32>,
        %get3A_1336 = vector.shape_cast %get3A_1335 : vector<1x1x16xf32> to vector<16xf32>
        %mul3A_1337 = arith.mulf %get3A_1032, %get3A_1336 : vector<16xf32>
        %get3A_1338 = arith.constant 3 : i32
        %get3A_1339 = arith.constant 1 : i32
        %get3A_1340 = arith.index_cast %get3A_1338 : i32 to index
        %get3A_1341 = arith.index_cast %get3A_1339 : i32 to index
        %get3A_1342 = arith.index_cast %mul3A_1329 : i32 to index
        %get3A_1343 = tpu.vector_load %arg8[%get3A_1340, %get3A_1341, %get3A_1342] {strides = array<i32>} : memref<4x40x512xf32, #tpu.memory_space<vmem>>, vector<1x1x16xf32>,
        %get3A_1344 = vector.shape_cast %get3A_1343 : vector<1x1x16xf32> to vector<16xf32>
        %mul3A_1345 = arith.mulf %get3A_1041, %get3A_1344 : vector<16xf32>
        %get3A_1346 = arith.constant 3 : i32
        %get3A_1347 = arith.constant 2 : i32
        %get3A_1348 = arith.index_cast %get3A_1346 : i32 to index
        %get3A_1349 = arith.index_cast %get3A_1347 : i32 to index
        %get3A_1350 = arith.index_cast %mul3A_1329 : i32 to index
        %get3A_1351 = tpu.vector_load %arg8[%get3A_1348, %get3A_1349, %get3A_1350] {strides = array<i32>} : memref<4x40x512xf32, #tpu.memory_space<vmem>>, vector<1x1x16xf32>,
        %get3A_1352 = vector.shape_cast %get3A_1351 : vector<1x1x16xf32> to vector<16xf32>
        %mul3A_1353 = arith.mulf %get3A_1050, %get3A_1352 : vector<16xf32>
        %add3A_1354 = arith.addf %mul3A_1337, %mul3A_1353 : vector<16xf32>
        %get3A_1355 = arith.constant 3 : i32
        %get3A_1356 = arith.constant 4 : i32
        %get3A_1357 = arith.index_cast %get3A_1355 : i32 to index
        %get3A_1358 = arith.index_cast %get3A_1356 : i32 to index
        %get3A_1359 = arith.index_cast %mul3A_1329 : i32 to index
        %get3A_1360 = tpu.vector_load %arg8[%get3A_1357, %get3A_1358, %get3A_1359] {strides = array<i32>} : memref<4x40x512xf32, #tpu.memory_space<vmem>>, vector<1x1x16xf32>,
        %get3A_1361 = vector.shape_cast %get3A_1360 : vector<1x1x16xf32> to vector<16xf32>
        %mul3A_1362 = arith.mulf %get3A_1068, %get3A_1361 : vector<16xf32>
        %add3A_1363 = arith.addf %add3A_1354, %mul3A_1362 : vector<16xf32>
        %get3A_1364 = arith.constant 3 : i32
        %get3A_1365 = arith.constant 6 : i32
        %get3A_1366 = arith.index_cast %get3A_1364 : i32 to index
        %get3A_1367 = arith.index_cast %get3A_1365 : i32 to index
        %get3A_1368 = arith.index_cast %mul3A_1329 : i32 to index
        %get3A_1369 = tpu.vector_load %arg8[%get3A_1366, %get3A_1367, %get3A_1368] {strides = array<i32>} : memref<4x40x512xf32, #tpu.memory_space<vmem>>, vector<1x1x16xf32>,
        %get3A_1370 = vector.shape_cast %get3A_1369 : vector<1x1x16xf32> to vector<16xf32>
        %mul3A_1371 = arith.mulf %get3A_1086, %get3A_1370 : vector<16xf32>
        %add3A_1372 = arith.addf %add3A_1363, %mul3A_1371 : vector<16xf32>
        %get3A_1373 = arith.constant 3 : i32
        %get3A_1374 = arith.constant 8 : i32
        %get3A_1375 = arith.index_cast %get3A_1373 : i32 to index
        %get3A_1376 = arith.index_cast %get3A_1374 : i32 to index
        %get3A_1377 = arith.index_cast %mul3A_1329 : i32 to index
        %get3A_1378 = tpu.vector_load %arg8[%get3A_1375, %get3A_1376, %get3A_1377] {strides = array<i32>} : memref<4x40x512xf32, #tpu.memory_space<vmem>>, vector<1x1x16xf32>,
        %get3A_1379 = vector.shape_cast %get3A_1378 : vector<1x1x16xf32> to vector<16xf32>
        %mul3A_1380 = arith.mulf %get3A_1104, %get3A_1379 : vector<16xf32>
        %add3A_1381 = arith.addf %add3A_1372, %mul3A_1380 : vector<16xf32>
        %get3A_1382 = arith.constant 3 : i32
        %get3A_1383 = arith.constant 10 : i32
        %get3A_1384 = arith.index_cast %get3A_1382 : i32 to index
        %get3A_1385 = arith.index_cast %get3A_1383 : i32 to index
        %get3A_1386 = arith.index_cast %mul3A_1329 : i32 to index
        %get3A_1387 = tpu.vector_load %arg8[%get3A_1384, %get3A_1385, %get3A_1386] {strides = array<i32>} : memref<4x40x512xf32, #tpu.memory_space<vmem>>, vector<1x1x16xf32>,
        %get3A_1388 = vector.shape_cast %get3A_1387 : vector<1x1x16xf32> to vector<16xf32>
        %mul3A_1389 = arith.mulf %get3A_1122, %get3A_1388 : vector<16xf32>
        %add3A_1390 = arith.addf %add3A_1381, %mul3A_1389 : vector<16xf32>
        %get3A_1391 = arith.constant 3 : i32
        %get3A_1392 = arith.constant 12 : i32
        %get3A_1393 = arith.index_cast %get3A_1391 : i32 to index
        %get3A_1394 = arith.index_cast %get3A_1392 : i32 to index
        %get3A_1395 = arith.index_cast %mul3A_1329 : i32 to index
        %get3A_1396 = tpu.vector_load %arg8[%get3A_1393, %get3A_1394, %get3A_1395] {strides = array<i32>} : memref<4x40x512xf32, #tpu.memory_space<vmem>>, vector<1x1x16xf32>,
        %get3A_1397 = vector.shape_cast %get3A_1396 : vector<1x1x16xf32> to vector<16xf32>
        %mul3A_1398 = arith.mulf %get3A_1140, %get3A_1397 : vector<16xf32>
        %add3A_1399 = arith.addf %add3A_1390, %mul3A_1398 : vector<16xf32>
        %get3A_1400 = arith.constant 3 : i32
        %get3A_1401 = arith.constant 14 : i32
        %get3A_1402 = arith.index_cast %get3A_1400 : i32 to index
        %get3A_1403 = arith.index_cast %get3A_1401 : i32 to index
        %get3A_1404 = arith.index_cast %mul3A_1329 : i32 to index
        %get3A_1405 = tpu.vector_load %arg8[%get3A_1402, %get3A_1403, %get3A_1404] {strides = array<i32>} : memref<4x40x512xf32, #tpu.memory_space<vmem>>, vector<1x1x16xf32>,
        %get3A_1406 = vector.shape_cast %get3A_1405 : vector<1x1x16xf32> to vector<16xf32>
        %mul3A_1407 = arith.mulf %get3A_1158, %get3A_1406 : vector<16xf32>
        %add3A_1408 = arith.addf %add3A_1399, %mul3A_1407 : vector<16xf32>
        %get3A_1409 = arith.constant 3 : i32
        %get3A_1410 = arith.constant 16 : i32
        %get3A_1411 = arith.index_cast %get3A_1409 : i32 to index
        %get3A_1412 = arith.index_cast %get3A_1410 : i32 to index
        %get3A_1413 = arith.index_cast %mul3A_1329 : i32 to index
        %get3A_1414 = tpu.vector_load %arg8[%get3A_1411, %get3A_1412, %get3A_1413] {strides = array<i32>} : memref<4x40x512xf32, #tpu.memory_space<vmem>>, vector<1x1x16xf32>,
        %get3A_1415 = vector.shape_cast %get3A_1414 : vector<1x1x16xf32> to vector<16xf32>
        %mul3A_1416 = arith.mulf %get3A_1176, %get3A_1415 : vector<16xf32>
        %add3A_1417 = arith.addf %add3A_1408, %mul3A_1416 : vector<16xf32>
        %get3A_1418 = arith.constant 3 : i32
        %get3A_1419 = arith.constant 18 : i32
        %get3A_1420 = arith.index_cast %get3A_1418 : i32 to index
        %get3A_1421 = arith.index_cast %get3A_1419 : i32 to index
        %get3A_1422 = arith.index_cast %mul3A_1329 : i32 to index
        %get3A_1423 = tpu.vector_load %arg8[%get3A_1420, %get3A_1421, %get3A_1422] {strides = array<i32>} : memref<4x40x512xf32, #tpu.memory_space<vmem>>, vector<1x1x16xf32>,
        %get3A_1424 = vector.shape_cast %get3A_1423 : vector<1x1x16xf32> to vector<16xf32>
        %mul3A_1425 = arith.mulf %get3A_1194, %get3A_1424 : vector<16xf32>
        %add3A_1426 = arith.addf %add3A_1417, %mul3A_1425 : vector<16xf32>
        %get3A_1427 = arith.constant 3 : i32
        %get3A_1428 = arith.constant 20 : i32
        %get3A_1429 = arith.index_cast %get3A_1427 : i32 to index
        %get3A_1430 = arith.index_cast %get3A_1428 : i32 to index
        %get3A_1431 = arith.index_cast %mul3A_1329 : i32 to index
        %get3A_1432 = tpu.vector_load %arg8[%get3A_1429, %get3A_1430, %get3A_1431] {strides = array<i32>} : memref<4x40x512xf32, #tpu.memory_space<vmem>>, vector<1x1x16xf32>,
        %get3A_1433 = vector.shape_cast %get3A_1432 : vector<1x1x16xf32> to vector<16xf32>
        %mul3A_1434 = arith.mulf %get3A_1212, %get3A_1433 : vector<16xf32>
        %add3A_1435 = arith.addf %add3A_1426, %mul3A_1434 : vector<16xf32>
        %get3A_1436 = arith.constant 3 : i32
        %get3A_1437 = arith.constant 22 : i32
        %get3A_1438 = arith.index_cast %get3A_1436 : i32 to index
        %get3A_1439 = arith.index_cast %get3A_1437 : i32 to index
        %get3A_1440 = arith.index_cast %mul3A_1329 : i32 to index
        %get3A_1441 = tpu.vector_load %arg8[%get3A_1438, %get3A_1439, %get3A_1440] {strides = array<i32>} : memref<4x40x512xf32, #tpu.memory_space<vmem>>, vector<1x1x16xf32>,
        %get3A_1442 = vector.shape_cast %get3A_1441 : vector<1x1x16xf32> to vector<16xf32>
        %mul3A_1443 = arith.mulf %get3A_1230, %get3A_1442 : vector<16xf32>
        %add3A_1444 = arith.addf %add3A_1435, %mul3A_1443 : vector<16xf32>
        %get3A_1445 = arith.constant 3 : i32
        %get3A_1446 = arith.constant 24 : i32
        %get3A_1447 = arith.index_cast %get3A_1445 : i32 to index
        %get3A_1448 = arith.index_cast %get3A_1446 : i32 to index
        %get3A_1449 = arith.index_cast %mul3A_1329 : i32 to index
        %get3A_1450 = tpu.vector_load %arg8[%get3A_1447, %get3A_1448, %get3A_1449] {strides = array<i32>} : memref<4x40x512xf32, #tpu.memory_space<vmem>>, vector<1x1x16xf32>,
        %get3A_1451 = vector.shape_cast %get3A_1450 : vector<1x1x16xf32> to vector<16xf32>
        %mul3A_1452 = arith.mulf %get3A_1248, %get3A_1451 : vector<16xf32>
        %add3A_1453 = arith.addf %add3A_1444, %mul3A_1452 : vector<16xf32>
        %get3A_1454 = arith.constant 3 : i32
        %get3A_1455 = arith.constant 26 : i32
        %get3A_1456 = arith.index_cast %get3A_1454 : i32 to index
        %get3A_1457 = arith.index_cast %get3A_1455 : i32 to index
        %get3A_1458 = arith.index_cast %mul3A_1329 : i32 to index
        %get3A_1459 = tpu.vector_load %arg8[%get3A_1456, %get3A_1457, %get3A_1458] {strides = array<i32>} : memref<4x40x512xf32, #tpu.memory_space<vmem>>, vector<1x1x16xf32>,
        %get3A_1460 = vector.shape_cast %get3A_1459 : vector<1x1x16xf32> to vector<16xf32>
        %mul3A_1461 = arith.mulf %get3A_1266, %get3A_1460 : vector<16xf32>
        %add3A_1462 = arith.addf %add3A_1453, %mul3A_1461 : vector<16xf32>
        %get3A_1463 = arith.constant 3 : i32
        %get3A_1464 = arith.constant 28 : i32
        %get3A_1465 = arith.index_cast %get3A_1463 : i32 to index
        %get3A_1466 = arith.index_cast %get3A_1464 : i32 to index
        %get3A_1467 = arith.index_cast %mul3A_1329 : i32 to index
        %get3A_1468 = tpu.vector_load %arg8[%get3A_1465, %get3A_1466, %get3A_1467] {strides = array<i32>} : memref<4x40x512xf32, #tpu.memory_space<vmem>>, vector<1x1x16xf32>,
        %get3A_1469 = vector.shape_cast %get3A_1468 : vector<1x1x16xf32> to vector<16xf32>
        %mul3A_1470 = arith.mulf %get3A_1284, %get3A_1469 : vector<16xf32>
        %add3A_1471 = arith.addf %add3A_1462, %mul3A_1470 : vector<16xf32>
        %get3A_1472 = arith.constant 3 : i32
        %get3A_1473 = arith.constant 30 : i32
        %get3A_1474 = arith.index_cast %get3A_1472 : i32 to index
        %get3A_1475 = arith.index_cast %get3A_1473 : i32 to index
        %get3A_1476 = arith.index_cast %mul3A_1329 : i32 to index
        %get3A_1477 = tpu.vector_load %arg8[%get3A_1474, %get3A_1475, %get3A_1476] {strides = array<i32>} : memref<4x40x512xf32, #tpu.memory_space<vmem>>, vector<1x1x16xf32>,
        %get3A_1478 = vector.shape_cast %get3A_1477 : vector<1x1x16xf32> to vector<16xf32>
        %mul3A_1479 = arith.mulf %get3A_1302, %get3A_1478 : vector<16xf32>
        %add3A_1480 = arith.addf %add3A_1471, %mul3A_1479 : vector<16xf32>
        %get3A_1481 = arith.constant 3 : i32
        %get3A_1482 = arith.constant 32 : i32
        %get3A_1483 = arith.index_cast %get3A_1481 : i32 to index
        %get3A_1484 = arith.index_cast %get3A_1482 : i32 to index
        %get3A_1485 = arith.index_cast %mul3A_1329 : i32 to index
        %get3A_1486 = tpu.vector_load %arg8[%get3A_1483, %get3A_1484, %get3A_1485] {strides = array<i32>} : memref<4x40x512xf32, #tpu.memory_space<vmem>>, vector<1x1x16xf32>,
        %get3A_1487 = vector.shape_cast %get3A_1486 : vector<1x1x16xf32> to vector<16xf32>
        %mul3A_1488 = arith.mulf %get3A_1320, %get3A_1487 : vector<16xf32>
        %add3A_1489 = arith.addf %add3A_1480, %mul3A_1488 : vector<16xf32>
        %get3A_1490 = arith.constant 3 : i32
        %get3A_1491 = arith.constant 3 : i32
        %get3A_1492 = arith.index_cast %get3A_1490 : i32 to index
        %get3A_1493 = arith.index_cast %get3A_1491 : i32 to index
        %get3A_1494 = arith.index_cast %mul3A_1329 : i32 to index
        %get3A_1495 = tpu.vector_load %arg8[%get3A_1492, %get3A_1493, %get3A_1494] {strides = array<i32>} : memref<4x40x512xf32, #tpu.memory_space<vmem>>, vector<1x1x16xf32>,
        %get3A_1496 = vector.shape_cast %get3A_1495 : vector<1x1x16xf32> to vector<16xf32>
        %mul3A_1497 = arith.mulf %get3A_1059, %get3A_1496 : vector<16xf32>
        %add3A_1498 = arith.addf %mul3A_1345, %mul3A_1497 : vector<16xf32>
        %get3A_1499 = arith.constant 3 : i32
        %get3A_1500 = arith.constant 5 : i32
        %get3A_1501 = arith.index_cast %get3A_1499 : i32 to index
        %get3A_1502 = arith.index_cast %get3A_1500 : i32 to index
        %get3A_1503 = arith.index_cast %mul3A_1329 : i32 to index
        %get3A_1504 = tpu.vector_load %arg8[%get3A_1501, %get3A_1502, %get3A_1503] {strides = array<i32>} : memref<4x40x512xf32, #tpu.memory_space<vmem>>, vector<1x1x16xf32>,
        %get3A_1505 = vector.shape_cast %get3A_1504 : vector<1x1x16xf32> to vector<16xf32>
        %mul3A_1506 = arith.mulf %get3A_1077, %get3A_1505 : vector<16xf32>
        %add3A_1507 = arith.addf %add3A_1498, %mul3A_1506 : vector<16xf32>
        %get3A_1508 = arith.constant 3 : i32
        %get3A_1509 = arith.constant 7 : i32
        %get3A_1510 = arith.index_cast %get3A_1508 : i32 to index
        %get3A_1511 = arith.index_cast %get3A_1509 : i32 to index
        %get3A_1512 = arith.index_cast %mul3A_1329 : i32 to index
        %get3A_1513 = tpu.vector_load %arg8[%get3A_1510, %get3A_1511, %get3A_1512] {strides = array<i32>} : memref<4x40x512xf32, #tpu.memory_space<vmem>>, vector<1x1x16xf32>,
        %get3A_1514 = vector.shape_cast %get3A_1513 : vector<1x1x16xf32> to vector<16xf32>
        %mul3A_1515 = arith.mulf %get3A_1095, %get3A_1514 : vector<16xf32>
        %add3A_1516 = arith.addf %add3A_1507, %mul3A_1515 : vector<16xf32>
        %get3A_1517 = arith.constant 3 : i32
        %get3A_1518 = arith.constant 9 : i32
        %get3A_1519 = arith.index_cast %get3A_1517 : i32 to index
        %get3A_1520 = arith.index_cast %get3A_1518 : i32 to index
        %get3A_1521 = arith.index_cast %mul3A_1329 : i32 to index
        %get3A_1522 = tpu.vector_load %arg8[%get3A_1519, %get3A_1520, %get3A_1521] {strides = array<i32>} : memref<4x40x512xf32, #tpu.memory_space<vmem>>, vector<1x1x16xf32>,
        %get3A_1523 = vector.shape_cast %get3A_1522 : vector<1x1x16xf32> to vector<16xf32>
        %mul3A_1524 = arith.mulf %get3A_1113, %get3A_1523 : vector<16xf32>
        %add3A_1525 = arith.addf %add3A_1516, %mul3A_1524 : vector<16xf32>
        %get3A_1526 = arith.constant 3 : i32
        %get3A_1527 = arith.constant 11 : i32
        %get3A_1528 = arith.index_cast %get3A_1526 : i32 to index
        %get3A_1529 = arith.index_cast %get3A_1527 : i32 to index
        %get3A_1530 = arith.index_cast %mul3A_1329 : i32 to index
        %get3A_1531 = tpu.vector_load %arg8[%get3A_1528, %get3A_1529, %get3A_1530] {strides = array<i32>} : memref<4x40x512xf32, #tpu.memory_space<vmem>>, vector<1x1x16xf32>,
        %get3A_1532 = vector.shape_cast %get3A_1531 : vector<1x1x16xf32> to vector<16xf32>
        %mul3A_1533 = arith.mulf %get3A_1131, %get3A_1532 : vector<16xf32>
        %add3A_1534 = arith.addf %add3A_1525, %mul3A_1533 : vector<16xf32>
        %get3A_1535 = arith.constant 3 : i32
        %get3A_1536 = arith.constant 13 : i32
        %get3A_1537 = arith.index_cast %get3A_1535 : i32 to index
        %get3A_1538 = arith.index_cast %get3A_1536 : i32 to index
        %get3A_1539 = arith.index_cast %mul3A_1329 : i32 to index
        %get3A_1540 = tpu.vector_load %arg8[%get3A_1537, %get3A_1538, %get3A_1539] {strides = array<i32>} : memref<4x40x512xf32, #tpu.memory_space<vmem>>, vector<1x1x16xf32>,
        %get3A_1541 = vector.shape_cast %get3A_1540 : vector<1x1x16xf32> to vector<16xf32>
        %mul3A_1542 = arith.mulf %get3A_1149, %get3A_1541 : vector<16xf32>
        %add3A_1543 = arith.addf %add3A_1534, %mul3A_1542 : vector<16xf32>
        %get3A_1544 = arith.constant 3 : i32
        %get3A_1545 = arith.constant 15 : i32
        %get3A_1546 = arith.index_cast %get3A_1544 : i32 to index
        %get3A_1547 = arith.index_cast %get3A_1545 : i32 to index
        %get3A_1548 = arith.index_cast %mul3A_1329 : i32 to index
        %get3A_1549 = tpu.vector_load %arg8[%get3A_1546, %get3A_1547, %get3A_1548] {strides = array<i32>} : memref<4x40x512xf32, #tpu.memory_space<vmem>>, vector<1x1x16xf32>,
        %get3A_1550 = vector.shape_cast %get3A_1549 : vector<1x1x16xf32> to vector<16xf32>
        %mul3A_1551 = arith.mulf %get3A_1167, %get3A_1550 : vector<16xf32>
        %add3A_1552 = arith.addf %add3A_1543, %mul3A_1551 : vector<16xf32>
        %get3A_1553 = arith.constant 3 : i32
        %get3A_1554 = arith.constant 17 : i32
        %get3A_1555 = arith.index_cast %get3A_1553 : i32 to index
        %get3A_1556 = arith.index_cast %get3A_1554 : i32 to index
        %get3A_1557 = arith.index_cast %mul3A_1329 : i32 to index
        %get3A_1558 = tpu.vector_load %arg8[%get3A_1555, %get3A_1556, %get3A_1557] {strides = array<i32>} : memref<4x40x512xf32, #tpu.memory_space<vmem>>, vector<1x1x16xf32>,
        %get3A_1559 = vector.shape_cast %get3A_1558 : vector<1x1x16xf32> to vector<16xf32>
        %mul3A_1560 = arith.mulf %get3A_1185, %get3A_1559 : vector<16xf32>
        %add3A_1561 = arith.addf %add3A_1552, %mul3A_1560 : vector<16xf32>
        %get3A_1562 = arith.constant 3 : i32
        %get3A_1563 = arith.constant 19 : i32
        %get3A_1564 = arith.index_cast %get3A_1562 : i32 to index
        %get3A_1565 = arith.index_cast %get3A_1563 : i32 to index
        %get3A_1566 = arith.index_cast %mul3A_1329 : i32 to index
        %get3A_1567 = tpu.vector_load %arg8[%get3A_1564, %get3A_1565, %get3A_1566] {strides = array<i32>} : memref<4x40x512xf32, #tpu.memory_space<vmem>>, vector<1x1x16xf32>,
        %get3A_1568 = vector.shape_cast %get3A_1567 : vector<1x1x16xf32> to vector<16xf32>
        %mul3A_1569 = arith.mulf %get3A_1203, %get3A_1568 : vector<16xf32>
        %add3A_1570 = arith.addf %add3A_1561, %mul3A_1569 : vector<16xf32>
        %get3A_1571 = arith.constant 3 : i32
        %get3A_1572 = arith.constant 21 : i32
        %get3A_1573 = arith.index_cast %get3A_1571 : i32 to index
        %get3A_1574 = arith.index_cast %get3A_1572 : i32 to index
        %get3A_1575 = arith.index_cast %mul3A_1329 : i32 to index
        %get3A_1576 = tpu.vector_load %arg8[%get3A_1573, %get3A_1574, %get3A_1575] {strides = array<i32>} : memref<4x40x512xf32, #tpu.memory_space<vmem>>, vector<1x1x16xf32>,
        %get3A_1577 = vector.shape_cast %get3A_1576 : vector<1x1x16xf32> to vector<16xf32>
        %mul3A_1578 = arith.mulf %get3A_1221, %get3A_1577 : vector<16xf32>
        %add3A_1579 = arith.addf %add3A_1570, %mul3A_1578 : vector<16xf32>
        %get3A_1580 = arith.constant 3 : i32
        %get3A_1581 = arith.constant 23 : i32
        %get3A_1582 = arith.index_cast %get3A_1580 : i32 to index
        %get3A_1583 = arith.index_cast %get3A_1581 : i32 to index
        %get3A_1584 = arith.index_cast %mul3A_1329 : i32 to index
        %get3A_1585 = tpu.vector_load %arg8[%get3A_1582, %get3A_1583, %get3A_1584] {strides = array<i32>} : memref<4x40x512xf32, #tpu.memory_space<vmem>>, vector<1x1x16xf32>,
        %get3A_1586 = vector.shape_cast %get3A_1585 : vector<1x1x16xf32> to vector<16xf32>
        %mul3A_1587 = arith.mulf %get3A_1239, %get3A_1586 : vector<16xf32>
        %add3A_1588 = arith.addf %add3A_1579, %mul3A_1587 : vector<16xf32>
        %get3A_1589 = arith.constant 3 : i32
        %get3A_1590 = arith.constant 25 : i32
        %get3A_1591 = arith.index_cast %get3A_1589 : i32 to index
        %get3A_1592 = arith.index_cast %get3A_1590 : i32 to index
        %get3A_1593 = arith.index_cast %mul3A_1329 : i32 to index
        %get3A_1594 = tpu.vector_load %arg8[%get3A_1591, %get3A_1592, %get3A_1593] {strides = array<i32>} : memref<4x40x512xf32, #tpu.memory_space<vmem>>, vector<1x1x16xf32>,
        %get3A_1595 = vector.shape_cast %get3A_1594 : vector<1x1x16xf32> to vector<16xf32>
        %mul3A_1596 = arith.mulf %get3A_1257, %get3A_1595 : vector<16xf32>
        %add3A_1597 = arith.addf %add3A_1588, %mul3A_1596 : vector<16xf32>
        %get3A_1598 = arith.constant 3 : i32
        %get3A_1599 = arith.constant 27 : i32
        %get3A_1600 = arith.index_cast %get3A_1598 : i32 to index
        %get3A_1601 = arith.index_cast %get3A_1599 : i32 to index
        %get3A_1602 = arith.index_cast %mul3A_1329 : i32 to index
        %get3A_1603 = tpu.vector_load %arg8[%get3A_1600, %get3A_1601, %get3A_1602] {strides = array<i32>} : memref<4x40x512xf32, #tpu.memory_space<vmem>>, vector<1x1x16xf32>,
        %get3A_1604 = vector.shape_cast %get3A_1603 : vector<1x1x16xf32> to vector<16xf32>
        %mul3A_1605 = arith.mulf %get3A_1275, %get3A_1604 : vector<16xf32>
        %add3A_1606 = arith.addf %add3A_1597, %mul3A_1605 : vector<16xf32>
        %get3A_1607 = arith.constant 3 : i32
        %get3A_1608 = arith.constant 29 : i32
        %get3A_1609 = arith.index_cast %get3A_1607 : i32 to index
        %get3A_1610 = arith.index_cast %get3A_1608 : i32 to index
        %get3A_1611 = arith.index_cast %mul3A_1329 : i32 to index
        %get3A_1612 = tpu.vector_load %arg8[%get3A_1609, %get3A_1610, %get3A_1611] {strides = array<i32>} : memref<4x40x512xf32, #tpu.memory_space<vmem>>, vector<1x1x16xf32>,
        %get3A_1613 = vector.shape_cast %get3A_1612 : vector<1x1x16xf32> to vector<16xf32>
        %mul3A_1614 = arith.mulf %get3A_1293, %get3A_1613 : vector<16xf32>
        %add3A_1615 = arith.addf %add3A_1606, %mul3A_1614 : vector<16xf32>
        %get3A_1616 = arith.constant 3 : i32
        %get3A_1617 = arith.constant 31 : i32
        %get3A_1618 = arith.index_cast %get3A_1616 : i32 to index
        %get3A_1619 = arith.index_cast %get3A_1617 : i32 to index
        %get3A_1620 = arith.index_cast %mul3A_1329 : i32 to index
        %get3A_1621 = tpu.vector_load %arg8[%get3A_1618, %get3A_1619, %get3A_1620] {strides = array<i32>} : memref<4x40x512xf32, #tpu.memory_space<vmem>>, vector<1x1x16xf32>,
        %get3A_1622 = vector.shape_cast %get3A_1621 : vector<1x1x16xf32> to vector<16xf32>
        %mul3A_1623 = arith.mulf %get3A_1311, %get3A_1622 : vector<16xf32>
        %add3A_1624 = arith.addf %add3A_1615, %mul3A_1623 : vector<16xf32>
        %add3A_1625 = arith.addf %add3A_1489, %add3A_1624 : vector<16xf32>
        %swap3A = arith.index_cast %add3A_1008 : i32 to index
        %swap3A_1626 = arith.index_cast %mul3A_1329 : i32 to index
        %swap3A_1627 = tpu.vector_load %arg9[%swap3A, %swap3A_1626] {strides = array<i32>} : memref<32x512xf32, #tpu.memory_space<vmem>>, vector<1x16xf32>,
        %swap3A_1628 = vector.shape_cast %swap3A_1627 : vector<1x16xf32> to vector<16xf32>
        %swap3A_1629 = vector.shape_cast %add3A_1625 : vector<16xf32> to vector<1x16xf32>
        tpu.vector_store %arg9[%swap3A, %swap3A_1626], %swap3A_1629 {strides = array<i32>} : memref<32x512xf32, #tpu.memory_space<vmem>>, vector<1x16xf32>,
      }
      %scan3A_1326 = arith.constant 32 : i32
    }
    %scan3A_42 = arith.constant 8 : i32
    "tpu.region"() ({
      %run_scoped3A = tpu.sem_alloc : memref<!tpu.dma_semaphore, #tpu.memory_space<semaphore_mem>>
      %dma_start3A_43 = arith.constant 0 : i32
      %dma_start3A_44 = tpu.memref_slice %arg5[%mul3A_2, %dma_start3A_43] : memref<1024x512xf32, #tpu.memory_space<hbm>> -> memref<32x512xf32, #tpu.memory_space<hbm>>
      %dma_start3A_45 = arith.constant 0 : i32
      %dma_start3A_46 = tpu.memref_slice %arg5[%mul3A_2, %dma_start3A_45] : memref<1024x512xf32, #tpu.memory_space<hbm>> -> memref<32x512xf32, #tpu.memory_space<hbm>>
      tpu.enqueue_dma source(%arg9 : memref<32x512xf32, #tpu.memory_space<vmem>>) target(%dma_start3A_46 : memref<32x512xf32, #tpu.memory_space<hbm>>) target_semaphore(%run_scoped3A : memref<!tpu.dma_semaphore, #tpu.memory_space<semaphore_mem>>)
      %dma_wait3A = arith.constant 0 : i32
      %dma_wait3A_47 = tpu.memref_slice %arg5[%mul3A_2, %dma_wait3A] : memref<1024x512xf32, #tpu.memory_space<hbm>> -> memref<32x512xf32, #tpu.memory_space<hbm>>
      %dma_wait3A_48 = arith.constant 0 : i32
      %dma_wait3A_49 = tpu.memref_slice %arg5[%mul3A_2, %dma_wait3A_48] : memref<1024x512xf32, #tpu.memory_space<hbm>> -> memref<32x512xf32, #tpu.memory_space<hbm>>
      tpu.wait_dma2 semaphore(%run_scoped3A : memref<!tpu.dma_semaphore, #tpu.memory_space<semaphore_mem>>) src(%arg9 : memref<32x512xf32, #tpu.memory_space<vmem>>) dst(%dma_wait3A_49 : memref<32x512xf32, #tpu.memory_space<hbm>>)
      tpu.yield
    }) : () -> ()
    return
  }
}

module attributes {stable_mosaic.version = 14 : i64} {
  func.func @_weights_body(%arg0: memref<1024x32xi32, #tpu.memory_space<vmem>>, %arg1: memref<1024x1xi32, #tpu.memory_space<vmem>>, %arg2: memref<1024x33xf32, #tpu.memory_space<vmem>>) attributes {dimension_semantics = [], scalar_prefetch = 0 : i64, scratch_operands = 0 : i64, tpu.core_type = #tpu.core_type<tc>} {
    %get3A = arith.constant 0 : index
    %get3A_0 = arith.constant 0 : index
    %get3A_1 = vector.load %arg0[%get3A, %get3A_0] : memref<1024x32xi32, #tpu.memory_space<vmem>>, vector<1024x32xi32>
    %get3A_2 = arith.constant 0 : index
    %get3A_3 = arith.constant 0 : index
    %get3A_4 = vector.load %arg1[%get3A_2, %get3A_3] : memref<1024x1xi32, #tpu.memory_space<vmem>>, vector<1024x1xi32>
    %eq3A = vector.broadcast %get3A_4 : vector<1024x1xi32> to vector<1024x32xi32>
    %eq3A_5 = arith.cmpi eq, %get3A_1, %eq3A : vector<1024x32xi32>
    %convert_element_type3A = arith.extui %eq3A_5 : vector<1024x32xi1> to vector<1024x32xi32>
    %convert_element_type3A_6 = arith.sitofp %convert_element_type3A : vector<1024x32xi32> to vector<1024x32xf32>
    %slice3A = vector.extract_strided_slice %get3A_1 {offsets = [0, 0], sizes = [1024, 1], strides = [1, 1]} : vector<1024x32xi32> to vector<1024x1xi32>
    %eq3A_7 = vector.broadcast %slice3A : vector<1024x1xi32> to vector<1024x32xi32>
    %eq3A_8 = arith.cmpi eq, %get3A_1, %eq3A_7 : vector<1024x32xi32>
    %convert_element_type3A_9 = arith.extui %eq3A_8 : vector<1024x32xi1> to vector<1024x32xi32>
    %convert_element_type3A_10 = arith.sitofp %convert_element_type3A_9 : vector<1024x32xi32> to vector<1024x32xf32>
    %add3A = arith.addf %convert_element_type3A_6, %convert_element_type3A_10 : vector<1024x32xf32>
    %slice3A_11 = vector.extract_strided_slice %get3A_1 {offsets = [0, 1], sizes = [1024, 1], strides = [1, 1]} : vector<1024x32xi32> to vector<1024x1xi32>
    %eq3A_12 = vector.broadcast %slice3A_11 : vector<1024x1xi32> to vector<1024x32xi32>
    %eq3A_13 = arith.cmpi eq, %get3A_1, %eq3A_12 : vector<1024x32xi32>
    %convert_element_type3A_14 = arith.extui %eq3A_13 : vector<1024x32xi1> to vector<1024x32xi32>
    %convert_element_type3A_15 = arith.sitofp %convert_element_type3A_14 : vector<1024x32xi32> to vector<1024x32xf32>
    %add3A_16 = arith.addf %add3A, %convert_element_type3A_15 : vector<1024x32xf32>
    %slice3A_17 = vector.extract_strided_slice %get3A_1 {offsets = [0, 2], sizes = [1024, 1], strides = [1, 1]} : vector<1024x32xi32> to vector<1024x1xi32>
    %eq3A_18 = vector.broadcast %slice3A_17 : vector<1024x1xi32> to vector<1024x32xi32>
    %eq3A_19 = arith.cmpi eq, %get3A_1, %eq3A_18 : vector<1024x32xi32>
    %convert_element_type3A_20 = arith.extui %eq3A_19 : vector<1024x32xi1> to vector<1024x32xi32>
    %convert_element_type3A_21 = arith.sitofp %convert_element_type3A_20 : vector<1024x32xi32> to vector<1024x32xf32>
    %add3A_22 = arith.addf %add3A_16, %convert_element_type3A_21 : vector<1024x32xf32>
    %slice3A_23 = vector.extract_strided_slice %get3A_1 {offsets = [0, 3], sizes = [1024, 1], strides = [1, 1]} : vector<1024x32xi32> to vector<1024x1xi32>
    %eq3A_24 = vector.broadcast %slice3A_23 : vector<1024x1xi32> to vector<1024x32xi32>
    %eq3A_25 = arith.cmpi eq, %get3A_1, %eq3A_24 : vector<1024x32xi32>
    %convert_element_type3A_26 = arith.extui %eq3A_25 : vector<1024x32xi1> to vector<1024x32xi32>
    %convert_element_type3A_27 = arith.sitofp %convert_element_type3A_26 : vector<1024x32xi32> to vector<1024x32xf32>
    %add3A_28 = arith.addf %add3A_22, %convert_element_type3A_27 : vector<1024x32xf32>
    %slice3A_29 = vector.extract_strided_slice %get3A_1 {offsets = [0, 4], sizes = [1024, 1], strides = [1, 1]} : vector<1024x32xi32> to vector<1024x1xi32>
    %eq3A_30 = vector.broadcast %slice3A_29 : vector<1024x1xi32> to vector<1024x32xi32>
    %eq3A_31 = arith.cmpi eq, %get3A_1, %eq3A_30 : vector<1024x32xi32>
    %convert_element_type3A_32 = arith.extui %eq3A_31 : vector<1024x32xi1> to vector<1024x32xi32>
    %convert_element_type3A_33 = arith.sitofp %convert_element_type3A_32 : vector<1024x32xi32> to vector<1024x32xf32>
    %add3A_34 = arith.addf %add3A_28, %convert_element_type3A_33 : vector<1024x32xf32>
    %slice3A_35 = vector.extract_strided_slice %get3A_1 {offsets = [0, 5], sizes = [1024, 1], strides = [1, 1]} : vector<1024x32xi32> to vector<1024x1xi32>
    %eq3A_36 = vector.broadcast %slice3A_35 : vector<1024x1xi32> to vector<1024x32xi32>
    %eq3A_37 = arith.cmpi eq, %get3A_1, %eq3A_36 : vector<1024x32xi32>
    %convert_element_type3A_38 = arith.extui %eq3A_37 : vector<1024x32xi1> to vector<1024x32xi32>
    %convert_element_type3A_39 = arith.sitofp %convert_element_type3A_38 : vector<1024x32xi32> to vector<1024x32xf32>
    %add3A_40 = arith.addf %add3A_34, %convert_element_type3A_39 : vector<1024x32xf32>
    %slice3A_41 = vector.extract_strided_slice %get3A_1 {offsets = [0, 6], sizes = [1024, 1], strides = [1, 1]} : vector<1024x32xi32> to vector<1024x1xi32>
    %eq3A_42 = vector.broadcast %slice3A_41 : vector<1024x1xi32> to vector<1024x32xi32>
    %eq3A_43 = arith.cmpi eq, %get3A_1, %eq3A_42 : vector<1024x32xi32>
    %convert_element_type3A_44 = arith.extui %eq3A_43 : vector<1024x32xi1> to vector<1024x32xi32>
    %convert_element_type3A_45 = arith.sitofp %convert_element_type3A_44 : vector<1024x32xi32> to vector<1024x32xf32>
    %add3A_46 = arith.addf %add3A_40, %convert_element_type3A_45 : vector<1024x32xf32>
    %slice3A_47 = vector.extract_strided_slice %get3A_1 {offsets = [0, 7], sizes = [1024, 1], strides = [1, 1]} : vector<1024x32xi32> to vector<1024x1xi32>
    %eq3A_48 = vector.broadcast %slice3A_47 : vector<1024x1xi32> to vector<1024x32xi32>
    %eq3A_49 = arith.cmpi eq, %get3A_1, %eq3A_48 : vector<1024x32xi32>
    %convert_element_type3A_50 = arith.extui %eq3A_49 : vector<1024x32xi1> to vector<1024x32xi32>
    %convert_element_type3A_51 = arith.sitofp %convert_element_type3A_50 : vector<1024x32xi32> to vector<1024x32xf32>
    %add3A_52 = arith.addf %add3A_46, %convert_element_type3A_51 : vector<1024x32xf32>
    %slice3A_53 = vector.extract_strided_slice %get3A_1 {offsets = [0, 8], sizes = [1024, 1], strides = [1, 1]} : vector<1024x32xi32> to vector<1024x1xi32>
    %eq3A_54 = vector.broadcast %slice3A_53 : vector<1024x1xi32> to vector<1024x32xi32>
    %eq3A_55 = arith.cmpi eq, %get3A_1, %eq3A_54 : vector<1024x32xi32>
    %convert_element_type3A_56 = arith.extui %eq3A_55 : vector<1024x32xi1> to vector<1024x32xi32>
    %convert_element_type3A_57 = arith.sitofp %convert_element_type3A_56 : vector<1024x32xi32> to vector<1024x32xf32>
    %add3A_58 = arith.addf %add3A_52, %convert_element_type3A_57 : vector<1024x32xf32>
    %slice3A_59 = vector.extract_strided_slice %get3A_1 {offsets = [0, 9], sizes = [1024, 1], strides = [1, 1]} : vector<1024x32xi32> to vector<1024x1xi32>
    %eq3A_60 = vector.broadcast %slice3A_59 : vector<1024x1xi32> to vector<1024x32xi32>
    %eq3A_61 = arith.cmpi eq, %get3A_1, %eq3A_60 : vector<1024x32xi32>
    %convert_element_type3A_62 = arith.extui %eq3A_61 : vector<1024x32xi1> to vector<1024x32xi32>
    %convert_element_type3A_63 = arith.sitofp %convert_element_type3A_62 : vector<1024x32xi32> to vector<1024x32xf32>
    %add3A_64 = arith.addf %add3A_58, %convert_element_type3A_63 : vector<1024x32xf32>
    %slice3A_65 = vector.extract_strided_slice %get3A_1 {offsets = [0, 10], sizes = [1024, 1], strides = [1, 1]} : vector<1024x32xi32> to vector<1024x1xi32>
    %eq3A_66 = vector.broadcast %slice3A_65 : vector<1024x1xi32> to vector<1024x32xi32>
    %eq3A_67 = arith.cmpi eq, %get3A_1, %eq3A_66 : vector<1024x32xi32>
    %convert_element_type3A_68 = arith.extui %eq3A_67 : vector<1024x32xi1> to vector<1024x32xi32>
    %convert_element_type3A_69 = arith.sitofp %convert_element_type3A_68 : vector<1024x32xi32> to vector<1024x32xf32>
    %add3A_70 = arith.addf %add3A_64, %convert_element_type3A_69 : vector<1024x32xf32>
    %slice3A_71 = vector.extract_strided_slice %get3A_1 {offsets = [0, 11], sizes = [1024, 1], strides = [1, 1]} : vector<1024x32xi32> to vector<1024x1xi32>
    %eq3A_72 = vector.broadcast %slice3A_71 : vector<1024x1xi32> to vector<1024x32xi32>
    %eq3A_73 = arith.cmpi eq, %get3A_1, %eq3A_72 : vector<1024x32xi32>
    %convert_element_type3A_74 = arith.extui %eq3A_73 : vector<1024x32xi1> to vector<1024x32xi32>
    %convert_element_type3A_75 = arith.sitofp %convert_element_type3A_74 : vector<1024x32xi32> to vector<1024x32xf32>
    %add3A_76 = arith.addf %add3A_70, %convert_element_type3A_75 : vector<1024x32xf32>
    %slice3A_77 = vector.extract_strided_slice %get3A_1 {offsets = [0, 12], sizes = [1024, 1], strides = [1, 1]} : vector<1024x32xi32> to vector<1024x1xi32>
    %eq3A_78 = vector.broadcast %slice3A_77 : vector<1024x1xi32> to vector<1024x32xi32>
    %eq3A_79 = arith.cmpi eq, %get3A_1, %eq3A_78 : vector<1024x32xi32>
    %convert_element_type3A_80 = arith.extui %eq3A_79 : vector<1024x32xi1> to vector<1024x32xi32>
    %convert_element_type3A_81 = arith.sitofp %convert_element_type3A_80 : vector<1024x32xi32> to vector<1024x32xf32>
    %add3A_82 = arith.addf %add3A_76, %convert_element_type3A_81 : vector<1024x32xf32>
    %slice3A_83 = vector.extract_strided_slice %get3A_1 {offsets = [0, 13], sizes = [1024, 1], strides = [1, 1]} : vector<1024x32xi32> to vector<1024x1xi32>
    %eq3A_84 = vector.broadcast %slice3A_83 : vector<1024x1xi32> to vector<1024x32xi32>
    %eq3A_85 = arith.cmpi eq, %get3A_1, %eq3A_84 : vector<1024x32xi32>
    %convert_element_type3A_86 = arith.extui %eq3A_85 : vector<1024x32xi1> to vector<1024x32xi32>
    %convert_element_type3A_87 = arith.sitofp %convert_element_type3A_86 : vector<1024x32xi32> to vector<1024x32xf32>
    %add3A_88 = arith.addf %add3A_82, %convert_element_type3A_87 : vector<1024x32xf32>
    %slice3A_89 = vector.extract_strided_slice %get3A_1 {offsets = [0, 14], sizes = [1024, 1], strides = [1, 1]} : vector<1024x32xi32> to vector<1024x1xi32>
    %eq3A_90 = vector.broadcast %slice3A_89 : vector<1024x1xi32> to vector<1024x32xi32>
    %eq3A_91 = arith.cmpi eq, %get3A_1, %eq3A_90 : vector<1024x32xi32>
    %convert_element_type3A_92 = arith.extui %eq3A_91 : vector<1024x32xi1> to vector<1024x32xi32>
    %convert_element_type3A_93 = arith.sitofp %convert_element_type3A_92 : vector<1024x32xi32> to vector<1024x32xf32>
    %add3A_94 = arith.addf %add3A_88, %convert_element_type3A_93 : vector<1024x32xf32>
    %slice3A_95 = vector.extract_strided_slice %get3A_1 {offsets = [0, 15], sizes = [1024, 1], strides = [1, 1]} : vector<1024x32xi32> to vector<1024x1xi32>
    %eq3A_96 = vector.broadcast %slice3A_95 : vector<1024x1xi32> to vector<1024x32xi32>
    %eq3A_97 = arith.cmpi eq, %get3A_1, %eq3A_96 : vector<1024x32xi32>
    %convert_element_type3A_98 = arith.extui %eq3A_97 : vector<1024x32xi1> to vector<1024x32xi32>
    %convert_element_type3A_99 = arith.sitofp %convert_element_type3A_98 : vector<1024x32xi32> to vector<1024x32xf32>
    %add3A_100 = arith.addf %add3A_94, %convert_element_type3A_99 : vector<1024x32xf32>
    %slice3A_101 = vector.extract_strided_slice %get3A_1 {offsets = [0, 16], sizes = [1024, 1], strides = [1, 1]} : vector<1024x32xi32> to vector<1024x1xi32>
    %eq3A_102 = vector.broadcast %slice3A_101 : vector<1024x1xi32> to vector<1024x32xi32>
    %eq3A_103 = arith.cmpi eq, %get3A_1, %eq3A_102 : vector<1024x32xi32>
    %convert_element_type3A_104 = arith.extui %eq3A_103 : vector<1024x32xi1> to vector<1024x32xi32>
    %convert_element_type3A_105 = arith.sitofp %convert_element_type3A_104 : vector<1024x32xi32> to vector<1024x32xf32>
    %add3A_106 = arith.addf %add3A_100, %convert_element_type3A_105 : vector<1024x32xf32>
    %slice3A_107 = vector.extract_strided_slice %get3A_1 {offsets = [0, 17], sizes = [1024, 1], strides = [1, 1]} : vector<1024x32xi32> to vector<1024x1xi32>
    %eq3A_108 = vector.broadcast %slice3A_107 : vector<1024x1xi32> to vector<1024x32xi32>
    %eq3A_109 = arith.cmpi eq, %get3A_1, %eq3A_108 : vector<1024x32xi32>
    %convert_element_type3A_110 = arith.extui %eq3A_109 : vector<1024x32xi1> to vector<1024x32xi32>
    %convert_element_type3A_111 = arith.sitofp %convert_element_type3A_110 : vector<1024x32xi32> to vector<1024x32xf32>
    %add3A_112 = arith.addf %add3A_106, %convert_element_type3A_111 : vector<1024x32xf32>
    %slice3A_113 = vector.extract_strided_slice %get3A_1 {offsets = [0, 18], sizes = [1024, 1], strides = [1, 1]} : vector<1024x32xi32> to vector<1024x1xi32>
    %eq3A_114 = vector.broadcast %slice3A_113 : vector<1024x1xi32> to vector<1024x32xi32>
    %eq3A_115 = arith.cmpi eq, %get3A_1, %eq3A_114 : vector<1024x32xi32>
    %convert_element_type3A_116 = arith.extui %eq3A_115 : vector<1024x32xi1> to vector<1024x32xi32>
    %convert_element_type3A_117 = arith.sitofp %convert_element_type3A_116 : vector<1024x32xi32> to vector<1024x32xf32>
    %add3A_118 = arith.addf %add3A_112, %convert_element_type3A_117 : vector<1024x32xf32>
    %slice3A_119 = vector.extract_strided_slice %get3A_1 {offsets = [0, 19], sizes = [1024, 1], strides = [1, 1]} : vector<1024x32xi32> to vector<1024x1xi32>
    %eq3A_120 = vector.broadcast %slice3A_119 : vector<1024x1xi32> to vector<1024x32xi32>
    %eq3A_121 = arith.cmpi eq, %get3A_1, %eq3A_120 : vector<1024x32xi32>
    %convert_element_type3A_122 = arith.extui %eq3A_121 : vector<1024x32xi1> to vector<1024x32xi32>
    %convert_element_type3A_123 = arith.sitofp %convert_element_type3A_122 : vector<1024x32xi32> to vector<1024x32xf32>
    %add3A_124 = arith.addf %add3A_118, %convert_element_type3A_123 : vector<1024x32xf32>
    %slice3A_125 = vector.extract_strided_slice %get3A_1 {offsets = [0, 20], sizes = [1024, 1], strides = [1, 1]} : vector<1024x32xi32> to vector<1024x1xi32>
    %eq3A_126 = vector.broadcast %slice3A_125 : vector<1024x1xi32> to vector<1024x32xi32>
    %eq3A_127 = arith.cmpi eq, %get3A_1, %eq3A_126 : vector<1024x32xi32>
    %convert_element_type3A_128 = arith.extui %eq3A_127 : vector<1024x32xi1> to vector<1024x32xi32>
    %convert_element_type3A_129 = arith.sitofp %convert_element_type3A_128 : vector<1024x32xi32> to vector<1024x32xf32>
    %add3A_130 = arith.addf %add3A_124, %convert_element_type3A_129 : vector<1024x32xf32>
    %slice3A_131 = vector.extract_strided_slice %get3A_1 {offsets = [0, 21], sizes = [1024, 1], strides = [1, 1]} : vector<1024x32xi32> to vector<1024x1xi32>
    %eq3A_132 = vector.broadcast %slice3A_131 : vector<1024x1xi32> to vector<1024x32xi32>
    %eq3A_133 = arith.cmpi eq, %get3A_1, %eq3A_132 : vector<1024x32xi32>
    %convert_element_type3A_134 = arith.extui %eq3A_133 : vector<1024x32xi1> to vector<1024x32xi32>
    %convert_element_type3A_135 = arith.sitofp %convert_element_type3A_134 : vector<1024x32xi32> to vector<1024x32xf32>
    %add3A_136 = arith.addf %add3A_130, %convert_element_type3A_135 : vector<1024x32xf32>
    %slice3A_137 = vector.extract_strided_slice %get3A_1 {offsets = [0, 22], sizes = [1024, 1], strides = [1, 1]} : vector<1024x32xi32> to vector<1024x1xi32>
    %eq3A_138 = vector.broadcast %slice3A_137 : vector<1024x1xi32> to vector<1024x32xi32>
    %eq3A_139 = arith.cmpi eq, %get3A_1, %eq3A_138 : vector<1024x32xi32>
    %convert_element_type3A_140 = arith.extui %eq3A_139 : vector<1024x32xi1> to vector<1024x32xi32>
    %convert_element_type3A_141 = arith.sitofp %convert_element_type3A_140 : vector<1024x32xi32> to vector<1024x32xf32>
    %add3A_142 = arith.addf %add3A_136, %convert_element_type3A_141 : vector<1024x32xf32>
    %slice3A_143 = vector.extract_strided_slice %get3A_1 {offsets = [0, 23], sizes = [1024, 1], strides = [1, 1]} : vector<1024x32xi32> to vector<1024x1xi32>
    %eq3A_144 = vector.broadcast %slice3A_143 : vector<1024x1xi32> to vector<1024x32xi32>
    %eq3A_145 = arith.cmpi eq, %get3A_1, %eq3A_144 : vector<1024x32xi32>
    %convert_element_type3A_146 = arith.extui %eq3A_145 : vector<1024x32xi1> to vector<1024x32xi32>
    %convert_element_type3A_147 = arith.sitofp %convert_element_type3A_146 : vector<1024x32xi32> to vector<1024x32xf32>
    %add3A_148 = arith.addf %add3A_142, %convert_element_type3A_147 : vector<1024x32xf32>
    %slice3A_149 = vector.extract_strided_slice %get3A_1 {offsets = [0, 24], sizes = [1024, 1], strides = [1, 1]} : vector<1024x32xi32> to vector<1024x1xi32>
    %eq3A_150 = vector.broadcast %slice3A_149 : vector<1024x1xi32> to vector<1024x32xi32>
    %eq3A_151 = arith.cmpi eq, %get3A_1, %eq3A_150 : vector<1024x32xi32>
    %convert_element_type3A_152 = arith.extui %eq3A_151 : vector<1024x32xi1> to vector<1024x32xi32>
    %convert_element_type3A_153 = arith.sitofp %convert_element_type3A_152 : vector<1024x32xi32> to vector<1024x32xf32>
    %add3A_154 = arith.addf %add3A_148, %convert_element_type3A_153 : vector<1024x32xf32>
    %slice3A_155 = vector.extract_strided_slice %get3A_1 {offsets = [0, 25], sizes = [1024, 1], strides = [1, 1]} : vector<1024x32xi32> to vector<1024x1xi32>
    %eq3A_156 = vector.broadcast %slice3A_155 : vector<1024x1xi32> to vector<1024x32xi32>
    %eq3A_157 = arith.cmpi eq, %get3A_1, %eq3A_156 : vector<1024x32xi32>
    %convert_element_type3A_158 = arith.extui %eq3A_157 : vector<1024x32xi1> to vector<1024x32xi32>
    %convert_element_type3A_159 = arith.sitofp %convert_element_type3A_158 : vector<1024x32xi32> to vector<1024x32xf32>
    %add3A_160 = arith.addf %add3A_154, %convert_element_type3A_159 : vector<1024x32xf32>
    %slice3A_161 = vector.extract_strided_slice %get3A_1 {offsets = [0, 26], sizes = [1024, 1], strides = [1, 1]} : vector<1024x32xi32> to vector<1024x1xi32>
    %eq3A_162 = vector.broadcast %slice3A_161 : vector<1024x1xi32> to vector<1024x32xi32>
    %eq3A_163 = arith.cmpi eq, %get3A_1, %eq3A_162 : vector<1024x32xi32>
    %convert_element_type3A_164 = arith.extui %eq3A_163 : vector<1024x32xi1> to vector<1024x32xi32>
    %convert_element_type3A_165 = arith.sitofp %convert_element_type3A_164 : vector<1024x32xi32> to vector<1024x32xf32>
    %add3A_166 = arith.addf %add3A_160, %convert_element_type3A_165 : vector<1024x32xf32>
    %slice3A_167 = vector.extract_strided_slice %get3A_1 {offsets = [0, 27], sizes = [1024, 1], strides = [1, 1]} : vector<1024x32xi32> to vector<1024x1xi32>
    %eq3A_168 = vector.broadcast %slice3A_167 : vector<1024x1xi32> to vector<1024x32xi32>
    %eq3A_169 = arith.cmpi eq, %get3A_1, %eq3A_168 : vector<1024x32xi32>
    %convert_element_type3A_170 = arith.extui %eq3A_169 : vector<1024x32xi1> to vector<1024x32xi32>
    %convert_element_type3A_171 = arith.sitofp %convert_element_type3A_170 : vector<1024x32xi32> to vector<1024x32xf32>
    %add3A_172 = arith.addf %add3A_166, %convert_element_type3A_171 : vector<1024x32xf32>
    %slice3A_173 = vector.extract_strided_slice %get3A_1 {offsets = [0, 28], sizes = [1024, 1], strides = [1, 1]} : vector<1024x32xi32> to vector<1024x1xi32>
    %eq3A_174 = vector.broadcast %slice3A_173 : vector<1024x1xi32> to vector<1024x32xi32>
    %eq3A_175 = arith.cmpi eq, %get3A_1, %eq3A_174 : vector<1024x32xi32>
    %convert_element_type3A_176 = arith.extui %eq3A_175 : vector<1024x32xi1> to vector<1024x32xi32>
    %convert_element_type3A_177 = arith.sitofp %convert_element_type3A_176 : vector<1024x32xi32> to vector<1024x32xf32>
    %add3A_178 = arith.addf %add3A_172, %convert_element_type3A_177 : vector<1024x32xf32>
    %slice3A_179 = vector.extract_strided_slice %get3A_1 {offsets = [0, 29], sizes = [1024, 1], strides = [1, 1]} : vector<1024x32xi32> to vector<1024x1xi32>
    %eq3A_180 = vector.broadcast %slice3A_179 : vector<1024x1xi32> to vector<1024x32xi32>
    %eq3A_181 = arith.cmpi eq, %get3A_1, %eq3A_180 : vector<1024x32xi32>
    %convert_element_type3A_182 = arith.extui %eq3A_181 : vector<1024x32xi1> to vector<1024x32xi32>
    %convert_element_type3A_183 = arith.sitofp %convert_element_type3A_182 : vector<1024x32xi32> to vector<1024x32xf32>
    %add3A_184 = arith.addf %add3A_178, %convert_element_type3A_183 : vector<1024x32xf32>
    %slice3A_185 = vector.extract_strided_slice %get3A_1 {offsets = [0, 30], sizes = [1024, 1], strides = [1, 1]} : vector<1024x32xi32> to vector<1024x1xi32>
    %eq3A_186 = vector.broadcast %slice3A_185 : vector<1024x1xi32> to vector<1024x32xi32>
    %eq3A_187 = arith.cmpi eq, %get3A_1, %eq3A_186 : vector<1024x32xi32>
    %convert_element_type3A_188 = arith.extui %eq3A_187 : vector<1024x32xi1> to vector<1024x32xi32>
    %convert_element_type3A_189 = arith.sitofp %convert_element_type3A_188 : vector<1024x32xi32> to vector<1024x32xf32>
    %add3A_190 = arith.addf %add3A_184, %convert_element_type3A_189 : vector<1024x32xf32>
    %slice3A_191 = vector.extract_strided_slice %get3A_1 {offsets = [0, 31], sizes = [1024, 1], strides = [1, 1]} : vector<1024x32xi32> to vector<1024x1xi32>
    %eq3A_192 = vector.broadcast %slice3A_191 : vector<1024x1xi32> to vector<1024x32xi32>
    %eq3A_193 = arith.cmpi eq, %get3A_1, %eq3A_192 : vector<1024x32xi32>
    %convert_element_type3A_194 = arith.extui %eq3A_193 : vector<1024x32xi1> to vector<1024x32xi32>
    %convert_element_type3A_195 = arith.sitofp %convert_element_type3A_194 : vector<1024x32xi32> to vector<1024x32xf32>
    %add3A_196 = arith.addf %add3A_190, %convert_element_type3A_195 : vector<1024x32xf32>
    %div3A = arith.constant 1.000000e+00 : f32
    %div3A_197 = vector.broadcast %div3A : f32 to vector<1024x32xf32>
    %div3A_198 = arith.divf %div3A_197, %add3A_196 : vector<1024x32xf32>
    %reduce_sum3A = arith.constant dense<0.000000e+00> : vector<1024xf32>
    %reduce_sum3A_199 = vector.multi_reduction <add>, %convert_element_type3A_6, %reduce_sum3A [1] : vector<1024x32xf32> to vector<1024xf32>
    %broadcast_in_dim3A = vector.shape_cast %reduce_sum3A_199 : vector<1024xf32> to vector<1024x1xf32>
    %add3A_200 = arith.constant 1.000000e+00 : f32
    %add3A_201 = vector.broadcast %add3A_200 : f32 to vector<1024x1xf32>
    %add3A_202 = arith.addf %add3A_201, %broadcast_in_dim3A : vector<1024x1xf32>
    %div3A_203 = arith.constant 1.000000e+00 : f32
    %div3A_204 = vector.broadcast %div3A_203 : f32 to vector<1024x1xf32>
    %div3A_205 = arith.divf %div3A_204, %add3A_202 : vector<1024x1xf32>
    %reduce_sum3A_206 = arith.constant dense<0.000000e+00> : vector<1024xf32>
    %reduce_sum3A_207 = vector.multi_reduction <add>, %div3A_198, %reduce_sum3A_206 [1] : vector<1024x32xf32> to vector<1024xf32>
    %broadcast_in_dim3A_208 = vector.shape_cast %reduce_sum3A_207 : vector<1024xf32> to vector<1024x1xf32>
    %add3A_209 = arith.addf %broadcast_in_dim3A_208, %div3A_205 : vector<1024x1xf32>
    %div3A_210 = vector.broadcast %add3A_209 : vector<1024x1xf32> to vector<1024x32xf32>
    %div3A_211 = arith.divf %div3A_198, %div3A_210 : vector<1024x32xf32>
    %div3A_212 = arith.divf %div3A_205, %add3A_209 : vector<1024x1xf32>
    %concatenate3A = tpu.concatenate %div3A_211, %div3A_212 in 1 : vector<1024x32xf32>, vector<1024x1xf32> -> vector<1024x33xf32>
    %swap3A = arith.constant 0 : index
    %swap3A_213 = arith.constant 0 : index
    %swap3A_214 = vector.load %arg2[%swap3A, %swap3A_213] : memref<1024x33xf32, #tpu.memory_space<vmem>>, vector<1024x33xf32>
    tpu.vector_store %arg2[%swap3A, %swap3A_213], %concatenate3A {strides = array<i32>} : memref<1024x33xf32, #tpu.memory_space<vmem>>, vector<1024x33xf32>,
    return
  }
}

</mosaic_0001>

<sc_bundles>
// kernel: kernel.4.cloned.1.call-start
scs
__scs_entry_jumppad:
0x0: {  	(pc) =	sbr.rel $0x88, $3  }
0x1: {  	(tag) =	ssettag $0x0;
	lr =	simm.s32 $0x1  }
0x2: {  	[smem:$0x3F9E] =	sst lr;
	_ =	strace $0xD0000000  }
0x3: {  	_ = 	snop  }
0x4: {  	_ = 	snop  }
0x5: {  	_ = 	snop  }
0x6: {  	_ = 	snop  }
0x7: {  	_ = 	snop  }
__scs_overlays_trampoline_lowered:
0x8: {  	[smem:$0x3FAD] =	sst s0  }
0x9: {  	[smem:$0x3FAE] =	sst s1  }
0xa: {  	[smem:$0x3FAF] =	sst s2  }
0xb: {  	[smem:$0x3FB0] =	sst s3  }
0xc: {  	[smem:$0x3FB1] =	sst s4  }
0xd: {  	[smem:$0x3FB2] =	sst s5  }
0xe: {  	[smem:$0x3FB3] =	sst s6  }
0xf: {  	[smem:$0x3FB4] =	sst s7  }
0x10: {  	[smem:$0x3FB5] =	sst s8  }
0x11: {  	[smem:$0x3FB6] =	sst s9;
	s0 =	simm.s32 @!p0 $0x0  }
0x12: {  	s1 =	sld [smem:$0x3F9C];
	s0 =	simm.s32 @p0 $0x1  }
0x13: {  	[smem:$0x3FB7] =	sst s0;
	s0 =	simm.s32 @!p1 $0x0  }
0x14: {  	s2 =	sld [smem:$0x3F9B];
	s0 =	simm.s32 @p1 $0x1  }
0x15: {  	[smem:$0x3FB8] =	sst s0;
	s0 =	simm.s32 @!p2 $0x0  }
0x16: {  	s3 =	sld [smem:$0x3FDB];
	s0 =	simm.s32 @p2 $0x1  }
0x17: {  	s4 =	simm.s32 $0x1BF5;
	[smem:$0x3FBA] =	sst s0  }
0x18: {  	s0 =	sld [smem:$0x3F9D];
	_ =	swait.ge [sflag:s4], $0x0  }
0x19: {  	s7 =	sld [smem:$0x3F9E]  }
0x1a: {  	s8 =	sadd.s32 $0xFFFFE003, lr  }
0x1b: {  	s9 =	sadd.s32 $0xFFFFFEF7, lr;
	s5 =	simm.s32 $0xFFFFFFFF;
	p2 =	slt.u32 s8, $0xFFFFF086  }
0x1c: {  	p1 =	slt.u32 s9, $0xF7A;
	s5 =	simm.s32 @!p2 $0x0  }
0x1d: {  	s5 =	simm.s32 @p1 $0x1;
	p0 =	seq.s32 s7, s2  }
0x1e: {  	s7 =	smul.u32 @!p0 $0xF7A, s2;
	p2 =	seq.s32 @!p0 s5, $0x0  }
0x1f: {  	s9 =	smul.u32 $0xF7A, s1;
	s8 =	simm.s32 @!p0 $0x1BF5;
	p2 =	por !p2, p0  }
0x20: {  	[sflag:s8] =	ssyncset.s32 @!p0 $0xFFFFF086;
	s6 =	sadd.s32 @!p0 s3, s7;
	s7 =	simm.s32 @!p0 $0x108  }
0x21: {  	s3 =	sadd.s32 s3, s9;
	s6 =	sadd.s32 @!p0 $0x88, s6;
	s7 =	simm.s32 @p2 $0x1082  }
0x22: {  	[simem:s7], [sflag:s8] =	dma.local @!p0 [hbm:s6], $0xF7A  }
0x23: {  	s9 =	sor.u32 $0xD0000000, s2;
	s6 =	simm.s32 $0x108;
	_ =	swait.ge @!p0 [sflag:s8], $0x0  }
0x24: {  	s3 =	sadd.s32 $0x88, s3;
	s6 =	simm.s32 @!p1 $0x1082;
	[sflag:s4] =	ssyncset.s32 $0xFFFFF086  }
0x25: {  	[simem:s6], [sflag:s4] =	dma.local [hbm:s3], $0xF7A  }
0x26: {  	[smem:$0x3F9E] =	sst s1;
	(tag) =	ssettag s2;
	_ =	strace s9  }
0x27: {  	s1 =	sld [smem:$0x3FAE]  }
0x28: {  	s2 =	sld [smem:$0x3FAF]  }
0x29: {  	s4 =	sld [smem:$0x3FB1]  }
0x2a: {  	p0 =	seq.s32 s5, $0x0;
	s5 =	sld [smem:$0x3FB2]  }
0x2b: {  	s6 =	sld [smem:$0x3FB3]  }
0x2c: {  	s7 =	sld [smem:$0x3FB4]  }
0x2d: {  	s3 =	simm.s32 $0x108;
	s8 =	sld [smem:$0x3FB5]  }
0x2e: {  	s3 =	simm.s32 @!p0 $0x1082;
	s9 =	sld [smem:$0x3FB6]  }
0x2f: {  	lr =	sadd.s32 s0, s3;
	s0 =	sld [smem:$0x3FAD]  }
0x30: {  	s3 =	sld [smem:$0x3FB0]  }
0x31: {  	[smem:$0x3FB9] =	sst s10  }
0x32: {  	s10 =	sld [smem:$0x3FB7];
	_ =	sdelay $0x3  }
0x33: {  	p0 =	seq.s32 s10, $0x1;
	s10 =	sld [smem:$0x3FB9];
	_ =	sdelay $0x3  }
0x34: {  	[smem:$0x3FB9] =	sst s10  }
0x35: {  	s10 =	sld [smem:$0x3FB8];
	_ =	sdelay $0x3  }
0x36: {  	p1 =	seq.s32 s10, $0x1;
	s10 =	sld [smem:$0x3FB9];
	_ =	sdelay $0x3  }
0x37: {  	[smem:$0x3FB9] =	sst s10  }
0x38: {  	s10 =	sld [smem:$0x3FBA]  }
0x39: {  	_ = 	snop;
	(pc) =	sbr.ind lr, $3  }
0x3a: {  	_ = 	snop  }
0x3b: {  	_ = 	snop  }
0x3c: {  	p2 =	seq.s32 s10, $0x1;
	s10 =	sld [smem:$0x3FB9]  }
0x3d: {  	_ =	shalt  }
0x3e: {  	_ =	shalt  }
0x3f: {  	_ =	shalt  }
0x40: {  	_ =	shalt  }
0x41: {  	_ =	shalt  }
0x42: {  	_ =	shalt  }
0x43: {  	_ =	shalt  }
0x44: {  	_ =	shalt  }
0x45: {  	_ =	shalt  }
0x46: {  	_ =	shalt  }
0x47: {  	_ =	shalt  }
0x48: {  	_ =	shalt  }
0x49: {  	_ =	shalt  }
0x4a: {  	_ =	shalt  }
0x4b: {  	_ =	shalt  }
0x4c: {  	_ =	shalt  }
0x4d: {  	_ =	shalt  }
0x4e: {  	_ =	shalt  }
0x4f: {  	_ =	shalt  }
0x50: {  	_ =	shalt  }
0x51: {  	_ =	shalt  }
0x52: {  	_ =	shalt  }
0x53: {  	_ =	shalt  }
0x54: {  	_ =	shalt  }
0x55: {  	_ =	shalt  }
0x56: {  	_ =	shalt  }
0x57: {  	_ =	shalt  }
0x58: {  	_ =	shalt  }
0x59: {  	_ =	shalt  }
0x5a: {  	_ =	shalt  }
0x5b: {  	_ =	shalt  }
0x5c: {  	_ =	shalt  }
0x5d: {  	_ =	shalt  }
0x5e: {  	_ =	shalt  }
0x5f: {  	_ =	shalt  }
0x60: {  	_ =	shalt  }
0x61: {  	_ =	shalt  }
0x62: {  	_ =	shalt  }
0x63: {  	_ =	shalt  }
0x64: {  	_ =	shalt  }
0x65: {  	_ =	shalt  }
0x66: {  	_ =	shalt  }
0x67: {  	_ =	shalt  }
0x68: {  	_ =	shalt  }
0x69: {  	_ =	shalt  }
0x6a: {  	_ =	shalt  }
0x6b: {  	_ =	shalt  }
0x6c: {  	_ =	shalt  }
0x6d: {  	_ =	shalt  }
0x6e: {  	_ =	shalt  }
0x6f: {  	_ =	shalt  }
0x70: {  	_ =	shalt  }
0x71: {  	_ =	shalt  }
0x72: {  	_ =	shalt  }
0x73: {  	_ =	shalt  }
0x74: {  	_ =	shalt  }
0x75: {  	_ =	shalt  }
0x76: {  	_ =	shalt  }
0x77: {  	_ =	shalt  }
0x78: {  	_ =	shalt  }
0x79: {  	_ =	shalt  }
0x7a: {  	_ =	shalt  }
0x7b: {  	_ =	shalt  }
0x7c: {  	_ =	shalt  }
0x7d: {  	_ =	shalt  }
0x7e: {  	_ =	shalt  }
0x7f: {  	_ =	shalt  }
0x80: {  	_ =	shalt  }
0x81: {  	_ =	shalt  }
0x82: {  	_ =	shalt  }
0x83: {  	_ =	shalt  }
0x84: {  	_ =	shalt  }
0x85: {  	_ =	shalt  }
0x86: {  	_ =	shalt  }
0x87: {  	_ =	shalt  }
.Lfunc_end0:
.L_simem_size_0:
called_computation_lowered:
.L_overlay_start_0:
0x88: {  	s2 =	sld [smem:$0x3FD9]  }
0x89: {  	s3 =	sld [smem:$0x3FFE];
	_ =	sdelay $0x1  }
0x8a: {  	s1 =	srdreg.scid  }
0x8b: {  	s0 =	sand.u32 $0x1, s1  }
0x8c: {  	s17 =	sshll.u32 s0, $0xA;
	s2 =	sadd.s32 s3, s2  }
0x8d: {  	s2 =	sadd.s32 s2, s17  }
0x8e: {  	[smem:$0x3FC5] =	sst s2  }
0x8f: {  	_ = 	snop  }
0x90: {  	s2 =	sld [smem:$0x3FC9]  }
0x91: {  	s18 =	sld [smem:$0x3FD0];
	(tm) =	ssettm $0x1  }
0x92: {  	s4 =	sld [smem:$0x3FFB];
	_ =	sdelay $0x3  }
0x93: {  	_ =	strace s4  }
0x94: {  	s4 =	sld [smem:$0x3FFC];
	_ =	sdelay $0x3  }
0x95: {  	_ =	strace s4  }
0x96: {  	s4 =	sld [smem:$0x3FFD];
	_ =	sdelay $0x3  }
0x97: {  	_ =	strace s4  }
0x98: {  	_ =	strace $0x8FFFFFFF  }
0x99: {  	s19 =	sld [smem:$0x3FDB];
	_ =	sdelay $0x1  }
0x9a: {  	s5 =	simm.s32 $_scs_section_size  }
0x9b: {  	s6 =	simm.s32 $_size__tile_overlayer_lowered;
	s7 =	simm.s32 $_tile_overlayer_lowered  }
0x9c: {  	s22 =	simm.s32 $0x1BFF;
	s21 =	sshll.u32 s7, $0x1;
	s4 =	sadd.s32 s5, s19  }
0x9d: {  	s8 =	simm.s32 $0x0;
	s20 =	sshll.u32 s6, $0x1;
	s6 =	sadd.s32 s21, s4  }
0x9e: {  	[timem:s8], [sflag:s22] =	dma.local [hbm:s6], s20  }
0x9f: {  	_ =	swait.ge [sflag:s22], s20  }
0xa0: {  	s5 =	ssub.s32 $0x0, s20;
	[sflag:s22] =	ssyncset.done $0x0  }
0xa1: {  	[sflag:s22] =	ssyncadd.s32 s5;
	_ =	sdelay $0x1  }
0xa2: {  	s23 =	simm.s32 $0x1B8B  }
0xa3: {  	_ =	swait.ge [sflag:s23], $0x1  }
0xa4: {  	[sflag:s23] =	ssyncset.done $0x0  }
0xa5: {  	s25 =	simm.s32 $0x1B8E;
	s24 =	sld [smem:$0x3FFE];
	[sflag:s23] =	ssyncadd.s32 $0xFFFFFFFF  }
0xa6: {  	s26 =	simm.s32 $execute0_lowered;
	[smem:$0x3FD2] =	sst s25  }
0xa7: {  	s6 =	sshll.u32 s26, $0x1;
	_ =	strace $0x80000046;
	[dreg:$0x1] =	wrdreg $0xFFFFFFFF  }
0xa8: {  	s28 =	simm.s32 $_size_execute0_lowered;
	s4 =	sadd.s32 s4, s6;
	[dreg:$0x0] =	wrdreg $0x0  }
0xa9: {  	s6 =	sshll.u32 s28, $0x1;
	[dreg:$0x2] =	wrdreg s4  }
0xaa: {  	[dreg:$0x3] =	wrdreg s6  }
0xab: {  	[dreg:$0x4] =	wrdreg $0xC0  }
0xac: {  	_ =	task [dreg:s8], $0x5FFFF  }
0xad: {  	[dreg:$0x1] =	wrdreg $0xFFFFFFFF  }
0xae: {  	[dreg:$0x0] =	wrdreg $0x60  }
0xaf: {  	[dreg:$0x2] =	wrdreg s2  }
0xb0: {  	[dreg:$0x3] =	wrdreg s24  }
0xb1: {  	[dreg:$0x4] =	wrdreg s18  }
0xb2: {  	[dreg:$0x5] =	wrdreg $0x9  }
0xb3: {  	_ =	task.clear_ibuf [dreg:s8], $0x6FFFF;
	_ =	strace $0x90000046  }
0xb4: {  	s29 =	simm.s32 $0x9;
	_ =	strace $0x80000048  }
0xb5: {  	_ =	swait.ge [sflag:s29], $0x1  }
0xb6: {  	[sflag:s29] =	ssyncadd.s32 $0xFFFFFFFF  }
0xb7: {  	_ =	strace $0x90000048  }
0xb8: {  	_ =	sfence  }
0xb9: {  	s30 =	sld [smem:$0x0];
	_ =	sdelay $0x2  }
0xba: {  	s31 =	sshll.u32 s1, $0xD;
	s1 =	sshrl.u32 s1, $0x2  }
0xbb: {  	s3 =	sand.u32 $0x4000, s31;
	s1 =	sadd.s32 s1, s30  }
0xbc: {  	s0 =	sor.u32 s3, s0;
	s1 =	sshll.u32 s1, $0x11  }
0xbd: {  	s0 =	sor.u32 s1, s0  }
0xbe: {  	s0 =	sadd.s32 $0x8F2B, s0  }
0xbf: {  	[sflag:s0] =	ssyncadd.remote.s32 $0x1  }
0xc0: {  	_ =	sfence.sel $0xFFFF  }
0xc1: {  	[dreg:$0x0] =	wrdreg $0xFFFFFFFF;
	(pc) =	sbr.abs _section_cstart, $3  }
0xc2: {  	[dreg:$0x1] =	wrdreg $0xFFFFFFFF  }
0xc3: {  	_ =	task.clear_ibuf [dreg:s8], $0x2FFFF;
	_ =	strace $0x9FFFFFFF  }
0xc4: {  	(tm) =	ssettm $0x7FFFFFFF  }
0xc5: {  	_ =	shalt  }
tec
execute0_lowered:
.L_overlay_start_1:
0x0: {  	(tag) =	ssettag $0x1  }
0x1: {  	s1 =	rddreg [dreg:$0x0];
	s0 =	srdreg.scid  }
0x2: {  	s3 =	stileid.u32;
	s2 =	rddreg [dreg:$0x1]  }
0x3: {  	s4 =	rddreg [dreg:$0x2];
	s9 =	simm.s32 $0x5;
	s18 =	simm.s32 $0x13700  }
0x4: {  	s19 =	simm.s32 $0x13F00;
	s20 =	simm.s32 $0x14700;
	s21 =	simm.s32 $0x14F00  }
0x5: {  	s22 =	simm.s32 $0x15700;
	s23 =	simm.s32 $0x15F00;
	s24 =	simm.s32 $0x16700  }
0x6: {  	s25 =	simm.s32 $0x16F00;
	s28 =	simm.s32 $0x17F00;
	s29 =	simm.s32 $0x1  }
0x7: {  	s30 =	simm.s32 $0x2;
	s0 =	sand.u32 $0x1, s0;
	s3 =	sshll.u32 s3, $0x1  }
0x8: {  	s31 =	simm.s32 $0x3;
	s10 =	simm.s32 $0x0;
	s5 =	sor.u32 s0, s3  }
0x9: {  	s3 =	simm.s32 $0x0;
	s0 =	ssub.s32 $0x2, s0;
	s6 =	smul.u32 $0xA0, s5  }
0xa: {  	[smem:$0x7FF] =	sst s3;
	s7 =	smul.u32 $0x840, s5;
	s8 =	sshrl.u32 s0, $0x1  }
0xb: {  	s26 =	sshll.u32 s5, $0xB;
	_ =	strace $0x80000047;
	s6 =	sadd.s32 s6, s2  }
0xc: {  	s0 =	ssub.s32 s0, s8;
	s2 =	sadd.s32 s7, s2;
	s6 =	sadd.s32 $0x11000, s6  }
0xd: {  	v2 =	vlaneseq.u32;
	s8 =	smax.u32 s0, $0x1;
	s2 =	sadd.s32 $0x800, s2;
	[dreg:$0x4] =	wrdreg s6  }
0xe: {  	vm0 =	vmmov $0xffff;
	v1 =	vshrl.u32 v2, $0x3;
	[dreg:$0x5] =	wrdreg s2;
	s6 =	sadd.s32 $0x100, s1;
	s2 =	sadd.s32 s4, s26  }
0xf: {  	v0 =	vand.u32 $0x7, v2;
	v2 =	vor.u32 $0x8, v2;
	v1 =	vmul.u32 $0x8, v1;
	s26 =	simm.s32 $0x17700;
	[dreg:$0x6] =	wrdreg s2;
	s2 =	simm.s32 $0x4  }
.LBB2_1:
0x10: {  	s0 =	rddreg [dreg:$0x4]  }
0x11: {  	[tilespmem:s3], [sflag:$0x5] =	stream.linear.gather [hbm4b:s0+s3], $0x500, $0x38;
	[tilespmem:$0x1C700] =	vst v63  }
0x12: {  	_ =	swait.ge [sflag:s9], $0x500  }
0x13: {  	[sflag:s9] =	ssyncset.done $0x0  }
0x14: {  	s4 =	simm.s32 $0x500;
	s17 =	rddreg [dreg:$0x5];
	[sflag:s9] =	ssyncadd.s32 $0xFFFFFB00  }
0x15: {  	[tilespmem:s4], [sflag:$0x5] =	stream.linear.gather [hbm4b:s17+s3], $0x4200, $0x38;
	[tilespmem:$0x1C700] =	vst v63  }
0x16: {  	_ =	swait.ge [sflag:s9], $0x4200  }
0x17: {  	[sflag:s9] =	ssyncset.done $0x0  }
0x18: {  	[sflag:s9] =	ssyncadd.s32 $0xFFFFBE00  }
0x19: {  	v3 =	vld [tilespmem:$0x0];
	_ =	sdelay $0x4  }
0x1a: {  	v4 =	vshll.u32 v3, $0x2  }
0x1b: {  	v3 =	vand.u32 $0x7, v3;
	v4 =	vand.u32 $0xFFFFFFE0, v4  }
0x1c: {  	v3 =	vor.u32 v3, v4  }
0x1d: {  	v4 =	vperm.xlane v3, v0;
	_ =	sdelay $0x1  }
0x1e: {  	v4 =	vadd.s32 v1, v4;
	_ =	sdelay $0x1  }
0x1f: {  	v3 =	vperm.xlane v3, v2;
	_ =	sdelay $0x1  }
0x20: {  	s4 =	simm.s32 $0x4700;
	v3 =	vadd.s32 v1, v3  }
0x21: {  	[tilespmem:s4], [sflag:$0x1] =	stream.indirect_vreg.gather [hbm4b:s1+s3], $0x80, v4, vm0, $0xb8;
	[tilespmem:$0x1C700] =	vst v63  }
0x22: {  	s5 =	simm.s32 $0x4F00  }
0x23: {  	[tilespmem:s5], [sflag:$0x1] =	stream.indirect_vreg.gather [hbm4b:s6+s3], $0x80, v4, vm0, $0xb8;
	[tilespmem:$0x1C700] =	vst v63  }
0x24: {  	s7 =	simm.s32 $0x5700  }
0x25: {  	[tilespmem:s7], [sflag:$0x1] =	stream.indirect_vreg.gather [hbm4b:s1+s3], $0x80, v3, vm0, $0xb8;
	[tilespmem:$0x1C700] =	vst v63  }
0x26: {  	s11 =	simm.s32 $0x5F00  }
0x27: {  	[tilespmem:s11], [sflag:$0x1] =	stream.indirect_vreg.gather [hbm4b:s6+s3], $0x80, v3, vm0, $0xb8;
	[tilespmem:$0x1C700] =	vst v63  }
0x28: {  	v3 =	vld [tilespmem:$0x10];
	_ =	sdelay $0x4  }
0x29: {  	v56 =	vshll.u32 v3, $0x2  }
0x2a: {  	v3 =	vand.u32 $0x7, v3;
	v4 =	vand.u32 $0xFFFFFFE0, v56  }
0x2b: {  	v3 =	vor.u32 v3, v4  }
0x2c: {  	v4 =	vperm.xlane v3, v0;
	_ =	sdelay $0x1  }
0x2d: {  	v4 =	vadd.s32 v1, v4;
	_ =	sdelay $0x1  }
0x2e: {  	v3 =	vperm.xlane v3, v2;
	_ =	sdelay $0x1  }
0x2f: {  	s12 =	simm.s32 $0x6700;
	v3 =	vadd.s32 v1, v3  }
0x30: {  	[tilespmem:s12], [sflag:$0x1] =	stream.indirect_vreg.gather [hbm4b:s1+s3], $0x80, v4, vm0, $0xb8;
	[tilespmem:$0x1C700] =	vst v63  }
0x31: {  	s13 =	simm.s32 $0x6F00  }
0x32: {  	[tilespmem:s13], [sflag:$0x1] =	stream.indirect_vreg.gather [hbm4b:s6+s3], $0x80, v4, vm0, $0xb8;
	[tilespmem:$0x1C700] =	vst v63  }
0x33: {  	s14 =	simm.s32 $0x7700  }
0x34: {  	[tilespmem:s14], [sflag:$0x1] =	stream.indirect_vreg.gather [hbm4b:s1+s3], $0x80, v3, vm0, $0xb8;
	[tilespmem:$0x1C700] =	vst v63  }
0x35: {  	s15 =	simm.s32 $0x7F00  }
0x36: {  	[tilespmem:s15], [sflag:$0x1] =	stream.indirect_vreg.gather [hbm4b:s6+s3], $0x80, v3, vm0, $0xb8;
	[tilespmem:$0x1C700] =	vst v63  }
0x37: {  	v3 =	vld.msk [tilespmem:$0x20], $0xff;
	_ =	sdelay $0x4  }
0x38: {  	v57 =	vshll.u32 v3, $0x2  }
0x39: {  	v3 =	vand.u32 $0x7, v3;
	v4 =	vand.u32 $0xFFFFFFE0, v57  }
0x3a: {  	v3 =	vor.u32 v3, v4  }
0x3b: {  	v3 =	vperm.xlane v3, v0;
	_ =	sdelay $0x1  }
0x3c: {  	v3 =	vadd.s32 v1, v3;
	_ =	sdelay $0x3  }
0x3d: {  	s16 =	simm.s32 $0x8700  }
0x3e: {  	[tilespmem:s16], [sflag:$0x1] =	stream.indirect_vreg.gather [hbm4b:s1+s3], $0x80, v3, vm0, $0xb8;
	[tilespmem:$0x1C700] =	vst v63  }
0x3f: {  	s17 =	simm.s32 $0x8F00  }
0x40: {  	[tilespmem:s17], [sflag:$0x1] =	stream.indirect_vreg.gather [hbm4b:s6+s3], $0x80, v3, vm0, $0xb8;
	[tilespmem:$0x1C700] =	vst v63  }
0x41: {  	v3 =	vld [tilespmem:$0x28];
	_ =	sdelay $0x4  }
0x42: {  	v58 =	vshll.u32 v3, $0x2  }
0x43: {  	v3 =	vand.u32 $0x7, v3;
	v4 =	vand.u32 $0xFFFFFFE0, v58  }
0x44: {  	v3 =	vor.u32 v3, v4  }
0x45: {  	v4 =	vperm.xlane v3, v0;
	_ =	sdelay $0x1  }
0x46: {  	v4 =	vadd.s32 v1, v4;
	_ =	sdelay $0x1  }
0x47: {  	v3 =	vperm.xlane v3, v2;
	_ =	sdelay $0x1  }
0x48: {  	s4 =	simm.s32 $0x9700;
	v3 =	vadd.s32 v1, v3  }
0x49: {  	[tilespmem:s4], [sflag:$0x2] =	stream.indirect_vreg.gather [hbm4b:s1+s3], $0x80, v4, vm0, $0xb8;
	[tilespmem:$0x1C700] =	vst v63  }
0x4a: {  	s5 =	simm.s32 $0x9F00  }
0x4b: {  	[tilespmem:s5], [sflag:$0x2] =	stream.indirect_vreg.gather [hbm4b:s6+s3], $0x80, v4, vm0, $0xb8;
	[tilespmem:$0x1C700] =	vst v63  }
0x4c: {  	s7 =	simm.s32 $0xA700  }
0x4d: {  	[tilespmem:s7], [sflag:$0x2] =	stream.indirect_vreg.gather [hbm4b:s1+s3], $0x80, v3, vm0, $0xb8;
	[tilespmem:$0x1C700] =	vst v63  }
0x4e: {  	s11 =	simm.s32 $0xAF00  }
0x4f: {  	[tilespmem:s11], [sflag:$0x2] =	stream.indirect_vreg.gather [hbm4b:s6+s3], $0x80, v3, vm0, $0xb8;
	[tilespmem:$0x1C700] =	vst v63  }
0x50: {  	v3 =	vld [tilespmem:$0x38];
	_ =	sdelay $0x4  }
0x51: {  	v59 =	vshll.u32 v3, $0x2  }
0x52: {  	v3 =	vand.u32 $0x7, v3;
	v4 =	vand.u32 $0xFFFFFFE0, v59  }
0x53: {  	v3 =	vor.u32 v3, v4  }
0x54: {  	v4 =	vperm.xlane v3, v0;
	_ =	sdelay $0x1  }
0x55: {  	v4 =	vadd.s32 v1, v4;
	_ =	sdelay $0x1  }
0x56: {  	v3 =	vperm.xlane v3, v2;
	_ =	sdelay $0x1  }
0x57: {  	s12 =	simm.s32 $0xB700;
	v3 =	vadd.s32 v1, v3  }
0x58: {  	[tilespmem:s12], [sflag:$0x2] =	stream.indirect_vreg.gather [hbm4b:s1+s3], $0x80, v4, vm0, $0xb8;
	[tilespmem:$0x1C700] =	vst v63  }
0x59: {  	s13 =	simm.s32 $0xBF00  }
0x5a: {  	[tilespmem:s13], [sflag:$0x2] =	stream.indirect_vreg.gather [hbm4b:s6+s3], $0x80, v4, vm0, $0xb8;
	[tilespmem:$0x1C700] =	vst v63  }
0x5b: {  	s14 =	simm.s32 $0xC700  }
0x5c: {  	[tilespmem:s14], [sflag:$0x2] =	stream.indirect_vreg.gather [hbm4b:s1+s3], $0x80, v3, vm0, $0xb8;
	[tilespmem:$0x1C700] =	vst v63  }
0x5d: {  	s15 =	simm.s32 $0xCF00  }
0x5e: {  	[tilespmem:s15], [sflag:$0x2] =	stream.indirect_vreg.gather [hbm4b:s6+s3], $0x80, v3, vm0, $0xb8;
	[tilespmem:$0x1C700] =	vst v63  }
0x5f: {  	v3 =	vld.msk [tilespmem:$0x48], $0xff;
	_ =	sdelay $0x4  }
0x60: {  	v60 =	vshll.u32 v3, $0x2  }
0x61: {  	v3 =	vand.u32 $0x7, v3;
	v4 =	vand.u32 $0xFFFFFFE0, v60  }
0x62: {  	v3 =	vor.u32 v3, v4  }
0x63: {  	v3 =	vperm.xlane v3, v0;
	_ =	sdelay $0x1  }
0x64: {  	v3 =	vadd.s32 v1, v3;
	_ =	sdelay $0x3  }
0x65: {  	s16 =	simm.s32 $0xD700  }
0x66: {  	[tilespmem:s16], [sflag:$0x2] =	stream.indirect_vreg.gather [hbm4b:s1+s3], $0x80, v3, vm0, $0xb8;
	[tilespmem:$0x1C700] =	vst v63  }
0x67: {  	s17 =	simm.s32 $0xDF00  }
0x68: {  	[tilespmem:s17], [sflag:$0x2] =	stream.indirect_vreg.gather [hbm4b:s6+s3], $0x80, v3, vm0, $0xb8;
	[tilespmem:$0x1C700] =	vst v63  }
0x69: {  	v3 =	vld [tilespmem:$0x50];
	_ =	sdelay $0x4  }
0x6a: {  	v61 =	vshll.u32 v3, $0x2  }
0x6b: {  	v3 =	vand.u32 $0x7, v3;
	v4 =	vand.u32 $0xFFFFFFE0, v61  }
0x6c: {  	v3 =	vor.u32 v3, v4  }
0x6d: {  	v4 =	vperm.xlane v3, v0;
	_ =	sdelay $0x1  }
0x6e: {  	v4 =	vadd.s32 v1, v4;
	_ =	sdelay $0x1  }
0x6f: {  	v3 =	vperm.xlane v3, v2;
	_ =	sdelay $0x1  }
0x70: {  	s4 =	simm.s32 $0xE700;
	v3 =	vadd.s32 v1, v3  }
0x71: {  	[tilespmem:s4], [sflag:$0x3] =	stream.indirect_vreg.gather [hbm4b:s1+s3], $0x80, v4, vm0, $0xb8;
	[tilespmem:$0x1C700] =	vst v63  }
0x72: {  	s5 =	simm.s32 $0xEF00  }
0x73: {  	[tilespmem:s5], [sflag:$0x3] =	stream.indirect_vreg.gather [hbm4b:s6+s3], $0x80, v4, vm0, $0xb8;
	[tilespmem:$0x1C700] =	vst v63  }
0x74: {  	s7 =	simm.s32 $0xF700  }
0x75: {  	[tilespmem:s7], [sflag:$0x3] =	stream.indirect_vreg.gather [hbm4b:s1+s3], $0x80, v3, vm0, $0xb8;
	[tilespmem:$0x1C700] =	vst v63  }
0x76: {  	s11 =	simm.s32 $0xFF00  }
0x77: {  	[tilespmem:s11], [sflag:$0x3] =	stream.indirect_vreg.gather [hbm4b:s6+s3], $0x80, v3, vm0, $0xb8;
	[tilespmem:$0x1C700] =	vst v63  }
0x78: {  	v3 =	vld [tilespmem:$0x60];
	_ =	sdelay $0x4  }
0x79: {  	v62 =	vshll.u32 v3, $0x2  }
0x7a: {  	v3 =	vand.u32 $0x7, v3;
	v4 =	vand.u32 $0xFFFFFFE0, v62  }
0x7b: {  	v3 =	vor.u32 v3, v4  }
0x7c: {  	v4 =	vperm.xlane v3, v0;
	_ =	sdelay $0x1  }
0x7d: {  	v4 =	vadd.s32 v1, v4;
	_ =	sdelay $0x1  }
0x7e: {  	v3 =	vperm.xlane v3, v2;
	_ =	sdelay $0x1  }
0x7f: {  	s12 =	simm.s32 $0x10700;
	v3 =	vadd.s32 v1, v3  }
0x80: {  	[tilespmem:s12], [sflag:$0x3] =	stream.indirect_vreg.gather [hbm4b:s1+s3], $0x80, v4, vm0, $0xb8;
	[tilespmem:$0x1C700] =	vst v63  }
0x81: {  	s13 =	simm.s32 $0x10F00  }
0x82: {  	[tilespmem:s13], [sflag:$0x3] =	stream.indirect_vreg.gather [hbm4b:s6+s3], $0x80, v4, vm0, $0xb8;
	[tilespmem:$0x1C700] =	vst v63  }
0x83: {  	s14 =	simm.s32 $0x11700  }
0x84: {  	[tilespmem:s14], [sflag:$0x3] =	stream.indirect_vreg.gather [hbm4b:s1+s3], $0x80, v3, vm0, $0xb8;
	[tilespmem:$0x1C700] =	vst v63  }
0x85: {  	s15 =	simm.s32 $0x11F00  }
0x86: {  	[tilespmem:s15], [sflag:$0x3] =	stream.indirect_vreg.gather [hbm4b:s6+s3], $0x80, v3, vm0, $0xb8;
	[tilespmem:$0x1C700] =	vst v63  }
0x87: {  	v3 =	vld.msk [tilespmem:$0x70], $0xff;
	_ =	sdelay $0x4  }
0x88: {  	v63 =	vshll.u32 v3, $0x2  }
0x89: {  	v3 =	vand.u32 $0x7, v3;
	v4 =	vand.u32 $0xFFFFFFE0, v63  }
0x8a: {  	v3 =	vor.u32 v3, v4  }
0x8b: {  	v3 =	vperm.xlane v3, v0;
	_ =	sdelay $0x1  }
0x8c: {  	v3 =	vadd.s32 v1, v3;
	_ =	sdelay $0x3  }
0x8d: {  	s16 =	simm.s32 $0x12700  }
0x8e: {  	[tilespmem:s16], [sflag:$0x3] =	stream.indirect_vreg.gather [hbm4b:s1+s3], $0x80, v3, vm0, $0xb8;
	[tilespmem:$0x1C700] =	vst v63  }
0x8f: {  	s17 =	simm.s32 $0x12F00;
	s11 =	simm.s32 $0x0  }
0x90: {  	[tilespmem:s17], [sflag:$0x3] =	stream.indirect_vreg.gather [hbm4b:s6+s3], $0x80, v3, vm0, $0xb8;
	[tilespmem:$0x1C700] =	vst v63  }
.LBB2_2:
0x91: {  	s0 =	smul.u32 $0x280, s11;
	_ =	sdelay $0x1  }
0x92: {  	s12 =	sshra.s32 s0, $0x2  }
0x93: {  	v3 =	vld [tilespmem:s12+$0x78];
	_ =	sdelay $0x4  }
0x94: {  	v4 =	vshll.u32 v3, $0x2  }
0x95: {  	v3 =	vand.u32 $0x7, v3;
	v4 =	vand.u32 $0xFFFFFFE0, v4  }
0x96: {  	v3 =	vor.u32 v3, v4  }
0x97: {  	v4 =	vperm.xlane v3, v0;
	_ =	sdelay $0x1  }
0x98: {  	v4 =	vadd.s32 v1, v4;
	_ =	sdelay $0x1  }
0x99: {  	v3 =	vperm.xlane v3, v2;
	_ =	sdelay $0x1  }
0x9a: {  	s17 =	simm.s32 $0x0;
	v3 =	vadd.s32 v1, v3  }
0x9b: {  	[tilespmem:s18], [sflag:$0x4] =	stream.indirect_vreg.gather [hbm4b:s1+s17], $0x80, v4, vm0, $0xb8;
	[tilespmem:$0x1C700] =	vst v63  }
0x9c: {  	_ = 	snop  }
0x9d: {  	[tilespmem:s19], [sflag:$0x4] =	stream.indirect_vreg.gather [hbm4b:s6+s17], $0x80, v4, vm0, $0xb8;
	[tilespmem:$0x1C700] =	vst v63  }
0x9e: {  	_ = 	snop  }
0x9f: {  	[tilespmem:s20], [sflag:$0x4] =	stream.indirect_vreg.gather [hbm4b:s1+s17], $0x80, v3, vm0, $0xb8;
	[tilespmem:$0x1C700] =	vst v63  }
0xa0: {  	_ = 	snop  }
0xa1: {  	[tilespmem:s21], [sflag:$0x4] =	stream.indirect_vreg.gather [hbm4b:s6+s17], $0x80, v3, vm0, $0xb8;
	[tilespmem:$0x1C700] =	vst v63  }
0xa2: {  	v3 =	vld [tilespmem:s12+$0x88];
	_ =	sdelay $0x4  }
0xa3: {  	v4 =	vshll.u32 v3, $0x2  }
0xa4: {  	v3 =	vand.u32 $0x7, v3;
	v4 =	vand.u32 $0xFFFFFFE0, v4  }
0xa5: {  	v3 =	vor.u32 v3, v4  }
0xa6: {  	v4 =	vperm.xlane v3, v0;
	_ =	sdelay $0x1  }
0xa7: {  	v4 =	vadd.s32 v1, v4;
	_ =	sdelay $0x1  }
0xa8: {  	v3 =	vperm.xlane v3, v2;
	_ =	sdelay $0x1  }
0xa9: {  	v3 =	vadd.s32 v1, v3  }
0xaa: {  	[tilespmem:s22], [sflag:$0x4] =	stream.indirect_vreg.gather [hbm4b:s1+s17], $0x80, v4, vm0, $0xb8;
	[tilespmem:$0x1C700] =	vst v63  }
0xab: {  	_ = 	snop  }
0xac: {  	[tilespmem:s23], [sflag:$0x4] =	stream.indirect_vreg.gather [hbm4b:s6+s17], $0x80, v4, vm0, $0xb8;
	[tilespmem:$0x1C700] =	vst v63  }
0xad: {  	_ = 	snop  }
0xae: {  	[tilespmem:s24], [sflag:$0x4] =	stream.indirect_vreg.gather [hbm4b:s1+s17], $0x80, v3, vm0, $0xb8;
	[tilespmem:$0x1C700] =	vst v63  }
0xaf: {  	_ = 	snop  }
0xb0: {  	[tilespmem:s25], [sflag:$0x4] =	stream.indirect_vreg.gather [hbm4b:s6+s17], $0x80, v3, vm0, $0xb8;
	[tilespmem:$0x1C700] =	vst v63  }
0xb1: {  	v3 =	vld.msk [tilespmem:s12+$0x98], $0xff;
	_ =	sdelay $0x4  }
0xb2: {  	v4 =	vshll.u32 v3, $0x2  }
0xb3: {  	v3 =	vand.u32 $0x7, v3;
	v4 =	vand.u32 $0xFFFFFFE0, v4  }
0xb4: {  	v3 =	vor.u32 v3, v4  }
0xb5: {  	v3 =	vperm.xlane v3, v0;
	_ =	sdelay $0x1  }
0xb6: {  	v3 =	vadd.s32 v1, v3;
	_ =	sdelay $0x4  }
0xb7: {  	[tilespmem:s26], [sflag:$0x4] =	stream.indirect_vreg.gather [hbm4b:s1+s17], $0x80, v3, vm0, $0xb8;
	[tilespmem:$0x1C700] =	vst v63  }
0xb8: {  	_ = 	snop  }
0xb9: {  	[tilespmem:s28], [sflag:$0x4] =	stream.indirect_vreg.gather [hbm4b:s6+s17], $0x80, v3, vm0, $0xb8;
	[tilespmem:$0x1C700] =	vst v63  }
0xba: {  	s7 =	smul.u32 $0x2100, s11;
	_ =	swait.ge [sflag:s29], $0x5000  }
0xbb: {  	[sflag:s29] =	ssyncset.done $0x0  }
0xbc: {  	s0 =	sshra.s32 s7, $0x2;
	[sflag:s29] =	ssyncadd.s32 $0xFFFFB000  }
0xbd: {  	v33 =	vld [tilespmem:s0+$0x500]  }
0xbe: {  	v31 =	vld [tilespmem:s0+$0x510]  }
0xbf: {  	v35 =	vld [tilespmem:s0+$0x520]  }
0xc0: {  	v29 =	vld [tilespmem:s0+$0x530]  }
0xc1: {  	v34 =	vld [tilespmem:s0+$0x540]  }
0xc2: {  	s4 =	smul.u32 $0x840, s11;
	v27 =	vld [tilespmem:s0+$0x550]  }
0xc3: {  	v32 =	vld [tilespmem:s0+$0x560]  }
0xc4: {  	s4 =	sand.u32 $0x3FC0, s4;
	v26 =	vld [tilespmem:s0+$0x570]  }
0xc5: {  	v30 =	vld [tilespmem:s4+$0x580]  }
0xc6: {  	v24 =	vld [tilespmem:s0+$0x590]  }
0xc7: {  	v28 =	vld [tilespmem:s0+$0x5A0]  }
0xc8: {  	v22 =	vld [tilespmem:s0+$0x5B0]  }
0xc9: {  	v25 =	vld [tilespmem:s0+$0x5C0]  }
0xca: {  	v20 =	vld [tilespmem:s0+$0x5D0]  }
0xcb: {  	v23 =	vld [tilespmem:s0+$0x5E0]  }
0xcc: {  	v18 =	vld [tilespmem:s0+$0x5F0]  }
0xcd: {  	v21 =	vld [tilespmem:s4+$0x600]  }
0xce: {  	v16 =	vld [tilespmem:s0+$0x610]  }
0xcf: {  	v19 =	vld [tilespmem:s0+$0x620]  }
0xd0: {  	v14 =	vld [tilespmem:s0+$0x630]  }
0xd1: {  	v17 =	vld [tilespmem:s0+$0x640]  }
0xd2: {  	v12 =	vld [tilespmem:s0+$0x650]  }
0xd3: {  	v15 =	vld [tilespmem:s0+$0x660]  }
0xd4: {  	v10 =	vld [tilespmem:s0+$0x670]  }
0xd5: {  	v13 =	vld [tilespmem:s4+$0x680]  }
0xd6: {  	v6 =	vld [tilespmem:s0+$0x690]  }
0xd7: {  	v11 =	vld [tilespmem:s0+$0x6A0]  }
0xd8: {  	v5 =	vld [tilespmem:s0+$0x6B0]  }
0xd9: {  	v8 =	vld [tilespmem:s0+$0x6C0]  }
0xda: {  	v3 =	vld [tilespmem:s0+$0x6D0]  }
0xdb: {  	s5 =	sshll.u32 s11, $0xB;
	s13 =	sshll.u32 s11, $0x9;
	v7 =	vld [tilespmem:s0+$0x6E0]  }
0xdc: {  	s5 =	sand.u32 $0x3000, s5;
	s15 =	sand.u32 $0x70, s17;
	s14 =	sand.u32 $0xC00, s17;
	v4 =	vld [tilespmem:s0+$0x6F0]  }
0xdd: {  	s16 =	sand.u32 $0x200, s13;
	s13 =	sor.u32 $0x18700, s5;
	v9 =	vld [tilespmem:s4+$0x700];
	s0 =	sor.u32 s15, s14  }
0xde: {  	s5 =	simm.s32 $0x10;
	s16 =	sadd.s32 s16, s13;
	s4 =	simm.s32 $0x0;
	v36 =	vld [tilespmem:s0+$0x4900]  }
.LBB2_3:
0xdf: {  	p0 =	sne.s32 s5, $0x1F0;
	v37 =	vld [tilespmem:s0+$0x4700]  }
0xe0: {  	v38 =	vld [tilespmem:s0+$0x4800]  }
0xe1: {  	v39 =	vld [tilespmem:s0+$0x4780]  }
0xe2: {  	v40 =	vld [tilespmem:s0+$0x4880]  }
0xe3: {  	v41 =	vld [tilespmem:s0+$0x4A00]  }
0xe4: {  	s7 =	sor.u32 s4, s17;
	s17 =	smov.u32 s5;
	v42 =	vld [tilespmem:s0+$0x4980]  }
0xe5: {  	s7 =	sor.u32 $0x380, s7;
	v37 =	vmul.f32 v37, v33;
	v38 =	vmul.f32 v38, v35;
	v43 =	vld [tilespmem:s0+$0x5700]  }
0xe6: {  	v36 =	vmul.f32 v36, v34;
	v44 =	vld [tilespmem:s7+$0x4700]  }
0xe7: {  	v39 =	vmul.f32 v39, v31;
	v37 =	vadd.f32 v38, v37;
	v38 =	vld [tilespmem:s0+$0x5800];
	v40 =	vmul.f32 v40, v29  }
0xe8: {  	v41 =	vmul.f32 v41, v32;
	v45 =	vld [tilespmem:s0+$0x5780]  }
0xe9: {  	v36 =	vadd.f32 v36, v37;
	v37 =	vld [tilespmem:s0+$0x5900];
	v39 =	vadd.f32 v40, v39;
	v40 =	vmul.f32 v42, v27  }
0xea: {  	v42 =	vmul.f32 v43, v30;
	v43 =	vld [tilespmem:s0+$0x5880]  }
0xeb: {  	v36 =	vadd.f32 v41, v36;
	v41 =	vld [tilespmem:s0+$0x5A00];
	v39 =	vadd.f32 v40, v39;
	v40 =	vmul.f32 v44, v26  }
0xec: {  	v38 =	vmul.f32 v38, v28;
	v44 =	vld [tilespmem:s0+$0x5980]  }
0xed: {  	v36 =	vadd.f32 v42, v36;
	v42 =	vld [tilespmem:s0+$0x6700];
	v39 =	vadd.f32 v40, v39;
	v40 =	vmul.f32 v45, v24  }
0xee: {  	v37 =	vmul.f32 v37, v25;
	v45 =	vld [tilespmem:s0+$0x5A80]  }
0xef: {  	v36 =	vadd.f32 v38, v36;
	v38 =	vld [tilespmem:s0+$0x6800];
	v39 =	vadd.f32 v40, v39;
	v40 =	vmul.f32 v43, v22  }
0xf0: {  	v41 =	vmul.f32 v41, v23;
	v43 =	vld [tilespmem:s0+$0x6780]  }
0xf1: {  	v36 =	vadd.f32 v37, v36;
	v37 =	vld [tilespmem:s0+$0x6900];
	v39 =	vadd.f32 v40, v39;
	v40 =	vmul.f32 v44, v20  }
0xf2: {  	v42 =	vmul.f32 v42, v21;
	v44 =	vld [tilespmem:s0+$0x6880]  }
0xf3: {  	v36 =	vadd.f32 v41, v36;
	v41 =	vld [tilespmem:s0+$0x6A00];
	v39 =	vadd.f32 v40, v39;
	v40 =	vmul.f32 v45, v18  }
0xf4: {  	v38 =	vmul.f32 v38, v19;
	v45 =	vld [tilespmem:s0+$0x6980]  }
0xf5: {  	v36 =	vadd.f32 v42, v36;
	v42 =	vld [tilespmem:s0+$0x7700];
	v39 =	vadd.f32 v40, v39;
	v40 =	vmul.f32 v43, v16  }
0xf6: {  	v37 =	vmul.f32 v37, v17;
	v43 =	vld [tilespmem:s0+$0x6A80]  }
0xf7: {  	v36 =	vadd.f32 v38, v36;
	v38 =	vld [tilespmem:s0+$0x7800];
	v39 =	vadd.f32 v40, v39;
	v40 =	vmul.f32 v44, v14  }
0xf8: {  	v41 =	vmul.f32 v41, v15;
	v44 =	vld [tilespmem:s0+$0x7780]  }
0xf9: {  	v36 =	vadd.f32 v37, v36;
	v37 =	vld [tilespmem:s0+$0x7900];
	v39 =	vadd.f32 v40, v39;
	v40 =	vmul.f32 v45, v12  }
0xfa: {  	v42 =	vmul.f32 v42, v13;
	v45 =	vld [tilespmem:s0+$0x7880]  }
0xfb: {  	v36 =	vadd.f32 v41, v36;
	v41 =	vld [tilespmem:s0+$0x7A00];
	v39 =	vadd.f32 v40, v39;
	v40 =	vmul.f32 v43, v10  }
0xfc: {  	v38 =	vmul.f32 v38, v11;
	v43 =	vld [tilespmem:s0+$0x7980]  }
0xfd: {  	v36 =	vadd.f32 v42, v36;
	v42 =	vld [tilespmem:s0+$0x8700];
	v39 =	vadd.f32 v40, v39;
	v40 =	vmul.f32 v44, v6  }
0xfe: {  	v37 =	vmul.f32 v37, v8;
	v44 =	vld [tilespmem:s0+$0x7A80]  }
0xff: {  	v36 =	vadd.f32 v38, v36;
	v38 =	vadd.f32 v40, v39;
	v39 =	vmul.f32 v45, v5  }
0x100: {  	v40 =	vmul.f32 v41, v7  }
0x101: {  	v36 =	vadd.f32 v37, v36;
	v37 =	vadd.f32 v39, v38;
	v38 =	vmul.f32 v43, v3  }
0x102: {  	v39 =	vmul.f32 v42, v9  }
0x103: {  	v36 =	vadd.f32 v40, v36;
	v37 =	vadd.f32 v38, v37;
	v38 =	vmul.f32 v44, v4;
	_ =	sdelay $0x1  }
0x104: {  	v36 =	vadd.f32 v39, v36;
	v37 =	vadd.f32 v38, v37  }
.Ltmp0:
0x105: {  	(pc) =	sbr.rel @p0 .LBB2_3-.Ltmp0, $4  }
0x106: {  	s4 =	sadd.s32 $0x80, s4;
	s0 =	sadd.s32 s14, s16;
	v36 =	vadd.f32 v37, v36  }
0x107: {  	s14 =	sand.u32 $0xC00, s4;
	s7 =	sadd.s32 s15, s0;
	s15 =	sand.u32 $0x70, s5  }
0x108: {  	s0 =	sor.u32 s15, s14;
	[tilespmem:s7+$0x0] =	vst v36  }
0x109: {  	s5 =	sadd.s32 $0x10, s5;
	v36 =	vld [tilespmem:s0+$0x4900]  }
0x10a: {  	v37 =	vld [tilespmem:s0+$0x4700]  }
0x10b: {  	v38 =	vld [tilespmem:s0+$0x4800]  }
0x10c: {  	v39 =	vld [tilespmem:s0+$0x4780]  }
0x10d: {  	v40 =	vld [tilespmem:s0+$0x4880]  }
0x10e: {  	v41 =	vld [tilespmem:s0+$0x4A00]  }
0x10f: {  	v42 =	vld [tilespmem:s0+$0x4980];
	s4 =	sor.u32 s4, s17  }
0x110: {  	v57 =	vld [tilespmem:s0+$0x5700];
	s4 =	sor.u32 $0x380, s4;
	v33 =	vmul.f32 v37, v33;
	v35 =	vmul.f32 v38, v35  }
0x111: {  	v58 =	vld [tilespmem:s4+$0x4700];
	v34 =	vmul.f32 v36, v34  }
0x112: {  	v59 =	vld [tilespmem:s0+$0x5800];
	v31 =	vmul.f32 v39, v31;
	v29 =	vmul.f32 v40, v29;
	v33 =	vadd.f32 v35, v33  }
0x113: {  	v60 =	vld [tilespmem:s0+$0x5780];
	v32 =	vmul.f32 v41, v32  }
0x114: {  	v61 =	vld [tilespmem:s0+$0x5900];
	v27 =	vmul.f32 v42, v27;
	v29 =	vadd.f32 v29, v31;
	v33 =	vadd.f32 v34, v33  }
0x115: {  	v30 =	vmul.f32 v57, v30;
	v31 =	vld [tilespmem:s0+$0x5880]  }
0x116: {  	v62 =	vld [tilespmem:s0+$0x5A00];
	v26 =	vmul.f32 v58, v26;
	v27 =	vadd.f32 v27, v29;
	v32 =	vadd.f32 v32, v33  }
0x117: {  	v28 =	vmul.f32 v59, v28;
	v29 =	vld [tilespmem:s0+$0x5980]  }
0x118: {  	v63 =	vld [tilespmem:s0+$0x6700];
	v24 =	vmul.f32 v60, v24;
	v26 =	vadd.f32 v26, v27;
	v30 =	vadd.f32 v30, v32  }
0x119: {  	v25 =	vmul.f32 v61, v25;
	v27 =	vld [tilespmem:s0+$0x5A80]  }
0x11a: {  	v22 =	vmul.f32 v31, v22;
	v24 =	vadd.f32 v24, v26;
	v26 =	vld [tilespmem:s0+$0x6780];
	v28 =	vadd.f32 v28, v30  }
0x11b: {  	v23 =	vmul.f32 v62, v23;
	v30 =	vld [tilespmem:s0+$0x6800]  }
0x11c: {  	v20 =	vmul.f32 v29, v20;
	v22 =	vadd.f32 v22, v24;
	v24 =	vld [tilespmem:s0+$0x6880];
	v25 =	vadd.f32 v25, v28  }
0x11d: {  	v21 =	vmul.f32 v63, v21;
	v28 =	vld [tilespmem:s0+$0x6900]  }
0x11e: {  	v18 =	vmul.f32 v27, v18;
	v20 =	vadd.f32 v20, v22;
	v22 =	vld [tilespmem:s0+$0x6980];
	v23 =	vadd.f32 v23, v25  }
0x11f: {  	v16 =	vmul.f32 v26, v16;
	v25 =	vld [tilespmem:s0+$0x6A00]  }
0x120: {  	v18 =	vadd.f32 v18, v20;
	v20 =	vld [tilespmem:s0+$0x6A80];
	v19 =	vmul.f32 v30, v19;
	v21 =	vadd.f32 v21, v23  }
0x121: {  	v14 =	vmul.f32 v24, v14;
	v23 =	vld [tilespmem:s0+$0x7700]  }
0x122: {  	v16 =	vadd.f32 v16, v18;
	v18 =	vld [tilespmem:s0+$0x7780];
	v17 =	vmul.f32 v28, v17;
	v19 =	vadd.f32 v19, v21  }
0x123: {  	v12 =	vmul.f32 v22, v12;
	v21 =	vld [tilespmem:s0+$0x7800]  }
0x124: {  	v14 =	vadd.f32 v14, v16;
	v16 =	vld [tilespmem:s0+$0x7880];
	v15 =	vmul.f32 v25, v15;
	v17 =	vadd.f32 v17, v19  }
0x125: {  	v10 =	vmul.f32 v20, v10;
	v19 =	vld [tilespmem:s0+$0x7900]  }
0x126: {  	v12 =	vadd.f32 v12, v14;
	v14 =	vld [tilespmem:s0+$0x7980];
	v13 =	vmul.f32 v23, v13;
	v15 =	vadd.f32 v15, v17  }
0x127: {  	v6 =	vmul.f32 v18, v6;
	v17 =	vld [tilespmem:s0+$0x7A00]  }
0x128: {  	v10 =	vadd.f32 v10, v12;
	v12 =	vld [tilespmem:s0+$0x7A80];
	v11 =	vmul.f32 v21, v11;
	v13 =	vadd.f32 v13, v15  }
0x129: {  	v5 =	vmul.f32 v16, v5;
	v15 =	vld [tilespmem:s0+$0x8700]  }
0x12a: {  	v6 =	vadd.f32 v6, v10;
	v8 =	vmul.f32 v19, v8;
	v11 =	vadd.f32 v11, v13  }
0x12b: {  	v3 =	vmul.f32 v14, v3  }
0x12c: {  	v5 =	vadd.f32 v5, v6;
	v7 =	vmul.f32 v17, v7;
	v8 =	vadd.f32 v8, v11  }
0x12d: {  	v4 =	vmul.f32 v12, v4  }
0x12e: {  	v3 =	vadd.f32 v3, v5;
	v6 =	vmul.f32 v15, v9;
	v7 =	vadd.f32 v7, v8;
	_ =	sdelay $0x1  }
0x12f: {  	v3 =	vadd.f32 v4, v3;
	v5 =	vadd.f32 v6, v7;
	_ =	sdelay $0x1  }
0x130: {  	s7 =	sadd.s32 s14, s16;
	s14 =	sshll.u32 s11, $0x2;
	v3 =	vadd.f32 v3, v5  }
0x131: {  	s16 =	sadd.s32 s15, s7;
	s17 =	sor.u32 $0x1, s14  }
0x132: {  	p0 =	sgt.u32 s17, $0x1C;
	[tilespmem:s16+$0x0] =	vst v3  }
0x133: {  	v3 =	vld @!p0 [tilespmem:s12+$0xA0];
	_ =	sdelay $0x4  }
0x134: {  	v4 =	vshll.u32 @!p0 v3, $0x2  }
0x135: {  	v5 =	vlaneseq.u32 @!p0;
	v3 =	vand.u32 @!p0 $0x7, v3;
	v4 =	vand.u32 @!p0 $0xFFFFFFE0, v4  }
0x136: {  	v6 =	vshrl.u32 @!p0 v5, $0x3;
	v3 =	vor.u32 @!p0 v3, v4;
	v4 =	vand.u32 @!p0 $0x7, v5  }
0x137: {  	v6 =	vmul.u32 @!p0 $0x8, v6;
	v7 =	vperm.xlane @!p0 v3, v4;
	_ =	sdelay $0x1  }
0x138: {  	v7 =	vadd.s32 @!p0 v6, v7  }
0x139: {  	v5 =	vor.u32 @!p0 $0x8, v5  }
0x13a: {  	v3 =	vperm.xlane @!p0 v3, v5;
	_ =	sdelay $0x1  }
0x13b: {  	vm1 =	vmmov @!p0 $0xffff;
	s4 =	simm.s32 @!p0 $0x0;
	s5 =	simm.s32 @!p0 $0x4700;
	v3 =	vadd.s32 @!p0 v6, v3  }
0x13c: {  	[tilespmem:s5], [sflag:$0x1] =	stream.indirect_vreg.gather @!p0 [hbm4b:s1+s4], $0x80, v7, vm1, $0xb8;
	[tilespmem:$0x1C700] =	vst v63  }
0x13d: {  	s5 =	simm.s32 @!p0 $0x4F00  }
0x13e: {  	[tilespmem:s5], [sflag:$0x1] =	stream.indirect_vreg.gather @!p0 [hbm4b:s6+s4], $0x80, v7, vm1, $0xb8;
	[tilespmem:$0x1C700] =	vst v63  }
0x13f: {  	s5 =	simm.s32 @!p0 $0x5700  }
0x140: {  	[tilespmem:s5], [sflag:$0x1] =	stream.indirect_vreg.gather @!p0 [hbm4b:s1+s4], $0x80, v3, vm1, $0xb8;
	[tilespmem:$0x1C700] =	vst v63  }
0x141: {  	s5 =	simm.s32 @!p0 $0x5F00  }
0x142: {  	[tilespmem:s5], [sflag:$0x1] =	stream.indirect_vreg.gather @!p0 [hbm4b:s6+s4], $0x80, v3, vm1, $0xb8;
	[tilespmem:$0x1C700] =	vst v63  }
0x143: {  	v3 =	vld @!p0 [tilespmem:s12+$0xB0];
	_ =	sdelay $0x4  }
0x144: {  	v7 =	vshll.u32 @!p0 v3, $0x2  }
0x145: {  	v3 =	vand.u32 @!p0 $0x7, v3;
	v7 =	vand.u32 @!p0 $0xFFFFFFE0, v7  }
0x146: {  	v3 =	vor.u32 @!p0 v3, v7  }
0x147: {  	v7 =	vperm.xlane @!p0 v3, v4;
	_ =	sdelay $0x1  }
0x148: {  	v7 =	vadd.s32 @!p0 v6, v7;
	_ =	sdelay $0x1  }
0x149: {  	v3 =	vperm.xlane @!p0 v3, v5;
	_ =	sdelay $0x1  }
0x14a: {  	s5 =	simm.s32 @!p0 $0x6700;
	v3 =	vadd.s32 @!p0 v6, v3  }
0x14b: {  	[tilespmem:s5], [sflag:$0x1] =	stream.indirect_vreg.gather @!p0 [hbm4b:s1+s4], $0x80, v7, vm1, $0xb8;
	[tilespmem:$0x1C700] =	vst v63  }
0x14c: {  	s5 =	simm.s32 @!p0 $0x6F00  }
0x14d: {  	[tilespmem:s5], [sflag:$0x1] =	stream.indirect_vreg.gather @!p0 [hbm4b:s6+s4], $0x80, v7, vm1, $0xb8;
	[tilespmem:$0x1C700] =	vst v63  }
0x14e: {  	s5 =	simm.s32 @!p0 $0x7700  }
0x14f: {  	[tilespmem:s5], [sflag:$0x1] =	stream.indirect_vreg.gather @!p0 [hbm4b:s1+s4], $0x80, v3, vm1, $0xb8;
	[tilespmem:$0x1C700] =	vst v63  }
0x150: {  	s5 =	simm.s32 @!p0 $0x7F00  }
0x151: {  	[tilespmem:s5], [sflag:$0x1] =	stream.indirect_vreg.gather @!p0 [hbm4b:s6+s4], $0x80, v3, vm1, $0xb8;
	[tilespmem:$0x1C700] =	vst v63  }
0x152: {  	v3 =	vld.msk @!p0 [tilespmem:s12+$0xC0], $0xff;
	_ =	sdelay $0x4  }
0x153: {  	v5 =	vshll.u32 @!p0 v3, $0x2  }
0x154: {  	v3 =	vand.u32 @!p0 $0x7, v3;
	v5 =	vand.u32 @!p0 $0xFFFFFFE0, v5  }
0x155: {  	v3 =	vor.u32 @!p0 v3, v5  }
0x156: {  	v3 =	vperm.xlane @!p0 v3, v4;
	_ =	sdelay $0x1  }
0x157: {  	v3 =	vadd.s32 @!p0 v6, v3;
	_ =	sdelay $0x3  }
0x158: {  	s5 =	simm.s32 @!p0 $0x8700  }
0x159: {  	[tilespmem:s5], [sflag:$0x1] =	stream.indirect_vreg.gather @!p0 [hbm4b:s1+s4], $0x80, v3, vm1, $0xb8;
	[tilespmem:$0x1C700] =	vst v63  }
0x15a: {  	s5 =	simm.s32 @!p0 $0x8F00  }
0x15b: {  	[tilespmem:s5], [sflag:$0x1] =	stream.indirect_vreg.gather @!p0 [hbm4b:s6+s4], $0x80, v3, vm1, $0xb8;
	[tilespmem:$0x1C700] =	vst v63  }
0x15c: {  	s7 =	smul.u32 $0x840, s17;
	_ =	swait.ge [sflag:s30], $0x5000  }
0x15d: {  	[sflag:s30] =	ssyncset.done $0x0  }
0x15e: {  	s15 =	sshra.s32 s7, $0x2;
	[sflag:s30] =	ssyncadd.s32 $0xFFFFB000  }
0x15f: {  	v33 =	vld [tilespmem:s15+$0x500]  }
0x160: {  	v31 =	vld [tilespmem:s15+$0x510]  }
0x161: {  	v34 =	vld [tilespmem:s15+$0x520]  }
0x162: {  	v29 =	vld [tilespmem:s15+$0x530]  }
0x163: {  	v35 =	vld [tilespmem:s15+$0x540]  }
0x164: {  	s16 =	smul.u32 $0x210, s17;
	v27 =	vld [tilespmem:s15+$0x550]  }
0x165: {  	v32 =	vld [tilespmem:s15+$0x560]  }
0x166: {  	s7 =	sand.u32 $0x3FD0, s16;
	v26 =	vld [tilespmem:s15+$0x570]  }
0x167: {  	v30 =	vld [tilespmem:s7+$0x580]  }
0x168: {  	v24 =	vld [tilespmem:s15+$0x590]  }
0x169: {  	v28 =	vld [tilespmem:s15+$0x5A0]  }
0x16a: {  	v22 =	vld [tilespmem:s15+$0x5B0]  }
0x16b: {  	v25 =	vld [tilespmem:s15+$0x5C0]  }
0x16c: {  	v20 =	vld [tilespmem:s15+$0x5D0]  }
0x16d: {  	v23 =	vld [tilespmem:s15+$0x5E0]  }
0x16e: {  	v18 =	vld [tilespmem:s15+$0x5F0]  }
0x16f: {  	v21 =	vld [tilespmem:s7+$0x600]  }
0x170: {  	v16 =	vld [tilespmem:s15+$0x610]  }
0x171: {  	v19 =	vld [tilespmem:s15+$0x620]  }
0x172: {  	v14 =	vld [tilespmem:s15+$0x630]  }
0x173: {  	v17 =	vld [tilespmem:s15+$0x640]  }
0x174: {  	v12 =	vld [tilespmem:s15+$0x650]  }
0x175: {  	v15 =	vld [tilespmem:s15+$0x660]  }
0x176: {  	v10 =	vld [tilespmem:s15+$0x670]  }
0x177: {  	v13 =	vld [tilespmem:s7+$0x680]  }
0x178: {  	v7 =	vld [tilespmem:s15+$0x690]  }
0x179: {  	v11 =	vld [tilespmem:s15+$0x6A0]  }
0x17a: {  	v5 =	vld [tilespmem:s15+$0x6B0]  }
0x17b: {  	v9 =	vld [tilespmem:s15+$0x6C0]  }
0x17c: {  	v4 =	vld [tilespmem:s15+$0x6D0]  }
0x17d: {  	s4 =	simm.s32 $0x0;
	v6 =	vld [tilespmem:s15+$0x6E0]  }
0x17e: {  	s0 =	sshll.u32 s17, $0x7;
	s16 =	sand.u32 $0xC00, s4;
	v3 =	vld [tilespmem:s15+$0x6F0];
	s15 =	sand.u32 $0x70, s4  }
0x17f: {  	s17 =	sand.u32 $0x280, s0;
	v8 =	vld [tilespmem:s7+$0x700];
	s0 =	sor.u32 s15, s16  }
0x180: {  	s17 =	sadd.s32 s17, s13;
	s5 =	simm.s32 $0x10;
	v36 =	vld [tilespmem:s0+$0x9900]  }
.LBB2_5:
0x181: {  	p0 =	sne.s32 s5, $0x1F0;
	v37 =	vld [tilespmem:s0+$0x9700]  }
0x182: {  	v38 =	vld [tilespmem:s0+$0x9800]  }
0x183: {  	v39 =	vld [tilespmem:s0+$0x9780]  }
0x184: {  	v40 =	vld [tilespmem:s0+$0x9880]  }
0x185: {  	v41 =	vld [tilespmem:s0+$0x9A00]  }
0x186: {  	v42 =	vld [tilespmem:s0+$0x9980]  }
0x187: {  	v37 =	vmul.f32 v37, v33;
	v38 =	vmul.f32 v38, v34;
	v43 =	vld [tilespmem:s0+$0xA700]  }
0x188: {  	v36 =	vmul.f32 v36, v35;
	v44 =	vld [tilespmem:s0+$0x9A80]  }
0x189: {  	v39 =	vmul.f32 v39, v31;
	v37 =	vadd.f32 v38, v37;
	v38 =	vld [tilespmem:s0+$0xA800];
	v40 =	vmul.f32 v40, v29  }
0x18a: {  	v41 =	vmul.f32 v41, v32;
	v45 =	vld [tilespmem:s0+$0xA780]  }
0x18b: {  	v36 =	vadd.f32 v36, v37;
	v37 =	vld [tilespmem:s0+$0xA900];
	v39 =	vadd.f32 v40, v39;
	v40 =	vmul.f32 v42, v27  }
0x18c: {  	v42 =	vmul.f32 v43, v30;
	v43 =	vld [tilespmem:s0+$0xA880]  }
0x18d: {  	v36 =	vadd.f32 v41, v36;
	v41 =	vld [tilespmem:s0+$0xAA00];
	v39 =	vadd.f32 v40, v39;
	v40 =	vmul.f32 v44, v26  }
0x18e: {  	v38 =	vmul.f32 v38, v28;
	v44 =	vld [tilespmem:s0+$0xA980]  }
0x18f: {  	v36 =	vadd.f32 v42, v36;
	v42 =	vld [tilespmem:s0+$0xB700];
	v39 =	vadd.f32 v40, v39;
	v40 =	vmul.f32 v45, v24  }
0x190: {  	v37 =	vmul.f32 v37, v25;
	v45 =	vld [tilespmem:s0+$0xAA80]  }
0x191: {  	v36 =	vadd.f32 v38, v36;
	v38 =	vld [tilespmem:s0+$0xB800];
	v39 =	vadd.f32 v40, v39;
	v40 =	vmul.f32 v43, v22  }
0x192: {  	v41 =	vmul.f32 v41, v23;
	v43 =	vld [tilespmem:s0+$0xB780]  }
0x193: {  	v36 =	vadd.f32 v37, v36;
	v37 =	vld [tilespmem:s0+$0xB900];
	v39 =	vadd.f32 v40, v39;
	v40 =	vmul.f32 v44, v20  }
0x194: {  	v42 =	vmul.f32 v42, v21;
	v44 =	vld [tilespmem:s0+$0xB880]  }
0x195: {  	v36 =	vadd.f32 v41, v36;
	v41 =	vld [tilespmem:s0+$0xBA00];
	v39 =	vadd.f32 v40, v39;
	v40 =	vmul.f32 v45, v18  }
0x196: {  	v38 =	vmul.f32 v38, v19;
	v45 =	vld [tilespmem:s0+$0xB980]  }
0x197: {  	v36 =	vadd.f32 v42, v36;
	v42 =	vld [tilespmem:s0+$0xC700];
	v39 =	vadd.f32 v40, v39;
	v40 =	vmul.f32 v43, v16  }
0x198: {  	v37 =	vmul.f32 v37, v17;
	v43 =	vld [tilespmem:s0+$0xBA80]  }
0x199: {  	v36 =	vadd.f32 v38, v36;
	v38 =	vld [tilespmem:s0+$0xC800];
	v39 =	vadd.f32 v40, v39;
	v40 =	vmul.f32 v44, v14  }
0x19a: {  	v41 =	vmul.f32 v41, v15;
	v44 =	vld [tilespmem:s0+$0xC780]  }
0x19b: {  	v36 =	vadd.f32 v37, v36;
	v37 =	vld [tilespmem:s0+$0xC900];
	v39 =	vadd.f32 v40, v39;
	v40 =	vmul.f32 v45, v12  }
0x19c: {  	v42 =	vmul.f32 v42, v13;
	v45 =	vld [tilespmem:s0+$0xC880]  }
0x19d: {  	v36 =	vadd.f32 v41, v36;
	v41 =	vld [tilespmem:s0+$0xCA00];
	v39 =	vadd.f32 v40, v39;
	v40 =	vmul.f32 v43, v10  }
0x19e: {  	v38 =	vmul.f32 v38, v11;
	v43 =	vld [tilespmem:s0+$0xC980]  }
0x19f: {  	v36 =	vadd.f32 v42, v36;
	v42 =	vld [tilespmem:s0+$0xD700];
	v39 =	vadd.f32 v40, v39;
	v40 =	vmul.f32 v44, v7  }
0x1a0: {  	v37 =	vmul.f32 v37, v9;
	v44 =	vld [tilespmem:s0+$0xCA80]  }
0x1a1: {  	v36 =	vadd.f32 v38, v36;
	v38 =	vadd.f32 v40, v39;
	v39 =	vmul.f32 v45, v5  }
0x1a2: {  	v40 =	vmul.f32 v41, v6  }
0x1a3: {  	v36 =	vadd.f32 v37, v36;
	v37 =	vadd.f32 v39, v38;
	v38 =	vmul.f32 v43, v4  }
0x1a4: {  	v39 =	vmul.f32 v42, v8  }
0x1a5: {  	v36 =	vadd.f32 v40, v36;
	v37 =	vadd.f32 v38, v37;
	v38 =	vmul.f32 v44, v3;
	_ =	sdelay $0x1  }
0x1a6: {  	v36 =	vadd.f32 v39, v36;
	v37 =	vadd.f32 v38, v37  }
.Ltmp1:
0x1a7: {  	(pc) =	sbr.rel @p0 .LBB2_5-.Ltmp1, $4  }
0x1a8: {  	s4 =	sadd.s32 $0x80, s4;
	s0 =	sadd.s32 s16, s17;
	v36 =	vadd.f32 v37, v36  }
0x1a9: {  	s16 =	sand.u32 $0xC00, s4;
	s7 =	sadd.s32 s15, s0;
	s15 =	sand.u32 $0x70, s5  }
0x1aa: {  	s0 =	sor.u32 s15, s16;
	[tilespmem:s7+$0x0] =	vst v36  }
0x1ab: {  	s5 =	sadd.s32 $0x10, s5;
	v36 =	vld [tilespmem:s0+$0x9900]  }
0x1ac: {  	v37 =	vld [tilespmem:s0+$0x9700]  }
0x1ad: {  	v38 =	vld [tilespmem:s0+$0x9800]  }
0x1ae: {  	v39 =	vld [tilespmem:s0+$0x9780]  }
0x1af: {  	v40 =	vld [tilespmem:s0+$0x9880]  }
0x1b0: {  	v41 =	vld [tilespmem:s0+$0x9A00]  }
0x1b1: {  	v42 =	vld [tilespmem:s0+$0x9980]  }
0x1b2: {  	v57 =	vld [tilespmem:s0+$0xA700];
	v33 =	vmul.f32 v37, v33;
	v34 =	vmul.f32 v38, v34  }
0x1b3: {  	v58 =	vld [tilespmem:s0+$0x9A80];
	v35 =	vmul.f32 v36, v35  }
0x1b4: {  	v59 =	vld [tilespmem:s0+$0xA800];
	v31 =	vmul.f32 v39, v31;
	v29 =	vmul.f32 v40, v29;
	v33 =	vadd.f32 v34, v33  }
0x1b5: {  	v60 =	vld [tilespmem:s0+$0xA780];
	v32 =	vmul.f32 v41, v32  }
0x1b6: {  	v61 =	vld [tilespmem:s0+$0xA900];
	v27 =	vmul.f32 v42, v27;
	v29 =	vadd.f32 v29, v31;
	v33 =	vadd.f32 v35, v33  }
0x1b7: {  	v30 =	vmul.f32 v57, v30;
	v31 =	vld [tilespmem:s0+$0xA880]  }
0x1b8: {  	v62 =	vld [tilespmem:s0+$0xAA00];
	v26 =	vmul.f32 v58, v26;
	v27 =	vadd.f32 v27, v29;
	v32 =	vadd.f32 v32, v33  }
0x1b9: {  	v28 =	vmul.f32 v59, v28;
	v29 =	vld [tilespmem:s0+$0xA980]  }
0x1ba: {  	v63 =	vld [tilespmem:s0+$0xB700];
	v24 =	vmul.f32 v60, v24;
	v26 =	vadd.f32 v26, v27;
	v30 =	vadd.f32 v30, v32  }
0x1bb: {  	v25 =	vmul.f32 v61, v25;
	v27 =	vld [tilespmem:s0+$0xAA80]  }
0x1bc: {  	v22 =	vmul.f32 v31, v22;
	v24 =	vadd.f32 v24, v26;
	v26 =	vld [tilespmem:s0+$0xB780];
	v28 =	vadd.f32 v28, v30  }
0x1bd: {  	v23 =	vmul.f32 v62, v23;
	v30 =	vld [tilespmem:s0+$0xB800]  }
0x1be: {  	v20 =	vmul.f32 v29, v20;
	v22 =	vadd.f32 v22, v24;
	v24 =	vld [tilespmem:s0+$0xB880];
	v25 =	vadd.f32 v25, v28  }
0x1bf: {  	v21 =	vmul.f32 v63, v21;
	v28 =	vld [tilespmem:s0+$0xB900]  }
0x1c0: {  	v18 =	vmul.f32 v27, v18;
	v20 =	vadd.f32 v20, v22;
	v22 =	vld [tilespmem:s0+$0xB980];
	v23 =	vadd.f32 v23, v25  }
0x1c1: {  	v16 =	vmul.f32 v26, v16;
	v25 =	vld [tilespmem:s0+$0xBA00]  }
0x1c2: {  	v18 =	vadd.f32 v18, v20;
	v20 =	vld [tilespmem:s0+$0xBA80];
	v19 =	vmul.f32 v30, v19;
	v21 =	vadd.f32 v21, v23  }
0x1c3: {  	v14 =	vmul.f32 v24, v14;
	v23 =	vld [tilespmem:s0+$0xC700]  }
0x1c4: {  	v16 =	vadd.f32 v16, v18;
	v18 =	vld [tilespmem:s0+$0xC780];
	v17 =	vmul.f32 v28, v17;
	v19 =	vadd.f32 v19, v21  }
0x1c5: {  	v12 =	vmul.f32 v22, v12;
	v21 =	vld [tilespmem:s0+$0xC800]  }
0x1c6: {  	v14 =	vadd.f32 v14, v16;
	v16 =	vld [tilespmem:s0+$0xC880];
	v15 =	vmul.f32 v25, v15;
	v17 =	vadd.f32 v17, v19  }
0x1c7: {  	v10 =	vmul.f32 v20, v10;
	v19 =	vld [tilespmem:s0+$0xC900]  }
0x1c8: {  	v12 =	vadd.f32 v12, v14;
	v14 =	vld [tilespmem:s0+$0xC980];
	v13 =	vmul.f32 v23, v13;
	v15 =	vadd.f32 v15, v17  }
0x1c9: {  	v7 =	vmul.f32 v18, v7;
	v17 =	vld [tilespmem:s0+$0xCA00]  }
0x1ca: {  	v10 =	vadd.f32 v10, v12;
	v12 =	vld [tilespmem:s0+$0xCA80];
	v11 =	vmul.f32 v21, v11;
	v13 =	vadd.f32 v13, v15  }
0x1cb: {  	v5 =	vmul.f32 v16, v5;
	v15 =	vld [tilespmem:s0+$0xD700]  }
0x1cc: {  	v7 =	vadd.f32 v7, v10;
	v9 =	vmul.f32 v19, v9;
	v11 =	vadd.f32 v11, v13  }
0x1cd: {  	v4 =	vmul.f32 v14, v4  }
0x1ce: {  	v5 =	vadd.f32 v5, v7;
	v6 =	vmul.f32 v17, v6;
	v9 =	vadd.f32 v9, v11  }
0x1cf: {  	v3 =	vmul.f32 v12, v3  }
0x1d0: {  	v4 =	vadd.f32 v4, v5;
	v7 =	vmul.f32 v15, v8;
	v6 =	vadd.f32 v6, v9;
	_ =	sdelay $0x1  }
0x1d1: {  	v3 =	vadd.f32 v3, v4;
	v5 =	vadd.f32 v7, v6;
	_ =	sdelay $0x1  }
0x1d2: {  	s16 =	sadd.s32 s16, s17;
	v3 =	vadd.f32 v3, v5  }
0x1d3: {  	s17 =	sor.u32 $0x2, s14;
	s4 =	sadd.s32 s15, s16  }
0x1d4: {  	p0 =	sgt.u32 s17, $0x1C;
	[tilespmem:s4+$0x0] =	vst v3  }
0x1d5: {  	v3 =	vld @!p0 [tilespmem:s12+$0xC8];
	_ =	sdelay $0x4  }
0x1d6: {  	v4 =	vshll.u32 @!p0 v3, $0x2  }
0x1d7: {  	v5 =	vlaneseq.u32 @!p0;
	v3 =	vand.u32 @!p0 $0x7, v3;
	v4 =	vand.u32 @!p0 $0xFFFFFFE0, v4  }
0x1d8: {  	v6 =	vshrl.u32 @!p0 v5, $0x3;
	v3 =	vor.u32 @!p0 v3, v4;
	v4 =	vand.u32 @!p0 $0x7, v5  }
0x1d9: {  	v6 =	vmul.u32 @!p0 $0x8, v6;
	v7 =	vperm.xlane @!p0 v3, v4;
	_ =	sdelay $0x1  }
0x1da: {  	v7 =	vadd.s32 @!p0 v6, v7  }
0x1db: {  	v5 =	vor.u32 @!p0 $0x8, v5  }
0x1dc: {  	v3 =	vperm.xlane @!p0 v3, v5;
	_ =	sdelay $0x1  }
0x1dd: {  	vm1 =	vmmov @!p0 $0xffff;
	s5 =	simm.s32 @!p0 $0x9700;
	s4 =	simm.s32 @!p0 $0x0;
	v3 =	vadd.s32 @!p0 v6, v3  }
0x1de: {  	[tilespmem:s5], [sflag:$0x2] =	stream.indirect_vreg.gather @!p0 [hbm4b:s1+s4], $0x80, v7, vm1, $0xb8;
	[tilespmem:$0x1C700] =	vst v63  }
0x1df: {  	s5 =	simm.s32 @!p0 $0x9F00  }
0x1e0: {  	[tilespmem:s5], [sflag:$0x2] =	stream.indirect_vreg.gather @!p0 [hbm4b:s6+s4], $0x80, v7, vm1, $0xb8;
	[tilespmem:$0x1C700] =	vst v63  }
0x1e1: {  	s5 =	simm.s32 @!p0 $0xA700  }
0x1e2: {  	[tilespmem:s5], [sflag:$0x2] =	stream.indirect_vreg.gather @!p0 [hbm4b:s1+s4], $0x80, v3, vm1, $0xb8;
	[tilespmem:$0x1C700] =	vst v63  }
0x1e3: {  	s5 =	simm.s32 @!p0 $0xAF00  }
0x1e4: {  	[tilespmem:s5], [sflag:$0x2] =	stream.indirect_vreg.gather @!p0 [hbm4b:s6+s4], $0x80, v3, vm1, $0xb8;
	[tilespmem:$0x1C700] =	vst v63  }
0x1e5: {  	v3 =	vld @!p0 [tilespmem:s12+$0xD8];
	_ =	sdelay $0x4  }
0x1e6: {  	v7 =	vshll.u32 @!p0 v3, $0x2  }
0x1e7: {  	v3 =	vand.u32 @!p0 $0x7, v3;
	v7 =	vand.u32 @!p0 $0xFFFFFFE0, v7  }
0x1e8: {  	v3 =	vor.u32 @!p0 v3, v7  }
0x1e9: {  	v7 =	vperm.xlane @!p0 v3, v4;
	_ =	sdelay $0x1  }
0x1ea: {  	v7 =	vadd.s32 @!p0 v6, v7;
	_ =	sdelay $0x1  }
0x1eb: {  	v3 =	vperm.xlane @!p0 v3, v5;
	_ =	sdelay $0x1  }
0x1ec: {  	s5 =	simm.s32 @!p0 $0xB700;
	v3 =	vadd.s32 @!p0 v6, v3  }
0x1ed: {  	[tilespmem:s5], [sflag:$0x2] =	stream.indirect_vreg.gather @!p0 [hbm4b:s1+s4], $0x80, v7, vm1, $0xb8;
	[tilespmem:$0x1C700] =	vst v63  }
0x1ee: {  	s5 =	simm.s32 @!p0 $0xBF00  }
0x1ef: {  	[tilespmem:s5], [sflag:$0x2] =	stream.indirect_vreg.gather @!p0 [hbm4b:s6+s4], $0x80, v7, vm1, $0xb8;
	[tilespmem:$0x1C700] =	vst v63  }
0x1f0: {  	s5 =	simm.s32 @!p0 $0xC700  }
0x1f1: {  	[tilespmem:s5], [sflag:$0x2] =	stream.indirect_vreg.gather @!p0 [hbm4b:s1+s4], $0x80, v3, vm1, $0xb8;
	[tilespmem:$0x1C700] =	vst v63  }
0x1f2: {  	s5 =	simm.s32 @!p0 $0xCF00  }
0x1f3: {  	[tilespmem:s5], [sflag:$0x2] =	stream.indirect_vreg.gather @!p0 [hbm4b:s6+s4], $0x80, v3, vm1, $0xb8;
	[tilespmem:$0x1C700] =	vst v63  }
0x1f4: {  	v3 =	vld.msk @!p0 [tilespmem:s12+$0xE8], $0xff;
	_ =	sdelay $0x4  }
0x1f5: {  	v5 =	vshll.u32 @!p0 v3, $0x2  }
0x1f6: {  	v3 =	vand.u32 @!p0 $0x7, v3;
	v5 =	vand.u32 @!p0 $0xFFFFFFE0, v5  }
0x1f7: {  	v3 =	vor.u32 @!p0 v3, v5  }
0x1f8: {  	v3 =	vperm.xlane @!p0 v3, v4;
	_ =	sdelay $0x1  }
0x1f9: {  	v3 =	vadd.s32 @!p0 v6, v3;
	_ =	sdelay $0x3  }
0x1fa: {  	s5 =	simm.s32 @!p0 $0xD700  }
0x1fb: {  	[tilespmem:s5], [sflag:$0x2] =	stream.indirect_vreg.gather @!p0 [hbm4b:s1+s4], $0x80, v3, vm1, $0xb8;
	[tilespmem:$0x1C700] =	vst v63  }
0x1fc: {  	s5 =	simm.s32 @!p0 $0xDF00  }
0x1fd: {  	[tilespmem:s5], [sflag:$0x2] =	stream.indirect_vreg.gather @!p0 [hbm4b:s6+s4], $0x80, v3, vm1, $0xb8;
	[tilespmem:$0x1C700] =	vst v63  }
0x1fe: {  	s7 =	smul.u32 $0x840, s17;
	_ =	swait.ge [sflag:s31], $0x5000  }
0x1ff: {  	[sflag:s31] =	ssyncset.done $0x0  }
0x200: {  	s15 =	sshra.s32 s7, $0x2;
	[sflag:s31] =	ssyncadd.s32 $0xFFFFB000  }
0x201: {  	v33 =	vld [tilespmem:s15+$0x500]  }
0x202: {  	v31 =	vld [tilespmem:s15+$0x510]  }
0x203: {  	v34 =	vld [tilespmem:s15+$0x520]  }
0x204: {  	v29 =	vld [tilespmem:s15+$0x530]  }
0x205: {  	v35 =	vld [tilespmem:s15+$0x540]  }
0x206: {  	s16 =	smul.u32 $0x210, s17;
	v27 =	vld [tilespmem:s15+$0x550]  }
0x207: {  	v32 =	vld [tilespmem:s15+$0x560]  }
0x208: {  	s7 =	sand.u32 $0x3FE0, s16;
	v26 =	vld [tilespmem:s15+$0x570]  }
0x209: {  	v30 =	vld [tilespmem:s7+$0x580]  }
0x20a: {  	v24 =	vld [tilespmem:s15+$0x590]  }
0x20b: {  	v28 =	vld [tilespmem:s15+$0x5A0]  }
0x20c: {  	v22 =	vld [tilespmem:s15+$0x5B0]  }
0x20d: {  	v25 =	vld [tilespmem:s15+$0x5C0]  }
0x20e: {  	v20 =	vld [tilespmem:s15+$0x5D0]  }
0x20f: {  	v23 =	vld [tilespmem:s15+$0x5E0]  }
0x210: {  	v18 =	vld [tilespmem:s15+$0x5F0]  }
0x211: {  	v21 =	vld [tilespmem:s7+$0x600]  }
0x212: {  	v16 =	vld [tilespmem:s15+$0x610]  }
0x213: {  	v19 =	vld [tilespmem:s15+$0x620]  }
0x214: {  	v14 =	vld [tilespmem:s15+$0x630]  }
0x215: {  	v17 =	vld [tilespmem:s15+$0x640]  }
0x216: {  	v12 =	vld [tilespmem:s15+$0x650]  }
0x217: {  	v15 =	vld [tilespmem:s15+$0x660]  }
0x218: {  	v10 =	vld [tilespmem:s15+$0x670]  }
0x219: {  	v13 =	vld [tilespmem:s7+$0x680]  }
0x21a: {  	v7 =	vld [tilespmem:s15+$0x690]  }
0x21b: {  	v11 =	vld [tilespmem:s15+$0x6A0]  }
0x21c: {  	v5 =	vld [tilespmem:s15+$0x6B0]  }
0x21d: {  	v9 =	vld [tilespmem:s15+$0x6C0]  }
0x21e: {  	v4 =	vld [tilespmem:s15+$0x6D0]  }
0x21f: {  	s4 =	simm.s32 $0x0;
	v6 =	vld [tilespmem:s15+$0x6E0]  }
0x220: {  	s0 =	sshll.u32 s17, $0x7;
	s16 =	sand.u32 $0xC00, s4;
	v3 =	vld [tilespmem:s15+$0x6F0];
	s15 =	sand.u32 $0x70, s4  }
0x221: {  	s17 =	sand.u32 $0x300, s0;
	v8 =	vld [tilespmem:s7+$0x700];
	s0 =	sor.u32 s15, s16  }
0x222: {  	s17 =	sadd.s32 s17, s13;
	s5 =	simm.s32 $0x10;
	v36 =	vld [tilespmem:s0+$0xE900]  }
.LBB2_7:
0x223: {  	p0 =	sne.s32 s5, $0x1F0;
	v37 =	vld [tilespmem:s0+$0xE700]  }
0x224: {  	v38 =	vld [tilespmem:s0+$0xE800]  }
0x225: {  	v39 =	vld [tilespmem:s0+$0xE780]  }
0x226: {  	v40 =	vld [tilespmem:s0+$0xE880]  }
0x227: {  	v41 =	vld [tilespmem:s0+$0xEA00]  }
0x228: {  	v42 =	vld [tilespmem:s0+$0xE980]  }
0x229: {  	v37 =	vmul.f32 v37, v33;
	v38 =	vmul.f32 v38, v34;
	v43 =	vld [tilespmem:s0+$0xF700]  }
0x22a: {  	v36 =	vmul.f32 v36, v35;
	v44 =	vld [tilespmem:s0+$0xEA80]  }
0x22b: {  	v39 =	vmul.f32 v39, v31;
	v37 =	vadd.f32 v38, v37;
	v38 =	vld [tilespmem:s0+$0xF800];
	v40 =	vmul.f32 v40, v29  }
0x22c: {  	v41 =	vmul.f32 v41, v32;
	v45 =	vld [tilespmem:s0+$0xF780]  }
0x22d: {  	v36 =	vadd.f32 v36, v37;
	v37 =	vld [tilespmem:s0+$0xF900];
	v39 =	vadd.f32 v40, v39;
	v40 =	vmul.f32 v42, v27  }
0x22e: {  	v42 =	vmul.f32 v43, v30;
	v43 =	vld [tilespmem:s0+$0xF880]  }
0x22f: {  	v36 =	vadd.f32 v41, v36;
	v41 =	vld [tilespmem:s0+$0xFA00];
	v39 =	vadd.f32 v40, v39;
	v40 =	vmul.f32 v44, v26  }
0x230: {  	v38 =	vmul.f32 v38, v28;
	v44 =	vld [tilespmem:s0+$0xF980]  }
0x231: {  	v36 =	vadd.f32 v42, v36;
	v42 =	vld [tilespmem:s0+$0x10700];
	v39 =	vadd.f32 v40, v39;
	v40 =	vmul.f32 v45, v24  }
0x232: {  	v37 =	vmul.f32 v37, v25;
	v45 =	vld [tilespmem:s0+$0xFA80]  }
0x233: {  	v36 =	vadd.f32 v38, v36;
	v38 =	vld [tilespmem:s0+$0x10800];
	v39 =	vadd.f32 v40, v39;
	v40 =	vmul.f32 v43, v22  }
0x234: {  	v41 =	vmul.f32 v41, v23;
	v43 =	vld [tilespmem:s0+$0x10780]  }
0x235: {  	v36 =	vadd.f32 v37, v36;
	v37 =	vld [tilespmem:s0+$0x10900];
	v39 =	vadd.f32 v40, v39;
	v40 =	vmul.f32 v44, v20  }
0x236: {  	v42 =	vmul.f32 v42, v21;
	v44 =	vld [tilespmem:s0+$0x10880]  }
0x237: {  	v36 =	vadd.f32 v41, v36;
	v41 =	vld [tilespmem:s0+$0x10A00];
	v39 =	vadd.f32 v40, v39;
	v40 =	vmul.f32 v45, v18  }
0x238: {  	v38 =	vmul.f32 v38, v19;
	v45 =	vld [tilespmem:s0+$0x10980]  }
0x239: {  	v36 =	vadd.f32 v42, v36;
	v42 =	vld [tilespmem:s0+$0x11700];
	v39 =	vadd.f32 v40, v39;
	v40 =	vmul.f32 v43, v16  }
0x23a: {  	v37 =	vmul.f32 v37, v17;
	v43 =	vld [tilespmem:s0+$0x10A80]  }
0x23b: {  	v36 =	vadd.f32 v38, v36;
	v38 =	vld [tilespmem:s0+$0x11800];
	v39 =	vadd.f32 v40, v39;
	v40 =	vmul.f32 v44, v14  }
0x23c: {  	v41 =	vmul.f32 v41, v15;
	v44 =	vld [tilespmem:s0+$0x11780]  }
0x23d: {  	v36 =	vadd.f32 v37, v36;
	v37 =	vld [tilespmem:s0+$0x11900];
	v39 =	vadd.f32 v40, v39;
	v40 =	vmul.f32 v45, v12  }
0x23e: {  	v42 =	vmul.f32 v42, v13;
	v45 =	vld [tilespmem:s0+$0x11880]  }
0x23f: {  	v36 =	vadd.f32 v41, v36;
	v41 =	vld [tilespmem:s0+$0x11A00];
	v39 =	vadd.f32 v40, v39;
	v40 =	vmul.f32 v43, v10  }
0x240: {  	v38 =	vmul.f32 v38, v11;
	v43 =	vld [tilespmem:s0+$0x11980]  }
0x241: {  	v36 =	vadd.f32 v42, v36;
	v42 =	vld [tilespmem:s0+$0x12700];
	v39 =	vadd.f32 v40, v39;
	v40 =	vmul.f32 v44, v7  }
0x242: {  	v37 =	vmul.f32 v37, v9;
	v44 =	vld [tilespmem:s0+$0x11A80]  }
0x243: {  	v36 =	vadd.f32 v38, v36;
	v38 =	vadd.f32 v40, v39;
	v39 =	vmul.f32 v45, v5  }
0x244: {  	v40 =	vmul.f32 v41, v6  }
0x245: {  	v36 =	vadd.f32 v37, v36;
	v37 =	vadd.f32 v39, v38;
	v38 =	vmul.f32 v43, v4  }
0x246: {  	v39 =	vmul.f32 v42, v8  }
0x247: {  	v36 =	vadd.f32 v40, v36;
	v37 =	vadd.f32 v38, v37;
	v38 =	vmul.f32 v44, v3;
	_ =	sdelay $0x1  }
0x248: {  	v36 =	vadd.f32 v39, v36;
	v37 =	vadd.f32 v38, v37  }
.Ltmp2:
0x249: {  	(pc) =	sbr.rel @p0 .LBB2_7-.Ltmp2, $4  }
0x24a: {  	s4 =	sadd.s32 $0x80, s4;
	s0 =	sadd.s32 s16, s17;
	v36 =	vadd.f32 v37, v36  }
0x24b: {  	s16 =	sand.u32 $0xC00, s4;
	s7 =	sadd.s32 s15, s0;
	s15 =	sand.u32 $0x70, s5  }
0x24c: {  	s0 =	sor.u32 s15, s16;
	[tilespmem:s7+$0x0] =	vst v36  }
0x24d: {  	s5 =	sadd.s32 $0x10, s5;
	v36 =	vld [tilespmem:s0+$0xE900]  }
0x24e: {  	v37 =	vld [tilespmem:s0+$0xE700]  }
0x24f: {  	v38 =	vld [tilespmem:s0+$0xE800]  }
0x250: {  	v39 =	vld [tilespmem:s0+$0xE780]  }
0x251: {  	v40 =	vld [tilespmem:s0+$0xE880]  }
0x252: {  	v41 =	vld [tilespmem:s0+$0xEA00]  }
0x253: {  	v42 =	vld [tilespmem:s0+$0xE980]  }
0x254: {  	v57 =	vld [tilespmem:s0+$0xF700];
	v33 =	vmul.f32 v37, v33;
	v34 =	vmul.f32 v38, v34  }
0x255: {  	v58 =	vld [tilespmem:s0+$0xEA80];
	v35 =	vmul.f32 v36, v35  }
0x256: {  	v59 =	vld [tilespmem:s0+$0xF800];
	v31 =	vmul.f32 v39, v31;
	v29 =	vmul.f32 v40, v29;
	v33 =	vadd.f32 v34, v33  }
0x257: {  	v60 =	vld [tilespmem:s0+$0xF780];
	v32 =	vmul.f32 v41, v32  }
0x258: {  	v61 =	vld [tilespmem:s0+$0xF900];
	v27 =	vmul.f32 v42, v27;
	v29 =	vadd.f32 v29, v31;
	v33 =	vadd.f32 v35, v33  }
0x259: {  	v30 =	vmul.f32 v57, v30;
	v31 =	vld [tilespmem:s0+$0xF880]  }
0x25a: {  	v62 =	vld [tilespmem:s0+$0xFA00];
	v26 =	vmul.f32 v58, v26;
	v27 =	vadd.f32 v27, v29;
	v32 =	vadd.f32 v32, v33  }
0x25b: {  	v28 =	vmul.f32 v59, v28;
	v29 =	vld [tilespmem:s0+$0xF980]  }
0x25c: {  	v63 =	vld [tilespmem:s0+$0x10700];
	v24 =	vmul.f32 v60, v24;
	v26 =	vadd.f32 v26, v27;
	v30 =	vadd.f32 v30, v32  }
0x25d: {  	v25 =	vmul.f32 v61, v25;
	v27 =	vld [tilespmem:s0+$0xFA80]  }
0x25e: {  	v22 =	vmul.f32 v31, v22;
	v24 =	vadd.f32 v24, v26;
	v26 =	vld [tilespmem:s0+$0x10780];
	v28 =	vadd.f32 v28, v30  }
0x25f: {  	v23 =	vmul.f32 v62, v23;
	v30 =	vld [tilespmem:s0+$0x10800]  }
0x260: {  	v20 =	vmul.f32 v29, v20;
	v22 =	vadd.f32 v22, v24;
	v24 =	vld [tilespmem:s0+$0x10880];
	v25 =	vadd.f32 v25, v28  }
0x261: {  	v21 =	vmul.f32 v63, v21;
	v28 =	vld [tilespmem:s0+$0x10900]  }
0x262: {  	v18 =	vmul.f32 v27, v18;
	v20 =	vadd.f32 v20, v22;
	v22 =	vld [tilespmem:s0+$0x10980];
	v23 =	vadd.f32 v23, v25  }
0x263: {  	v16 =	vmul.f32 v26, v16;
	v25 =	vld [tilespmem:s0+$0x10A00]  }
0x264: {  	v18 =	vadd.f32 v18, v20;
	v20 =	vld [tilespmem:s0+$0x10A80];
	v19 =	vmul.f32 v30, v19;
	v21 =	vadd.f32 v21, v23  }
0x265: {  	v14 =	vmul.f32 v24, v14;
	v23 =	vld [tilespmem:s0+$0x11700]  }
0x266: {  	v16 =	vadd.f32 v16, v18;
	v18 =	vld [tilespmem:s0+$0x11780];
	v17 =	vmul.f32 v28, v17;
	v19 =	vadd.f32 v19, v21  }
0x267: {  	v12 =	vmul.f32 v22, v12;
	v21 =	vld [tilespmem:s0+$0x11800]  }
0x268: {  	v14 =	vadd.f32 v14, v16;
	v16 =	vld [tilespmem:s0+$0x11880];
	v15 =	vmul.f32 v25, v15;
	v17 =	vadd.f32 v17, v19  }
0x269: {  	v10 =	vmul.f32 v20, v10;
	v19 =	vld [tilespmem:s0+$0x11900]  }
0x26a: {  	v12 =	vadd.f32 v12, v14;
	v14 =	vld [tilespmem:s0+$0x11980];
	v13 =	vmul.f32 v23, v13;
	v15 =	vadd.f32 v15, v17  }
0x26b: {  	v7 =	vmul.f32 v18, v7;
	v17 =	vld [tilespmem:s0+$0x11A00]  }
0x26c: {  	v10 =	vadd.f32 v10, v12;
	v12 =	vld [tilespmem:s0+$0x11A80];
	v11 =	vmul.f32 v21, v11;
	v13 =	vadd.f32 v13, v15  }
0x26d: {  	v5 =	vmul.f32 v16, v5;
	v15 =	vld [tilespmem:s0+$0x12700]  }
0x26e: {  	v7 =	vadd.f32 v7, v10;
	v9 =	vmul.f32 v19, v9;
	v11 =	vadd.f32 v11, v13  }
0x26f: {  	v4 =	vmul.f32 v14, v4  }
0x270: {  	v5 =	vadd.f32 v5, v7;
	v6 =	vmul.f32 v17, v6;
	v9 =	vadd.f32 v9, v11  }
0x271: {  	v3 =	vmul.f32 v12, v3  }
0x272: {  	v4 =	vadd.f32 v4, v5;
	v7 =	vmul.f32 v15, v8;
	v6 =	vadd.f32 v6, v9;
	_ =	sdelay $0x1  }
0x273: {  	v3 =	vadd.f32 v3, v4;
	v5 =	vadd.f32 v7, v6;
	_ =	sdelay $0x1  }
0x274: {  	s16 =	sadd.s32 s16, s17;
	v3 =	vadd.f32 v3, v5  }
0x275: {  	s17 =	sor.u32 $0x3, s14;
	s4 =	sadd.s32 s15, s16  }
0x276: {  	p0 =	sgt.u32 s17, $0x1C;
	[tilespmem:s4+$0x0] =	vst v3  }
0x277: {  	v3 =	vld @!p0 [tilespmem:s12+$0xF0];
	_ =	sdelay $0x4  }
0x278: {  	v4 =	vshll.u32 @!p0 v3, $0x2  }
0x279: {  	v5 =	vlaneseq.u32 @!p0;
	v3 =	vand.u32 @!p0 $0x7, v3;
	v4 =	vand.u32 @!p0 $0xFFFFFFE0, v4  }
0x27a: {  	v6 =	vshrl.u32 @!p0 v5, $0x3;
	v3 =	vor.u32 @!p0 v3, v4;
	v4 =	vand.u32 @!p0 $0x7, v5  }
0x27b: {  	v6 =	vmul.u32 @!p0 $0x8, v6;
	v7 =	vperm.xlane @!p0 v3, v4;
	_ =	sdelay $0x1  }
0x27c: {  	v7 =	vadd.s32 @!p0 v6, v7  }
0x27d: {  	v5 =	vor.u32 @!p0 $0x8, v5  }
0x27e: {  	v3 =	vperm.xlane @!p0 v3, v5;
	_ =	sdelay $0x1  }
0x27f: {  	vm1 =	vmmov @!p0 $0xffff;
	s5 =	simm.s32 @!p0 $0xE700;
	s4 =	simm.s32 @!p0 $0x0;
	v3 =	vadd.s32 @!p0 v6, v3  }
0x280: {  	[tilespmem:s5], [sflag:$0x3] =	stream.indirect_vreg.gather @!p0 [hbm4b:s1+s4], $0x80, v7, vm1, $0xb8;
	[tilespmem:$0x1C700] =	vst v63  }
0x281: {  	s5 =	simm.s32 @!p0 $0xEF00  }
0x282: {  	[tilespmem:s5], [sflag:$0x3] =	stream.indirect_vreg.gather @!p0 [hbm4b:s6+s4], $0x80, v7, vm1, $0xb8;
	[tilespmem:$0x1C700] =	vst v63  }
0x283: {  	s5 =	simm.s32 @!p0 $0xF700  }
0x284: {  	[tilespmem:s5], [sflag:$0x3] =	stream.indirect_vreg.gather @!p0 [hbm4b:s1+s4], $0x80, v3, vm1, $0xb8;
	[tilespmem:$0x1C700] =	vst v63  }
0x285: {  	s5 =	simm.s32 @!p0 $0xFF00  }
0x286: {  	[tilespmem:s5], [sflag:$0x3] =	stream.indirect_vreg.gather @!p0 [hbm4b:s6+s4], $0x80, v3, vm1, $0xb8;
	[tilespmem:$0x1C700] =	vst v63  }
0x287: {  	v3 =	vld @!p0 [tilespmem:s12+$0x100];
	_ =	sdelay $0x4  }
0x288: {  	v7 =	vshll.u32 @!p0 v3, $0x2  }
0x289: {  	v3 =	vand.u32 @!p0 $0x7, v3;
	v7 =	vand.u32 @!p0 $0xFFFFFFE0, v7  }
0x28a: {  	v3 =	vor.u32 @!p0 v3, v7  }
0x28b: {  	v7 =	vperm.xlane @!p0 v3, v4;
	_ =	sdelay $0x1  }
0x28c: {  	v7 =	vadd.s32 @!p0 v6, v7;
	_ =	sdelay $0x1  }
0x28d: {  	v3 =	vperm.xlane @!p0 v3, v5;
	_ =	sdelay $0x1  }
0x28e: {  	s5 =	simm.s32 @!p0 $0x10700;
	v3 =	vadd.s32 @!p0 v6, v3  }
0x28f: {  	[tilespmem:s5], [sflag:$0x3] =	stream.indirect_vreg.gather @!p0 [hbm4b:s1+s4], $0x80, v7, vm1, $0xb8;
	[tilespmem:$0x1C700] =	vst v63  }
0x290: {  	s5 =	simm.s32 @!p0 $0x10F00  }
0x291: {  	[tilespmem:s5], [sflag:$0x3] =	stream.indirect_vreg.gather @!p0 [hbm4b:s6+s4], $0x80, v7, vm1, $0xb8;
	[tilespmem:$0x1C700] =	vst v63  }
0x292: {  	s5 =	simm.s32 @!p0 $0x11700  }
0x293: {  	[tilespmem:s5], [sflag:$0x3] =	stream.indirect_vreg.gather @!p0 [hbm4b:s1+s4], $0x80, v3, vm1, $0xb8;
	[tilespmem:$0x1C700] =	vst v63  }
0x294: {  	s5 =	simm.s32 @!p0 $0x11F00  }
0x295: {  	[tilespmem:s5], [sflag:$0x3] =	stream.indirect_vreg.gather @!p0 [hbm4b:s6+s4], $0x80, v3, vm1, $0xb8;
	[tilespmem:$0x1C700] =	vst v63  }
0x296: {  	v3 =	vld.msk @!p0 [tilespmem:s12+$0x110], $0xff;
	_ =	sdelay $0x4  }
0x297: {  	v5 =	vshll.u32 @!p0 v3, $0x2  }
0x298: {  	v3 =	vand.u32 @!p0 $0x7, v3;
	v5 =	vand.u32 @!p0 $0xFFFFFFE0, v5  }
0x299: {  	v3 =	vor.u32 @!p0 v3, v5  }
0x29a: {  	v3 =	vperm.xlane @!p0 v3, v4;
	_ =	sdelay $0x1  }
0x29b: {  	v3 =	vadd.s32 @!p0 v6, v3;
	_ =	sdelay $0x3  }
0x29c: {  	s5 =	simm.s32 @!p0 $0x12700  }
0x29d: {  	[tilespmem:s5], [sflag:$0x3] =	stream.indirect_vreg.gather @!p0 [hbm4b:s1+s4], $0x80, v3, vm1, $0xb8;
	[tilespmem:$0x1C700] =	vst v63  }
0x29e: {  	s5 =	simm.s32 @!p0 $0x12F00  }
0x29f: {  	[tilespmem:s5], [sflag:$0x3] =	stream.indirect_vreg.gather @!p0 [hbm4b:s6+s4], $0x80, v3, vm1, $0xb8;
	[tilespmem:$0x1C700] =	vst v63  }
0x2a0: {  	s14 =	smul.u32 $0x840, s17;
	_ =	swait.ge [sflag:s2], $0x5000  }
0x2a1: {  	[sflag:s2] =	ssyncset.done $0x0  }
0x2a2: {  	s15 =	sshra.s32 s14, $0x2;
	[sflag:s2] =	ssyncadd.s32 $0xFFFFB000  }
0x2a3: {  	v33 =	vld [tilespmem:s15+$0x500]  }
0x2a4: {  	v31 =	vld [tilespmem:s15+$0x510]  }
0x2a5: {  	v34 =	vld [tilespmem:s15+$0x520]  }
0x2a6: {  	v29 =	vld [tilespmem:s15+$0x530]  }
0x2a7: {  	v35 =	vld [tilespmem:s15+$0x540]  }
0x2a8: {  	s16 =	smul.u32 $0x210, s17;
	v27 =	vld [tilespmem:s15+$0x550]  }
0x2a9: {  	v32 =	vld [tilespmem:s15+$0x560]  }
0x2aa: {  	s7 =	sand.u32 $0x3FF0, s16;
	v26 =	vld [tilespmem:s15+$0x570]  }
0x2ab: {  	v30 =	vld [tilespmem:s7+$0x580]  }
0x2ac: {  	v24 =	vld [tilespmem:s15+$0x590]  }
0x2ad: {  	v28 =	vld [tilespmem:s15+$0x5A0]  }
0x2ae: {  	v22 =	vld [tilespmem:s15+$0x5B0]  }
0x2af: {  	v25 =	vld [tilespmem:s15+$0x5C0]  }
0x2b0: {  	v20 =	vld [tilespmem:s15+$0x5D0]  }
0x2b1: {  	v23 =	vld [tilespmem:s15+$0x5E0]  }
0x2b2: {  	v18 =	vld [tilespmem:s15+$0x5F0]  }
0x2b3: {  	v21 =	vld [tilespmem:s7+$0x600]  }
0x2b4: {  	v16 =	vld [tilespmem:s15+$0x610]  }
0x2b5: {  	v19 =	vld [tilespmem:s15+$0x620]  }
0x2b6: {  	v14 =	vld [tilespmem:s15+$0x630]  }
0x2b7: {  	v17 =	vld [tilespmem:s15+$0x640]  }
0x2b8: {  	v12 =	vld [tilespmem:s15+$0x650]  }
0x2b9: {  	v15 =	vld [tilespmem:s15+$0x660]  }
0x2ba: {  	v10 =	vld [tilespmem:s15+$0x670]  }
0x2bb: {  	v13 =	vld [tilespmem:s7+$0x680]  }
0x2bc: {  	v7 =	vld [tilespmem:s15+$0x690]  }
0x2bd: {  	v11 =	vld [tilespmem:s15+$0x6A0]  }
0x2be: {  	v5 =	vld [tilespmem:s15+$0x6B0]  }
0x2bf: {  	v9 =	vld [tilespmem:s15+$0x6C0]  }
0x2c0: {  	v4 =	vld [tilespmem:s15+$0x6D0]  }
0x2c1: {  	s4 =	simm.s32 $0x0;
	v6 =	vld [tilespmem:s15+$0x6E0]  }
0x2c2: {  	s0 =	sshll.u32 s17, $0x7;
	s12 =	sand.u32 $0x70, s4;
	s14 =	sand.u32 $0xC00, s4;
	v3 =	vld [tilespmem:s15+$0x6F0]  }
0x2c3: {  	s17 =	sand.u32 $0x380, s0;
	s0 =	sor.u32 s12, s14;
	v8 =	vld [tilespmem:s7+$0x700]  }
0x2c4: {  	s13 =	sadd.s32 s17, s13;
	s5 =	simm.s32 $0x10;
	v36 =	vld [tilespmem:s0+$0x13900]  }
.LBB2_9:
0x2c5: {  	p0 =	sne.s32 s5, $0x1F0;
	v37 =	vld [tilespmem:s0+$0x13700]  }
0x2c6: {  	v38 =	vld [tilespmem:s0+$0x13800]  }
0x2c7: {  	v39 =	vld [tilespmem:s0+$0x13780]  }
0x2c8: {  	v40 =	vld [tilespmem:s0+$0x13880]  }
0x2c9: {  	v41 =	vld [tilespmem:s0+$0x13A00]  }
0x2ca: {  	v42 =	vld [tilespmem:s0+$0x13980]  }
0x2cb: {  	v37 =	vmul.f32 v37, v33;
	v38 =	vmul.f32 v38, v34;
	v43 =	vld [tilespmem:s0+$0x14700]  }
0x2cc: {  	v36 =	vmul.f32 v36, v35;
	v44 =	vld [tilespmem:s0+$0x13A80]  }
0x2cd: {  	v39 =	vmul.f32 v39, v31;
	v37 =	vadd.f32 v38, v37;
	v38 =	vld [tilespmem:s0+$0x14800];
	v40 =	vmul.f32 v40, v29  }
0x2ce: {  	v41 =	vmul.f32 v41, v32;
	v45 =	vld [tilespmem:s0+$0x14780]  }
0x2cf: {  	v36 =	vadd.f32 v36, v37;
	v37 =	vld [tilespmem:s0+$0x14900];
	v39 =	vadd.f32 v40, v39;
	v40 =	vmul.f32 v42, v27  }
0x2d0: {  	v42 =	vmul.f32 v43, v30;
	v43 =	vld [tilespmem:s0+$0x14880]  }
0x2d1: {  	v36 =	vadd.f32 v41, v36;
	v41 =	vld [tilespmem:s0+$0x14A00];
	v39 =	vadd.f32 v40, v39;
	v40 =	vmul.f32 v44, v26  }
0x2d2: {  	v38 =	vmul.f32 v38, v28;
	v44 =	vld [tilespmem:s0+$0x14980]  }
0x2d3: {  	v36 =	vadd.f32 v42, v36;
	v42 =	vld [tilespmem:s0+$0x15700];
	v39 =	vadd.f32 v40, v39;
	v40 =	vmul.f32 v45, v24  }
0x2d4: {  	v37 =	vmul.f32 v37, v25;
	v45 =	vld [tilespmem:s0+$0x14A80]  }
0x2d5: {  	v36 =	vadd.f32 v38, v36;
	v38 =	vld [tilespmem:s0+$0x15800];
	v39 =	vadd.f32 v40, v39;
	v40 =	vmul.f32 v43, v22  }
0x2d6: {  	v41 =	vmul.f32 v41, v23;
	v43 =	vld [tilespmem:s0+$0x15780]  }
0x2d7: {  	v36 =	vadd.f32 v37, v36;
	v37 =	vld [tilespmem:s0+$0x15900];
	v39 =	vadd.f32 v40, v39;
	v40 =	vmul.f32 v44, v20  }
0x2d8: {  	v42 =	vmul.f32 v42, v21;
	v44 =	vld [tilespmem:s0+$0x15880]  }
0x2d9: {  	v36 =	vadd.f32 v41, v36;
	v41 =	vld [tilespmem:s0+$0x15A00];
	v39 =	vadd.f32 v40, v39;
	v40 =	vmul.f32 v45, v18  }
0x2da: {  	v38 =	vmul.f32 v38, v19;
	v45 =	vld [tilespmem:s0+$0x15980]  }
0x2db: {  	v36 =	vadd.f32 v42, v36;
	v42 =	vld [tilespmem:s0+$0x16700];
	v39 =	vadd.f32 v40, v39;
	v40 =	vmul.f32 v43, v16  }
0x2dc: {  	v37 =	vmul.f32 v37, v17;
	v43 =	vld [tilespmem:s0+$0x15A80]  }
0x2dd: {  	v36 =	vadd.f32 v38, v36;
	v38 =	vld [tilespmem:s0+$0x16800];
	v39 =	vadd.f32 v40, v39;
	v40 =	vmul.f32 v44, v14  }
0x2de: {  	v41 =	vmul.f32 v41, v15;
	v44 =	vld [tilespmem:s0+$0x16780]  }
0x2df: {  	v36 =	vadd.f32 v37, v36;
	v37 =	vld [tilespmem:s0+$0x16900];
	v39 =	vadd.f32 v40, v39;
	v40 =	vmul.f32 v45, v12  }
0x2e0: {  	v42 =	vmul.f32 v42, v13;
	v45 =	vld [tilespmem:s0+$0x16880]  }
0x2e1: {  	v36 =	vadd.f32 v41, v36;
	v41 =	vld [tilespmem:s0+$0x16A00];
	v39 =	vadd.f32 v40, v39;
	v40 =	vmul.f32 v43, v10  }
0x2e2: {  	v38 =	vmul.f32 v38, v11;
	v43 =	vld [tilespmem:s0+$0x16980]  }
0x2e3: {  	v36 =	vadd.f32 v42, v36;
	v42 =	vld [tilespmem:s0+$0x17700];
	v39 =	vadd.f32 v40, v39;
	v40 =	vmul.f32 v44, v7  }
0x2e4: {  	v37 =	vmul.f32 v37, v9;
	v44 =	vld [tilespmem:s0+$0x16A80]  }
0x2e5: {  	v36 =	vadd.f32 v38, v36;
	v38 =	vadd.f32 v40, v39;
	v39 =	vmul.f32 v45, v5  }
0x2e6: {  	v40 =	vmul.f32 v41, v6  }
0x2e7: {  	v36 =	vadd.f32 v37, v36;
	v37 =	vadd.f32 v39, v38;
	v38 =	vmul.f32 v43, v4  }
0x2e8: {  	v39 =	vmul.f32 v42, v8  }
0x2e9: {  	v36 =	vadd.f32 v40, v36;
	v37 =	vadd.f32 v38, v37;
	v38 =	vmul.f32 v44, v3;
	_ =	sdelay $0x1  }
0x2ea: {  	v36 =	vadd.f32 v39, v36;
	v37 =	vadd.f32 v38, v37  }
.Ltmp3:
0x2eb: {  	(pc) =	sbr.rel @p0 .LBB2_9-.Ltmp3, $4  }
0x2ec: {  	s4 =	sadd.s32 $0x80, s4;
	s0 =	sadd.s32 s14, s13;
	v36 =	vadd.f32 v37, v36  }
0x2ed: {  	s14 =	sand.u32 $0xC00, s4;
	s7 =	sadd.s32 s12, s0;
	s12 =	sand.u32 $0x70, s5  }
0x2ee: {  	s0 =	sor.u32 s12, s14;
	[tilespmem:s7+$0x0] =	vst v36  }
0x2ef: {  	s5 =	sadd.s32 $0x10, s5;
	v36 =	vld [tilespmem:s0+$0x13900]  }
0x2f0: {  	v37 =	vld [tilespmem:s0+$0x13700]  }
0x2f1: {  	v38 =	vld [tilespmem:s0+$0x13800]  }
0x2f2: {  	v39 =	vld [tilespmem:s0+$0x13780]  }
0x2f3: {  	v40 =	vld [tilespmem:s0+$0x13880]  }
0x2f4: {  	v41 =	vld [tilespmem:s0+$0x13A00]  }
0x2f5: {  	v42 =	vld [tilespmem:s0+$0x13980]  }
0x2f6: {  	v60 =	vld [tilespmem:s0+$0x14700];
	v33 =	vmul.f32 v37, v33;
	v34 =	vmul.f32 v38, v34  }
0x2f7: {  	v61 =	vld [tilespmem:s0+$0x13A80];
	v35 =	vmul.f32 v36, v35  }
0x2f8: {  	v62 =	vld [tilespmem:s0+$0x14800];
	v31 =	vmul.f32 v39, v31;
	v29 =	vmul.f32 v40, v29;
	v33 =	vadd.f32 v34, v33  }
0x2f9: {  	v63 =	vld [tilespmem:s0+$0x14780];
	v32 =	vmul.f32 v41, v32  }
0x2fa: {  	v40 =	vld [tilespmem:s0+$0x14900];
	v27 =	vmul.f32 v42, v27;
	v29 =	vadd.f32 v29, v31;
	v33 =	vadd.f32 v35, v33  }
0x2fb: {  	v30 =	vmul.f32 v60, v30;
	v41 =	vld [tilespmem:s0+$0x14880]  }
0x2fc: {  	v43 =	vld [tilespmem:s0+$0x14980];
	v26 =	vmul.f32 v61, v26;
	v27 =	vadd.f32 v27, v29;
	v32 =	vadd.f32 v32, v33  }
0x2fd: {  	v42 =	vld [tilespmem:s0+$0x14A00];
	v28 =	vmul.f32 v62, v28  }
0x2fe: {  	v44 =	vld [tilespmem:s0+$0x15700];
	v24 =	vmul.f32 v63, v24;
	v26 =	vadd.f32 v26, v27;
	v30 =	vadd.f32 v30, v32  }
0x2ff: {  	v45 =	vld [tilespmem:s0+$0x14A80];
	v25 =	vmul.f32 v40, v25  }
0x300: {  	v46 =	vld [tilespmem:s0+$0x15800];
	v22 =	vmul.f32 v41, v22;
	v24 =	vadd.f32 v24, v26;
	v28 =	vadd.f32 v28, v30  }
0x301: {  	v47 =	vld [tilespmem:s0+$0x15780];
	v20 =	vmul.f32 v43, v20  }
0x302: {  	v48 =	vld [tilespmem:s0+$0x15900];
	v23 =	vmul.f32 v42, v23;
	v22 =	vadd.f32 v22, v24;
	v25 =	vadd.f32 v25, v28  }
0x303: {  	v49 =	vld [tilespmem:s0+$0x15880];
	v21 =	vmul.f32 v44, v21  }
0x304: {  	v50 =	vld [tilespmem:s0+$0x15A00];
	v18 =	vmul.f32 v45, v18;
	v20 =	vadd.f32 v20, v22;
	v23 =	vadd.f32 v23, v25  }
0x305: {  	v51 =	vld [tilespmem:s0+$0x15980];
	v19 =	vmul.f32 v46, v19  }
0x306: {  	v52 =	vld [tilespmem:s0+$0x16700];
	v16 =	vmul.f32 v47, v16;
	v18 =	vadd.f32 v18, v20;
	v21 =	vadd.f32 v21, v23  }
0x307: {  	v53 =	vld [tilespmem:s0+$0x15A80];
	v17 =	vmul.f32 v48, v17  }
0x308: {  	v54 =	vld [tilespmem:s0+$0x16800];
	v14 =	vmul.f32 v49, v14;
	v16 =	vadd.f32 v16, v18;
	v19 =	vadd.f32 v19, v21  }
0x309: {  	v55 =	vld [tilespmem:s0+$0x16780];
	v15 =	vmul.f32 v50, v15  }
0x30a: {  	v56 =	vld [tilespmem:s0+$0x16900];
	v12 =	vmul.f32 v51, v12;
	v14 =	vadd.f32 v14, v16;
	v17 =	vadd.f32 v17, v19  }
0x30b: {  	v57 =	vld [tilespmem:s0+$0x16880];
	v13 =	vmul.f32 v52, v13  }
0x30c: {  	v58 =	vld [tilespmem:s0+$0x16A00];
	v10 =	vmul.f32 v53, v10;
	v12 =	vadd.f32 v12, v14;
	v15 =	vadd.f32 v15, v17  }
0x30d: {  	v59 =	vld [tilespmem:s0+$0x16980];
	v11 =	vmul.f32 v54, v11  }
0x30e: {  	v60 =	vld [tilespmem:s0+$0x17700];
	v7 =	vmul.f32 v55, v7;
	v10 =	vadd.f32 v10, v12;
	v13 =	vadd.f32 v13, v15  }
0x30f: {  	v9 =	vmul.f32 v56, v9;
	v61 =	vld [tilespmem:s0+$0x16A80]  }
0x310: {  	v5 =	vmul.f32 v57, v5;
	v7 =	vadd.f32 v7, v10;
	v11 =	vadd.f32 v11, v13  }
0x311: {  	v6 =	vmul.f32 v58, v6  }
0x312: {  	v4 =	vmul.f32 v59, v4;
	v5 =	vadd.f32 v5, v7;
	v9 =	vadd.f32 v9, v11  }
0x313: {  	v62 =	vmul.f32 v60, v8  }
0x314: {  	s11 =	sadd.s32 $0x1, s11;
	v3 =	vmul.f32 v61, v3;
	v4 =	vadd.f32 v4, v5;
	v6 =	vadd.f32 v6, v9  }
0x315: {  	p0 =	sne.s32 s11, $0x8  }
.Ltmp4:
0x316: {  	v3 =	vadd.f32 v3, v4;
	v63 =	vadd.f32 v62, v6;
	(pc) =	sbr.rel @p0 .LBB2_2-.Ltmp4, $4  }
0x317: {  	_ = 	snop  }
0x318: {  	s17 =	sadd.s32 s14, s13;
	v3 =	vadd.f32 v3, v63  }
0x319: {  	s0 =	sadd.s32 s12, s17  }
0x31a: {  	[tilespmem:s0+$0x0] =	vst v3  }
0x31b: {  	s10 =	sadd.s32 $0x1, s10  }
0x31c: {  	p0 =	sne.s32 s10, s8  }
.Ltmp5:
0x31d: {  	s0 =	rddreg [dreg:$0x6];
	s4 =	simm.s32 $0x18700;
	(pc) =	sbr.rel @p0 .LBB2_1-.Ltmp5, $4  }
0x31e: {  	[hbm4b:s0+s3] =	stream.linear.scatter [tilespmem:s4], [sflag:$0x5], $0x4000, $0x38;
	[tilespmem:$0x1C700] =	vst v63  }
0x31f: {  	_ =	swait.ge [sflag:s9], $0x4000  }
0x320: {  	[sflag:s9] =	ssyncset.done $0x0  }
0x321: {  	[sflag:s9] =	ssyncadd.s32 $0xFFFFC000  }
0x322: {  	_ =	sfence.sel $0x180000  }
0x323: {  	[bflag:$0x0] =	sbarrier.arrive $0xFFFF  }
0x324: {  	_ =	strace $0x90000047  }
0x325: {  	s0 =	stileid.u32;
	[bflag:$0x2] =	sbarrier.arrive $0xFFFF  }
0x326: {  	p0 =	sne.s32 s0, $0x0;
	s0 =	rddreg [dreg:$0x3]  }
0x327: {  	s0 =	sadd.s32 @!p0 $0x100000, s0  }
0x328: {  	[sflag:s0] =	ssyncadd.tile.s32 @!p0 $0x1;
	_ =	shalt  }
.Lfunc_end2:
_tile_overlayer_lowered:
.L_overlay_start_2:
0x329: {  	(tag) =	ssettag $0x2  }
0x32a: {  	s0 =	rddreg [dreg:$0x0];
	s2 =	stileid.u32  }
0x32b: {  	s1 =	rddreg [dreg:$0x1];
	p0 =	sne.s32 s2, $0x0  }
0x32c: {  	s3 =	rddreg [dreg:$0x2];
	[bflag:$0x3] =	sbarrier.arrive $0xFFFF;
	s2 =	simm.s32 @!p0 $0x1C05  }
0x32d: {  	[timem:s3], [sflag:s2] =	dma.local @!p0 [hbm:s0], s1  }
0x32e: {  	s0 =	simm.s32 @!p0 $0x5  }
0x32f: {  	_ =	swait.ge @!p0 [sflag:s0], s1  }
0x330: {  	s1 =	ssub.s32 @!p0 $0x0, s1;
	[sflag:s0] =	ssyncset.done @!p0 $0x0  }
0x331: {  	[sflag:s0] =	ssyncadd.s32 @!p0 s1  }
0x332: {  	[bflag:$0x3] =	sbarrier.arrive $0xFFFF  }
0x333: {  	_ =	shalt  }

</sc_bundles>
